<compile_context>
chip_gen: v7x
topology: tpu7x:2x2x1
jax: 0.10.2.dev20260603
libtpu: 0.0.44.dev20260713+nightly
codegen_flags: <defaults>
</compile_context>

<pallas_src>
import jax
import jax.numpy as jnp
from jax.experimental import pallas as pl

N = 10000
E = 320000
D = 128
ASSIGN_DIM = 1250
BATCH = 50
NPG = N // BATCH
CPG = ASSIGN_DIM // BATCH


def _fused_graphsage_kernel(x_ref, c_ref, wf_ref, bf_ref, wp_ref, bp_ref,
                            feat_ref, s_ref):
    g = pl.program_id(0)
    x = x_ref[...]
    c = c_ref[...]
    wf = wf_ref[...]
    wp = wp_ref[...]

    fp = (jnp.dot(x, wf[:D], preferred_element_type=jnp.float32)
          + jnp.dot(c, wf[D:], preferred_element_type=jnp.float32)
          + bf_ref[...])
    fn = jnp.sqrt(jnp.sum(fp * fp, axis=1, keepdims=True))
    feat_ref[...] = jnp.maximum(fp / jnp.maximum(fn, 1e-12), 0.0)

    ap = (jnp.dot(x, wp[:D], preferred_element_type=jnp.float32)
          + jnp.dot(c, wp[D:], preferred_element_type=jnp.float32)
          + bp_ref[...])
    an = jnp.sqrt(jnp.sum(ap * ap, axis=1, keepdims=True))
    a = jnp.maximum(ap / jnp.maximum(an, 1e-12), 0.0)

    cols = jax.lax.broadcasted_iota(jnp.int32, (ASSIGN_DIM, CPG), 0)
    ks = jax.lax.broadcasted_iota(jnp.int32, (ASSIGN_DIM, CPG), 1)
    sel = (cols == g * CPG + ks).astype(jnp.float32)
    ab = jnp.dot(a, sel, preferred_element_type=jnp.float32)

    m = jnp.max(ab, axis=1, keepdims=True)
    eb = jnp.exp(ab - m)
    sb = jnp.sum(eb, axis=1, keepdims=True)
    z = sb + (ASSIGN_DIM - CPG) * jnp.exp(-m)
    s_ref[...] = eb / (sb + 1e-13 * z)


def _pool_kernel(s_ref, feat_ref, as_ref, h_ref, adj_ref):
    s = s_ref[...]
    st_feat = jax.lax.dot_general(
        s, feat_ref[...], (((0,), (0,)), ((), ())),
        preferred_element_type=jnp.float32)
    h_ref[...] = st_feat[None]
    adj_ref[...] = jax.lax.dot_general(
        s, as_ref[...], (((0,), (0,)), ((), ())),
        preferred_element_type=jnp.float32)[None]


def kernel(x, edge_index, W_feat, b_feat, W_pool, b_pool):
    src = edge_index[0]
    dst = edge_index[1]

    msg = jax.ops.segment_sum(x[src], dst, num_segments=N)
    deg = jax.ops.segment_sum(jnp.ones((E,), x.dtype), dst, num_segments=N)
    c = msg / jnp.maximum(deg, 1.0)[:, None]

    feat, s_c = pl.pallas_call(
        _fused_graphsage_kernel,
        grid=(BATCH,),
        in_specs=[
            pl.BlockSpec((NPG, D), lambda g: (g, 0)),
            pl.BlockSpec((NPG, D), lambda g: (g, 0)),
            pl.BlockSpec((2 * D, D), lambda g: (0, 0)),
            pl.BlockSpec((1, D), lambda g: (0, 0)),
            pl.BlockSpec((2 * D, ASSIGN_DIM), lambda g: (0, 0)),
            pl.BlockSpec((1, ASSIGN_DIM), lambda g: (0, 0)),
        ],
        out_specs=[
            pl.BlockSpec((NPG, D), lambda g: (g, 0)),
            pl.BlockSpec((NPG, CPG), lambda g: (g, 0)),
        ],
        out_shape=[
            jax.ShapeDtypeStruct((N, D), jnp.float32),
            jax.ShapeDtypeStruct((N, CPG), jnp.float32),
        ],
    )(x, c, W_feat, b_feat.reshape(1, D), W_pool, b_pool.reshape(1, ASSIGN_DIM))

    seg = dst * BATCH + src // NPG
    adj_s = jax.ops.segment_sum(s_c[src], seg, num_segments=N * BATCH)
    adj_s = adj_s.reshape(N, ASSIGN_DIM)

    h_new, adj_new = pl.pallas_call(
        _pool_kernel,
        grid=(BATCH,),
        in_specs=[
            pl.BlockSpec((NPG, CPG), lambda g: (g, 0)),
            pl.BlockSpec((NPG, D), lambda g: (g, 0)),
            pl.BlockSpec((NPG, ASSIGN_DIM), lambda g: (g, 0)),
        ],
        out_specs=[
            pl.BlockSpec((1, CPG, D), lambda g: (g, 0, 0)),
            pl.BlockSpec((1, CPG, ASSIGN_DIM), lambda g: (g, 0, 0)),
        ],
        out_shape=[
            jax.ShapeDtypeStruct((BATCH, CPG, D), jnp.float32),
            jax.ShapeDtypeStruct((BATCH, CPG, ASSIGN_DIM), jnp.float32),
        ],
    )(s_c, feat, adj_s)

    return (adj_new.reshape(ASSIGN_DIM, ASSIGN_DIM),
            h_new.reshape(ASSIGN_DIM, D))

# --- scband reference (transcript-rebuilt; emitter-appended) ---
"""Pipeline reference for scband-diff-pool4-graph-layer-50646254354502 (READ-ONLY COPY).

The authoritative reference and input builder live on the scoring server;
editing this copy changes nothing except your own understanding.
"""

import jax, jax.numpy as jnp
import numpy as np

N = 10000
E = 320000
D = 128
ASSIGN_DIM = 1250
BATCH = 50
NODES_PER_G = N // BATCH
CLUST_PER_G = ASSIGN_DIM // BATCH


def setup_inputs(seed: int = 0):
    key = jax.random.key(seed)
    k1, k2, k3, k4 = jax.random.split(key, 4)
    x = jax.random.normal(k1, (N, D), dtype=jnp.float32)
    edge_index = jax.random.randint(k2, (2, E), 0, N, dtype=jnp.int32)
    W_feat = jax.random.normal(k3, (2 * D, D), dtype=jnp.float32) / jnp.sqrt(2.0 * D)
    b_feat = jnp.zeros((D,), jnp.float32)
    W_pool = jax.random.normal(k4, (2 * D, ASSIGN_DIM), dtype=jnp.float32) / jnp.sqrt(2.0 * D)
    b_pool = jnp.zeros((ASSIGN_DIM,), jnp.float32)
    return {"x": x, "edge_index": edge_index, "W_feat": W_feat, "b_feat": b_feat, "W_pool": W_pool, "b_pool": b_pool}


def _graphsage(x, src, dst, W, b):
    # DGL update_all(copy_src, MeanAggregator, Bundler): mean of in-neighbor h,
    # concat(h, c) -> Linear -> L2 normalize -> activation
    msg = jax.ops.segment_sum(x[src], dst, num_segments=N)
    deg = jax.ops.segment_sum(jnp.ones((E,), x.dtype), dst, num_segments=N)
    c = msg / jnp.maximum(deg, 1.0)[:, None]
    bundle = jnp.concatenate([x, c], axis=1) @ W + b
    norm = jnp.maximum(jnp.linalg.norm(bundle, axis=1, keepdims=True), 1e-12)
    bundle = bundle / norm
    return jax.nn.relu(bundle)


def _block_diag_mask():
    # 50 graphs of 200 nodes each; each graph owns 25 assignment columns
    node_g = jnp.arange(N) // NODES_PER_G
    col_g = jnp.arange(ASSIGN_DIM) // CLUST_PER_G
    return (node_g[:, None] == col_g[None, :]).astype(jnp.float32)


def reference(x, edge_index, W_feat, b_feat, W_pool, b_pool):
    src = edge_index[0]
    dst = edge_index[1]
    feat = _graphsage(x, src, dst, W_feat, b_feat)
    assign = _graphsage(x, src, dst, W_pool, b_pool)
    mask = _block_diag_mask()
    # masked_softmax with memory_efficient=False
    s = jax.nn.softmax(assign * mask, axis=-1)
    s = s * mask
    s = s / (jnp.sum(s, axis=-1, keepdims=True) + 1e-13)
    h_new = s.T @ feat
    # adj @ s where adj[dst, src] = 1 (DGL adjacency), done as scatter-add over edges
    adj_s = jax.ops.segment_sum(s[src], dst, num_segments=N)
    adj_new = s.T @ adj_s
    return (adj_new, h_new)

if __name__ == "__main__":
    import jax
    _d = setup_inputs()
    print(jax.jit(kernel)(*tuple(_d.values())))

</pallas_src>

<mosaic_0001>
module attributes {stable_mosaic.version = 14 : i64} {
  func.func @_fused_graphsage_kernel(%arg0: i32, %arg1: memref<200x128xf32, #tpu.memory_space<vmem>>, %arg2: memref<200x128xf32, #tpu.memory_space<vmem>>, %arg3: memref<256x128xf32, #tpu.memory_space<vmem>>, %arg4: memref<1x128xf32, #tpu.memory_space<vmem>>, %arg5: memref<256x1250xf32, #tpu.memory_space<vmem>>, %arg6: memref<1x1250xf32, #tpu.memory_space<vmem>>, %arg7: memref<200x128xf32, #tpu.memory_space<vmem>>, %arg8: memref<200x25xf32, #tpu.memory_space<vmem>>) attributes {dimension_semantics = [#tpu.dimension_semantics<arbitrary>], iteration_bounds = array<i64: 50>, scalar_prefetch = 0 : i64, scratch_operands = 0 : i64, tpu.core_type = #tpu.core_type<tc>, window_params = [{transform_indices = @transform_0, window_bounds = array<i64: 200, 128>}, {transform_indices = @transform_1, window_bounds = array<i64: 200, 128>}, {pipeline_mode = #tpu.pipeline_mode<synchronous>, transform_indices = @transform_2, window_bounds = array<i64: 256, 128>}, {pipeline_mode = #tpu.pipeline_mode<synchronous>, transform_indices = @transform_3, window_bounds = array<i64: 1, 128>}, {pipeline_mode = #tpu.pipeline_mode<synchronous>, transform_indices = @transform_4, window_bounds = array<i64: 256, 1250>}, {pipeline_mode = #tpu.pipeline_mode<synchronous>, transform_indices = @transform_5, window_bounds = array<i64: 1, 1250>}, {transform_indices = @transform_6, window_bounds = array<i64: 200, 128>}, {transform_indices = @transform_7, window_bounds = array<i64: 200, 25>}]} {
    %get3A = arith.constant 0 : index
    %get3A_0 = arith.constant 0 : index
    %get3A_1 = vector.load %arg1[%get3A, %get3A_0] : memref<200x128xf32, #tpu.memory_space<vmem>>, vector<200x128xf32>
    %get3A_2 = arith.constant 0 : index
    %get3A_3 = arith.constant 0 : index
    %get3A_4 = vector.load %arg2[%get3A_2, %get3A_3] : memref<200x128xf32, #tpu.memory_space<vmem>>, vector<200x128xf32>
    %get3A_5 = arith.constant 0 : index
    %get3A_6 = arith.constant 0 : index
    %get3A_7 = vector.load %arg3[%get3A_5, %get3A_6] : memref<256x128xf32, #tpu.memory_space<vmem>>, vector<256x128xf32>
    %get3A_8 = arith.constant 0 : index
    %get3A_9 = arith.constant 0 : index
    %get3A_10 = vector.load %arg5[%get3A_8, %get3A_9] : memref<256x1250xf32, #tpu.memory_space<vmem>>, vector<256x1250xf32>
    %slice3A = vector.extract_strided_slice %get3A_7 {offsets = [0, 0], sizes = [128, 128], strides = [1, 1]} : vector<256x128xf32> to vector<128x128xf32>
    %dot_general3A = arith.constant dense<0.000000e+00> : vector<200x128xf32>
    %dot_general3A_11 = tpu.matmul %get3A_1, %slice3A, %dot_general3A {dimension_numbers = #tpu.dot_dimension_numbers<[1], [0], [0], [1], [0, 0, 1, 1], [], []>, transpose_lhs_hint = false} : vector<200x128xf32>, vector<128x128xf32>, vector<200x128xf32> -> vector<200x128xf32>
    %slice3A_12 = vector.extract_strided_slice %get3A_7 {offsets = [128, 0], sizes = [128, 128], strides = [1, 1]} : vector<256x128xf32> to vector<128x128xf32>
    %dot_general3A_13 = arith.constant dense<0.000000e+00> : vector<200x128xf32>
    %dot_general3A_14 = tpu.matmul %get3A_4, %slice3A_12, %dot_general3A_13 {dimension_numbers = #tpu.dot_dimension_numbers<[1], [0], [0], [1], [0, 0, 1, 1], [], []>, transpose_lhs_hint = false} : vector<200x128xf32>, vector<128x128xf32>, vector<200x128xf32> -> vector<200x128xf32>
    %add3A = arith.addf %dot_general3A_11, %dot_general3A_14 : vector<200x128xf32>
    %get3A_15 = arith.constant 0 : index
    %get3A_16 = arith.constant 0 : index
    %get3A_17 = vector.load %arg4[%get3A_15, %get3A_16] : memref<1x128xf32, #tpu.memory_space<vmem>>, vector<1x128xf32>
    %add3A_18 = vector.broadcast %get3A_17 : vector<1x128xf32> to vector<200x128xf32>
    %add3A_19 = arith.addf %add3A, %add3A_18 : vector<200x128xf32>
    %mul3A = arith.mulf %add3A_19, %add3A_19 : vector<200x128xf32>
    %reduce_sum3A = arith.constant dense<0.000000e+00> : vector<200xf32>
    %reduce_sum3A_20 = vector.multi_reduction <add>, %mul3A, %reduce_sum3A [1] : vector<200x128xf32> to vector<200xf32>
    %broadcast_in_dim3A = vector.shape_cast %reduce_sum3A_20 : vector<200xf32> to vector<200x1xf32>
    %sqrt3A = math.sqrt %broadcast_in_dim3A : vector<200x1xf32>
    %max3A = arith.constant 9.99999996E-13 : f32
    %max3A_21 = vector.broadcast %max3A : f32 to vector<200x1xf32>
    %max3A_22 = arith.maximumf %sqrt3A, %max3A_21 : vector<200x1xf32>
    %div3A = vector.broadcast %max3A_22 : vector<200x1xf32> to vector<200x128xf32>
    %div3A_23 = arith.divf %add3A_19, %div3A : vector<200x128xf32>
    %max3A_24 = arith.constant 0.000000e+00 : f32
    %max3A_25 = vector.broadcast %max3A_24 : f32 to vector<200x128xf32>
    %max3A_26 = arith.maximumf %div3A_23, %max3A_25 : vector<200x128xf32>
    %swap3A = arith.constant 0 : index
    %swap3A_27 = arith.constant 0 : index
    %swap3A_28 = vector.load %arg7[%swap3A, %swap3A_27] : memref<200x128xf32, #tpu.memory_space<vmem>>, vector<200x128xf32>
    tpu.vector_store %arg7[%swap3A, %swap3A_27], %max3A_26 {strides = array<i32>} : memref<200x128xf32, #tpu.memory_space<vmem>>, vector<200x128xf32>,
    %slice3A_29 = vector.extract_strided_slice %get3A_10 {offsets = [0, 0], sizes = [128, 1250], strides = [1, 1]} : vector<256x1250xf32> to vector<128x1250xf32>
    %dot_general3A_30 = arith.constant dense<0.000000e+00> : vector<200x1250xf32>
    %dot_general3A_31 = tpu.matmul %get3A_1, %slice3A_29, %dot_general3A_30 {dimension_numbers = #tpu.dot_dimension_numbers<[1], [0], [0], [1], [0, 0, 1, 1], [], []>, transpose_lhs_hint = false} : vector<200x128xf32>, vector<128x1250xf32>, vector<200x1250xf32> -> vector<200x1250xf32>
    %slice3A_32 = vector.extract_strided_slice %get3A_10 {offsets = [128, 0], sizes = [128, 1250], strides = [1, 1]} : vector<256x1250xf32> to vector<128x1250xf32>
    %dot_general3A_33 = arith.constant dense<0.000000e+00> : vector<200x1250xf32>
    %dot_general3A_34 = tpu.matmul %get3A_4, %slice3A_32, %dot_general3A_33 {dimension_numbers = #tpu.dot_dimension_numbers<[1], [0], [0], [1], [0, 0, 1, 1], [], []>, transpose_lhs_hint = false} : vector<200x128xf32>, vector<128x1250xf32>, vector<200x1250xf32> -> vector<200x1250xf32>
    %add3A_35 = arith.addf %dot_general3A_31, %dot_general3A_34 : vector<200x1250xf32>
    %get3A_36 = arith.constant 0 : index
    %get3A_37 = arith.constant 0 : index
    %get3A_38 = vector.load %arg6[%get3A_36, %get3A_37] : memref<1x1250xf32, #tpu.memory_space<vmem>>, vector<1x1250xf32>
    %add3A_39 = vector.broadcast %get3A_38 : vector<1x1250xf32> to vector<200x1250xf32>
    %add3A_40 = arith.addf %add3A_35, %add3A_39 : vector<200x1250xf32>
    %mul3A_41 = arith.mulf %add3A_40, %add3A_40 : vector<200x1250xf32>
    %reduce_sum3A_42 = arith.constant dense<0.000000e+00> : vector<200xf32>
    %reduce_sum3A_43 = vector.multi_reduction <add>, %mul3A_41, %reduce_sum3A_42 [1] : vector<200x1250xf32> to vector<200xf32>
    %broadcast_in_dim3A_44 = vector.shape_cast %reduce_sum3A_43 : vector<200xf32> to vector<200x1xf32>
    %sqrt3A_45 = math.sqrt %broadcast_in_dim3A_44 : vector<200x1xf32>
    %max3A_46 = arith.constant 9.99999996E-13 : f32
    %max3A_47 = vector.broadcast %max3A_46 : f32 to vector<200x1xf32>
    %max3A_48 = arith.maximumf %sqrt3A_45, %max3A_47 : vector<200x1xf32>
    %div3A_49 = vector.broadcast %max3A_48 : vector<200x1xf32> to vector<200x1250xf32>
    %div3A_50 = arith.divf %add3A_40, %div3A_49 : vector<200x1250xf32>
    %max3A_51 = arith.constant 0.000000e+00 : f32
    %max3A_52 = vector.broadcast %max3A_51 : f32 to vector<200x1250xf32>
    %max3A_53 = arith.maximumf %div3A_50, %max3A_52 : vector<200x1250xf32>
    %iota3A = tpu.iota {dimensions = array<i32: 0>} : vector<1250x25xi32>
    %iota3A_54 = tpu.iota {dimensions = array<i32: 1>} : vector<1250x25xi32>
    %mul3A_55 = arith.constant 25 : i32
    %mul3A_56 = arith.muli %arg0, %mul3A_55 : i32
    %add3A_57 = vector.broadcast %mul3A_56 : i32 to vector<1250x25xi32>
    %add3A_58 = arith.addi %add3A_57, %iota3A_54 : vector<1250x25xi32>
    %eq3A = arith.cmpi eq, %iota3A, %add3A_58 : vector<1250x25xi32>
    %convert_element_type3A = arith.extui %eq3A : vector<1250x25xi1> to vector<1250x25xi32>
    %convert_element_type3A_59 = arith.sitofp %convert_element_type3A : vector<1250x25xi32> to vector<1250x25xf32>
    %dot_general3A_60 = arith.constant dense<0.000000e+00> : vector<200x25xf32>
    %dot_general3A_61 = tpu.matmul %max3A_53, %convert_element_type3A_59, %dot_general3A_60 {dimension_numbers = #tpu.dot_dimension_numbers<[1], [0], [0], [1], [0, 0, 1, 1], [], []>, transpose_lhs_hint = false} : vector<200x1250xf32>, vector<1250x25xf32>, vector<200x25xf32> -> vector<200x25xf32>
    %reduce_max3A = arith.constant dense<0xFF800000> : vector<200xf32>
    %reduce_max3A_62 = vector.multi_reduction <maximumf>, %dot_general3A_61, %reduce_max3A [1] : vector<200x25xf32> to vector<200xf32>
    %broadcast_in_dim3A_63 = vector.shape_cast %reduce_max3A_62 : vector<200xf32> to vector<200x1xf32>
    %sub3A = vector.broadcast %broadcast_in_dim3A_63 : vector<200x1xf32> to vector<200x25xf32>
    %sub3A_64 = arith.subf %dot_general3A_61, %sub3A : vector<200x25xf32>
    %exp3A = math.exp %sub3A_64 : vector<200x25xf32>
    %reduce_sum3A_65 = arith.constant dense<0.000000e+00> : vector<200xf32>
    %reduce_sum3A_66 = vector.multi_reduction <add>, %exp3A, %reduce_sum3A_65 [1] : vector<200x25xf32> to vector<200xf32>
    %broadcast_in_dim3A_67 = vector.shape_cast %reduce_sum3A_66 : vector<200xf32> to vector<200x1xf32>
    %neg3A = arith.constant 0.000000e+00 : f32
    %neg3A_68 = vector.broadcast %neg3A : f32 to vector<200x1xf32>
    %neg3A_69 = arith.subf %neg3A_68, %broadcast_in_dim3A_63 : vector<200x1xf32>
    %exp3A_70 = math.exp %neg3A_69 : vector<200x1xf32>
    %mul3A_71 = arith.constant 1.225000e+03 : f32
    %mul3A_72 = vector.broadcast %mul3A_71 : f32 to vector<200x1xf32>
    %mul3A_73 = arith.mulf %mul3A_72, %exp3A_70 : vector<200x1xf32>
    %add3A_74 = arith.addf %broadcast_in_dim3A_67, %mul3A_73 : vector<200x1xf32>
    %mul3A_75 = arith.constant 9.99999982E-14 : f32
    %mul3A_76 = vector.broadcast %mul3A_75 : f32 to vector<200x1xf32>
    %mul3A_77 = arith.mulf %mul3A_76, %add3A_74 : vector<200x1xf32>
    %add3A_78 = arith.addf %broadcast_in_dim3A_67, %mul3A_77 : vector<200x1xf32>
    %div3A_79 = vector.broadcast %add3A_78 : vector<200x1xf32> to vector<200x25xf32>
    %div3A_80 = arith.divf %exp3A, %div3A_79 : vector<200x25xf32>
    %swap3A_81 = arith.constant 0 : index
    %swap3A_82 = arith.constant 0 : index
    %swap3A_83 = vector.load %arg8[%swap3A_81, %swap3A_82] : memref<200x25xf32, #tpu.memory_space<vmem>>, vector<200x25xf32>
    tpu.vector_store %arg8[%swap3A_81, %swap3A_82], %div3A_80 {strides = array<i32>} : memref<200x25xf32, #tpu.memory_space<vmem>>, vector<200x25xf32>,
    return
  }
  func.func @transform_0(%arg0: i32) -> (i32, i32) {
    %c0_i32 = arith.constant 0 : i32
    %c0_i32_0 = arith.constant 0 : i32
    return %arg0, %c0_i32 : i32, i32
  }
  func.func @transform_1(%arg0: i32) -> (i32, i32) {
    %c0_i32 = arith.constant 0 : i32
    %c0_i32_0 = arith.constant 0 : i32
    return %arg0, %c0_i32 : i32, i32
  }
  func.func @transform_2(%arg0: i32) -> (i32, i32) {
    %c0_i32 = arith.constant 0 : i32
    %c0_i32_0 = arith.constant 0 : i32
    %c0_i32_1 = arith.constant 0 : i32
    return %c0_i32, %c0_i32_0 : i32, i32
  }
  func.func @transform_3(%arg0: i32) -> (i32, i32) {
    %c0_i32 = arith.constant 0 : i32
    %c0_i32_0 = arith.constant 0 : i32
    %c0_i32_1 = arith.constant 0 : i32
    return %c0_i32, %c0_i32_0 : i32, i32
  }
  func.func @transform_4(%arg0: i32) -> (i32, i32) {
    %c0_i32 = arith.constant 0 : i32
    %c0_i32_0 = arith.constant 0 : i32
    %c0_i32_1 = arith.constant 0 : i32
    return %c0_i32, %c0_i32_0 : i32, i32
  }
  func.func @transform_5(%arg0: i32) -> (i32, i32) {
    %c0_i32 = arith.constant 0 : i32
    %c0_i32_0 = arith.constant 0 : i32
    %c0_i32_1 = arith.constant 0 : i32
    return %c0_i32, %c0_i32_0 : i32, i32
  }
  func.func @transform_6(%arg0: i32) -> (i32, i32) {
    %c0_i32 = arith.constant 0 : i32
    %c0_i32_0 = arith.constant 0 : i32
    return %arg0, %c0_i32 : i32, i32
  }
  func.func @transform_7(%arg0: i32) -> (i32, i32) {
    %c0_i32 = arith.constant 0 : i32
    %c0_i32_0 = arith.constant 0 : i32
    return %arg0, %c0_i32 : i32, i32
  }
}

module attributes {stable_mosaic.version = 14 : i64} {
  func.func @_pool_kernel(%arg0: i32, %arg1: memref<200x25xf32, #tpu.memory_space<vmem>>, %arg2: memref<200x128xf32, #tpu.memory_space<vmem>>, %arg3: memref<200x1250xf32, #tpu.memory_space<vmem>>, %arg4: memref<1x25x128xf32, #tpu.memory_space<vmem>>, %arg5: memref<1x25x1250xf32, #tpu.memory_space<vmem>>) attributes {dimension_semantics = [#tpu.dimension_semantics<arbitrary>], iteration_bounds = array<i64: 50>, scalar_prefetch = 0 : i64, scratch_operands = 0 : i64, tpu.core_type = #tpu.core_type<tc>, window_params = [{transform_indices = @transform_0, window_bounds = array<i64: 200, 25>}, {transform_indices = @transform_1, window_bounds = array<i64: 200, 128>}, {transform_indices = @transform_2, window_bounds = array<i64: 200, 1250>}, {transform_indices = @transform_3, window_bounds = array<i64: 1, 25, 128>}, {transform_indices = @transform_4, window_bounds = array<i64: 1, 25, 1250>}]} {
    %get3A = arith.constant 0 : index
    %get3A_0 = arith.constant 0 : index
    %get3A_1 = vector.load %arg1[%get3A, %get3A_0] : memref<200x25xf32, #tpu.memory_space<vmem>>, vector<200x25xf32>
    %get3A_2 = arith.constant 0 : index
    %get3A_3 = arith.constant 0 : index
    %get3A_4 = vector.load %arg2[%get3A_2, %get3A_3] : memref<200x128xf32, #tpu.memory_space<vmem>>, vector<200x128xf32>
    %dot_general3A = arith.constant dense<0.000000e+00> : vector<25x128xf32>
    %dot_general3A_5 = tpu.matmul %get3A_1, %get3A_4, %dot_general3A {dimension_numbers = #tpu.dot_dimension_numbers<[0], [0], [1], [1], [0, 1, 1, 1], [], []>, transpose_lhs_hint = false} : vector<200x25xf32>, vector<200x128xf32>, vector<25x128xf32> -> vector<25x128xf32>
    %broadcast_in_dim3A = vector.shape_cast %dot_general3A_5 : vector<25x128xf32> to vector<1x25x128xf32>
    %swap3A = arith.constant 0 : index
    %swap3A_6 = arith.constant 0 : index
    %swap3A_7 = arith.constant 0 : index
    %swap3A_8 = vector.load %arg4[%swap3A, %swap3A_6, %swap3A_7] : memref<1x25x128xf32, #tpu.memory_space<vmem>>, vector<1x25x128xf32>
    tpu.vector_store %arg4[%swap3A, %swap3A_6, %swap3A_7], %broadcast_in_dim3A {strides = array<i32>} : memref<1x25x128xf32, #tpu.memory_space<vmem>>, vector<1x25x128xf32>,
    %get3A_9 = arith.constant 0 : index
    %get3A_10 = arith.constant 0 : index
    %get3A_11 = vector.load %arg3[%get3A_9, %get3A_10] : memref<200x1250xf32, #tpu.memory_space<vmem>>, vector<200x1250xf32>
    %dot_general3A_12 = arith.constant dense<0.000000e+00> : vector<25x1250xf32>
    %dot_general3A_13 = tpu.matmul %get3A_1, %get3A_11, %dot_general3A_12 {dimension_numbers = #tpu.dot_dimension_numbers<[0], [0], [1], [1], [0, 1, 1, 1], [], []>, transpose_lhs_hint = false} : vector<200x25xf32>, vector<200x1250xf32>, vector<25x1250xf32> -> vector<25x1250xf32>
    %broadcast_in_dim3A_14 = vector.shape_cast %dot_general3A_13 : vector<25x1250xf32> to vector<1x25x1250xf32>
    %swap3A_15 = arith.constant 0 : index
    %swap3A_16 = arith.constant 0 : index
    %swap3A_17 = arith.constant 0 : index
    %swap3A_18 = vector.load %arg5[%swap3A_15, %swap3A_16, %swap3A_17] : memref<1x25x1250xf32, #tpu.memory_space<vmem>>, vector<1x25x1250xf32>
    tpu.vector_store %arg5[%swap3A_15, %swap3A_16, %swap3A_17], %broadcast_in_dim3A_14 {strides = array<i32>} : memref<1x25x1250xf32, #tpu.memory_space<vmem>>, vector<1x25x1250xf32>,
    return
  }
  func.func @transform_0(%arg0: i32) -> (i32, i32) {
    %c0_i32 = arith.constant 0 : i32
    %c0_i32_0 = arith.constant 0 : i32
    return %arg0, %c0_i32 : i32, i32
  }
  func.func @transform_1(%arg0: i32) -> (i32, i32) {
    %c0_i32 = arith.constant 0 : i32
    %c0_i32_0 = arith.constant 0 : i32
    return %arg0, %c0_i32 : i32, i32
  }
  func.func @transform_2(%arg0: i32) -> (i32, i32) {
    %c0_i32 = arith.constant 0 : i32
    %c0_i32_0 = arith.constant 0 : i32
    return %arg0, %c0_i32 : i32, i32
  }
  func.func @transform_3(%arg0: i32) -> (i32, i32, i32) {
    %c0_i32 = arith.constant 0 : i32
    %c0_i32_0 = arith.constant 0 : i32
    %c0_i32_1 = arith.constant 0 : i32
    return %arg0, %c0_i32, %c0_i32_0 : i32, i32, i32
  }
  func.func @transform_4(%arg0: i32) -> (i32, i32, i32) {
    %c0_i32 = arith.constant 0 : i32
    %c0_i32_0 = arith.constant 0 : i32
    %c0_i32_1 = arith.constant 0 : i32
    return %arg0, %c0_i32, %c0_i32_0 : i32, i32, i32
  }
}

</mosaic_0001>

<sc_bundles>
// kernel: scatter_offload_async_start.1
scs
__scs_entry_jumppad:
0x0: {  	(pc) =	sbr.rel $0x88, $3  }
0x1: {  	(tag) =	ssettag $0x0;
	lr =	simm.s32 $0x1  }
0x2: {  	[smem:$0x3F9B] =	sst lr;
	_ =	strace $0xD0000000  }
0x3: {  	_ = 	snop  }
0x4: {  	_ = 	snop  }
0x5: {  	_ = 	snop  }
0x6: {  	_ = 	snop  }
0x7: {  	_ = 	snop  }
__scs_overlays_trampoline_lowered:
0x8: {  	[smem:$0x3FAA] =	sst s0  }
0x9: {  	[smem:$0x3FAB] =	sst s1  }
0xa: {  	[smem:$0x3FAC] =	sst s2  }
0xb: {  	[smem:$0x3FAD] =	sst s3  }
0xc: {  	[smem:$0x3FAE] =	sst s4  }
0xd: {  	[smem:$0x3FAF] =	sst s5  }
0xe: {  	[smem:$0x3FB0] =	sst s6  }
0xf: {  	[smem:$0x3FB1] =	sst s7  }
0x10: {  	[smem:$0x3FB2] =	sst s8  }
0x11: {  	[smem:$0x3FB3] =	sst s9;
	s0 =	simm.s32 @!p0 $0x0  }
0x12: {  	s1 =	sld [smem:$0x3F99];
	s0 =	simm.s32 @p0 $0x1  }
0x13: {  	[smem:$0x3FB4] =	sst s0;
	s0 =	simm.s32 @!p1 $0x0  }
0x14: {  	s2 =	sld [smem:$0x3F98];
	s0 =	simm.s32 @p1 $0x1  }
0x15: {  	[smem:$0x3FB5] =	sst s0;
	s0 =	simm.s32 @!p2 $0x0  }
0x16: {  	s3 =	sld [smem:$0x3FDB];
	s0 =	simm.s32 @p2 $0x1  }
0x17: {  	s4 =	simm.s32 $0x1BF5;
	[smem:$0x3FB7] =	sst s0  }
0x18: {  	s0 =	sld [smem:$0x3F9A];
	_ =	swait.ge [sflag:s4], $0x0  }
0x19: {  	s7 =	sld [smem:$0x3F9B]  }
0x1a: {  	s8 =	sadd.s32 $0xFFFFE003, lr  }
0x1b: {  	s9 =	sadd.s32 $0xFFFFFEF7, lr;
	s5 =	simm.s32 $0xFFFFFFFF;
	p2 =	slt.u32 s8, $0xFFFFF086  }
0x1c: {  	p1 =	slt.u32 s9, $0xF7A;
	s5 =	simm.s32 @!p2 $0x0  }
0x1d: {  	s5 =	simm.s32 @p1 $0x1;
	p0 =	seq.s32 s7, s2  }
0x1e: {  	s7 =	smul.u32 @!p0 $0xF7A, s2;
	p2 =	seq.s32 @!p0 s5, $0x0  }
0x1f: {  	s9 =	smul.u32 $0xF7A, s1;
	s8 =	simm.s32 @!p0 $0x1BF5;
	p2 =	por !p2, p0  }
0x20: {  	[sflag:s8] =	ssyncset.s32 @!p0 $0xFFFFF086;
	s6 =	sadd.s32 @!p0 s3, s7;
	s7 =	simm.s32 @!p0 $0x108  }
0x21: {  	s3 =	sadd.s32 s3, s9;
	s6 =	sadd.s32 @!p0 $0x88, s6;
	s7 =	simm.s32 @p2 $0x1082  }
0x22: {  	[simem:s7], [sflag:s8] =	dma.local @!p0 [hbm:s6], $0xF7A  }
0x23: {  	s9 =	sor.u32 $0xD0000000, s2;
	s6 =	simm.s32 $0x108;
	_ =	swait.ge @!p0 [sflag:s8], $0x0  }
0x24: {  	s3 =	sadd.s32 $0x88, s3;
	s6 =	simm.s32 @!p1 $0x1082;
	[sflag:s4] =	ssyncset.s32 $0xFFFFF086  }
0x25: {  	[simem:s6], [sflag:s4] =	dma.local [hbm:s3], $0xF7A  }
0x26: {  	[smem:$0x3F9B] =	sst s1;
	(tag) =	ssettag s2;
	_ =	strace s9  }
0x27: {  	s1 =	sld [smem:$0x3FAB]  }
0x28: {  	s2 =	sld [smem:$0x3FAC]  }
0x29: {  	s4 =	sld [smem:$0x3FAE]  }
0x2a: {  	p0 =	seq.s32 s5, $0x0;
	s5 =	sld [smem:$0x3FAF]  }
0x2b: {  	s6 =	sld [smem:$0x3FB0]  }
0x2c: {  	s7 =	sld [smem:$0x3FB1]  }
0x2d: {  	s3 =	simm.s32 $0x108;
	s8 =	sld [smem:$0x3FB2]  }
0x2e: {  	s3 =	simm.s32 @!p0 $0x1082;
	s9 =	sld [smem:$0x3FB3]  }
0x2f: {  	lr =	sadd.s32 s0, s3;
	s0 =	sld [smem:$0x3FAA]  }
0x30: {  	s3 =	sld [smem:$0x3FAD]  }
0x31: {  	[smem:$0x3FB6] =	sst s10  }
0x32: {  	s10 =	sld [smem:$0x3FB4];
	_ =	sdelay $0x3  }
0x33: {  	p0 =	seq.s32 s10, $0x1;
	s10 =	sld [smem:$0x3FB6];
	_ =	sdelay $0x3  }
0x34: {  	[smem:$0x3FB6] =	sst s10  }
0x35: {  	s10 =	sld [smem:$0x3FB5];
	_ =	sdelay $0x3  }
0x36: {  	p1 =	seq.s32 s10, $0x1;
	s10 =	sld [smem:$0x3FB6];
	_ =	sdelay $0x3  }
0x37: {  	[smem:$0x3FB6] =	sst s10  }
0x38: {  	s10 =	sld [smem:$0x3FB7]  }
0x39: {  	_ = 	snop;
	(pc) =	sbr.ind lr, $3  }
0x3a: {  	_ = 	snop  }
0x3b: {  	_ = 	snop  }
0x3c: {  	p2 =	seq.s32 s10, $0x1;
	s10 =	sld [smem:$0x3FB6]  }
0x3d: {  	_ =	shalt  }
0x3e: {  	_ =	shalt  }
0x3f: {  	_ =	shalt  }
0x40: {  	_ =	shalt  }
0x41: {  	_ =	shalt  }
0x42: {  	_ =	shalt  }
0x43: {  	_ =	shalt  }
0x44: {  	_ =	shalt  }
0x45: {  	_ =	shalt  }
0x46: {  	_ =	shalt  }
0x47: {  	_ =	shalt  }
0x48: {  	_ =	shalt  }
0x49: {  	_ =	shalt  }
0x4a: {  	_ =	shalt  }
0x4b: {  	_ =	shalt  }
0x4c: {  	_ =	shalt  }
0x4d: {  	_ =	shalt  }
0x4e: {  	_ =	shalt  }
0x4f: {  	_ =	shalt  }
0x50: {  	_ =	shalt  }
0x51: {  	_ =	shalt  }
0x52: {  	_ =	shalt  }
0x53: {  	_ =	shalt  }
0x54: {  	_ =	shalt  }
0x55: {  	_ =	shalt  }
0x56: {  	_ =	shalt  }
0x57: {  	_ =	shalt  }
0x58: {  	_ =	shalt  }
0x59: {  	_ =	shalt  }
0x5a: {  	_ =	shalt  }
0x5b: {  	_ =	shalt  }
0x5c: {  	_ =	shalt  }
0x5d: {  	_ =	shalt  }
0x5e: {  	_ =	shalt  }
0x5f: {  	_ =	shalt  }
0x60: {  	_ =	shalt  }
0x61: {  	_ =	shalt  }
0x62: {  	_ =	shalt  }
0x63: {  	_ =	shalt  }
0x64: {  	_ =	shalt  }
0x65: {  	_ =	shalt  }
0x66: {  	_ =	shalt  }
0x67: {  	_ =	shalt  }
0x68: {  	_ =	shalt  }
0x69: {  	_ =	shalt  }
0x6a: {  	_ =	shalt  }
0x6b: {  	_ =	shalt  }
0x6c: {  	_ =	shalt  }
0x6d: {  	_ =	shalt  }
0x6e: {  	_ =	shalt  }
0x6f: {  	_ =	shalt  }
0x70: {  	_ =	shalt  }
0x71: {  	_ =	shalt  }
0x72: {  	_ =	shalt  }
0x73: {  	_ =	shalt  }
0x74: {  	_ =	shalt  }
0x75: {  	_ =	shalt  }
0x76: {  	_ =	shalt  }
0x77: {  	_ =	shalt  }
0x78: {  	_ =	shalt  }
0x79: {  	_ =	shalt  }
0x7a: {  	_ =	shalt  }
0x7b: {  	_ =	shalt  }
0x7c: {  	_ =	shalt  }
0x7d: {  	_ =	shalt  }
0x7e: {  	_ =	shalt  }
0x7f: {  	_ =	shalt  }
0x80: {  	_ =	shalt  }
0x81: {  	_ =	shalt  }
0x82: {  	_ =	shalt  }
0x83: {  	_ =	shalt  }
0x84: {  	_ =	shalt  }
0x85: {  	_ =	shalt  }
0x86: {  	_ =	shalt  }
0x87: {  	_ =	shalt  }
.Lfunc_end0:
.L_simem_size_0:
called_computation.1_lowered:
.L_overlay_start_0:
0x88: {  	s0 =	sld [smem:$0x3FD9]  }
0x89: {  	s1 =	sld [smem:$0x3FFE];
	_ =	sdelay $0x3  }
0x8a: {  	s0 =	sadd.s32 s1, s0  }
0x8b: {  	[smem:$0x3FC2] =	sst s0  }
0x8c: {  	_ = 	snop  }
0x8d: {  	s0 =	sld [smem:$0x3FD0];
	_ =	sdelay $0x2  }
0x8e: {  	s13 =	simm.s32 $0xB;
	s2 =	simm.s32 $0x10  }
0x8f: {  	[smem:s2], [sflag:s13] =	dma.local [hbm:s0], $0x1  }
0x90: {  	_ =	swait.eq [sflag:s13], $0x1  }
0x91: {  	[sflag:s13] =	ssyncset.done $0x0  }
0x92: {  	[sflag:s13] =	ssyncadd.s32 $0xFFFFFFFF  }
0x93: {  	s14 =	sld [smem:$0x11];
	(tm) =	ssettm $0x1  }
0x94: {  	s15 =	sld [smem:$0x3FFB];
	_ =	sdelay $0x3  }
0x95: {  	_ =	strace s15  }
0x96: {  	s1 =	sld [smem:$0x3FFC];
	_ =	sdelay $0x3  }
0x97: {  	_ =	strace s1  }
0x98: {  	s1 =	sld [smem:$0x3FFD];
	_ =	sdelay $0x3  }
0x99: {  	_ =	strace s1  }
0x9a: {  	_ =	strace $0x8FFFFFFF  }
0x9b: {  	s16 =	sld [smem:$0x3FDB];
	_ =	sdelay $0x1  }
0x9c: {  	s17 =	simm.s32 $_scs_section_size  }
0x9d: {  	s3 =	simm.s32 $_size__tile_overlayer_lowered;
	s4 =	simm.s32 $_tile_overlayer_lowered  }
0x9e: {  	s20 =	simm.s32 $0x1BFF;
	s19 =	sshll.u32 s4, $0x1;
	s1 =	sadd.s32 s17, s16  }
0x9f: {  	s5 =	simm.s32 $0x0;
	s18 =	sshll.u32 s3, $0x1;
	s3 =	sadd.s32 s19, s1  }
0xa0: {  	[timem:s5], [sflag:s20] =	dma.local [hbm:s3], s18  }
0xa1: {  	_ =	swait.ge [sflag:s20], s18  }
0xa2: {  	s2 =	ssub.s32 $0x0, s18;
	[sflag:s20] =	ssyncset.done $0x0  }
0xa3: {  	[sflag:s20] =	ssyncadd.s32 s2;
	_ =	sdelay $0x1  }
0xa4: {  	s21 =	simm.s32 $0x1B8B  }
0xa5: {  	_ =	swait.ge [sflag:s21], $0x1  }
0xa6: {  	[sflag:s21] =	ssyncset.done $0x0  }
0xa7: {  	s23 =	simm.s32 $0x1B8E;
	s22 =	sld [smem:$0x3FFE];
	[sflag:s21] =	ssyncadd.s32 $0xFFFFFFFF  }
0xa8: {  	s24 =	simm.s32 $execute0_lowered;
	[smem:$0x3FD2] =	sst s23  }
0xa9: {  	s3 =	sshll.u32 s24, $0x1;
	_ =	strace $0x80000046;
	[dreg:$0x1] =	wrdreg $0xFFFFFFFF  }
0xaa: {  	s25 =	simm.s32 $_size_execute0_lowered;
	s1 =	sadd.s32 s1, s3;
	[dreg:$0x0] =	wrdreg $0x0  }
0xab: {  	s3 =	sshll.u32 s25, $0x1;
	[dreg:$0x2] =	wrdreg s1  }
0xac: {  	[dreg:$0x3] =	wrdreg s3  }
0xad: {  	[dreg:$0x4] =	wrdreg $0xC0  }
0xae: {  	_ =	task [dreg:s5], $0x5FFFF  }
0xaf: {  	[dreg:$0x1] =	wrdreg $0xFFFFFFFF  }
0xb0: {  	[dreg:$0x0] =	wrdreg $0x60  }
0xb1: {  	[dreg:$0x2] =	wrdreg s14  }
0xb2: {  	[dreg:$0x3] =	wrdreg s22  }
0xb3: {  	[dreg:$0x4] =	wrdreg $0xA  }
0xb4: {  	_ =	task.clear_ibuf [dreg:s5], $0x5FFFF;
	_ =	strace $0x90000046  }
0xb5: {  	s26 =	simm.s32 $0xA;
	_ =	strace $0x80000048  }
0xb6: {  	_ =	swait.ge [sflag:s26], $0x1  }
0xb7: {  	[sflag:s26] =	ssyncadd.s32 $0xFFFFFFFF  }
0xb8: {  	_ =	strace $0x90000048  }
0xb9: {  	_ =	sfence  }
0xba: {  	s28 =	sld [smem:$0x0];
	_ =	sdelay $0x1  }
0xbb: {  	s29 =	srdreg.scid  }
0xbc: {  	s30 =	sshll.u32 s29, $0xD;
	s31 =	sshrl.u32 s29, $0x2  }
0xbd: {  	s2 =	sand.u32 $0x4000, s30;
	s1 =	sand.u32 $0x1, s29;
	s0 =	sadd.s32 s31, s28  }
0xbe: {  	s1 =	sor.u32 s2, s1;
	s0 =	sshll.u32 s0, $0x11  }
0xbf: {  	s0 =	sor.u32 s0, s1  }
0xc0: {  	s0 =	sadd.s32 $0x8F2B, s0  }
0xc1: {  	[sflag:s0] =	ssyncadd.remote.s32 $0x1  }
0xc2: {  	_ =	sfence.sel $0xFFFF  }
0xc3: {  	[dreg:$0x0] =	wrdreg $0xFFFFFFFF;
	(pc) =	sbr.abs _section_cstart, $3  }
0xc4: {  	[dreg:$0x1] =	wrdreg $0xFFFFFFFF  }
0xc5: {  	_ =	task.clear_ibuf [dreg:s5], $0x2FFFF;
	_ =	strace $0x9FFFFFFF  }
0xc6: {  	(tm) =	ssettm $0x7FFFFFFF  }
0xc7: {  	_ =	shalt  }
tec
execute0_lowered:
.L_overlay_start_1:
0x0: {  	(tag) =	ssettag $0x1  }
0x1: {  	s1 =	rddreg [dreg:$0x0]  }
0x2: {  	s0 =	rddreg [dreg:$0x1];
	_ =	strace $0x80000047;
	s15 =	stileid.u32  }
0x3: {  	s2 =	simm.s32 $0x1;
	s4 =	smin.u32 s15, $0x8;
	s3 =	sshll.u32 s15, $0x1  }
0x4: {  	v1 =	vimm.s32 $0xFFFFFFFF;
	[sflag:s2] =	ssyncpa.u1 $0x0;
	s4 =	sadd.s32 s4, s3  }
0x5: {  	s5 =	simm.s32 $0x5DC0;
	p0 =	slt.u32 s15, $0x8;
	[tilespmem:$0x10] =	vst v1;
	s4 =	smul.u32 $0x1F40, s4  }
0x6: {  	v0 =	vimm.f32 $0.0e+00;
	[tilespmem:$0x20] =	vst v1;
	s5 =	simm.s32 @!p0 $0x3E80  }
0x7: {  	[tilespmem:$0x30] =	vst v0;
	s5 =	sadd.s32 s5, s4  }
0x8: {  	[tilespmem:$0x40] =	vst v0;
	s5 =	smin.u32 s5, $0x4E200  }
0x9: {  	s7 =	simm.s32 $0x2;
	[tilespmem:$0x50] =	vst v0;
	s9 =	ssub.s32 s5, s4  }
0xa: {  	s8 =	simm.s32 $0x8;
	s31 =	simm.s32 $0x9;
	[tilespmem:$0x60] =	vst v1;
	p0 =	sgt.s32 s9, $0x0  }
0xb: {  	s16 =	simm.s32 $0x0;
	s17 =	simm.s32 $0xF0;
	[tilespmem:$0x70] =	vst v1;
	s9 =	simm.s32 @!p0 $0x0  }
0xc: {  	s18 =	simm.s32 $0xFFFFFFFF;
	s19 =	simm.s32 $0xFFFFC280;
	[tilespmem:$0x80] =	vst v1;
	s6 =	smulhi.u32 $0x10624DD3, s9  }
0xd: {  	s20 =	simm.s32 $0xFFFFFFFE;
	s21 =	simm.s32 $0xF;
	s25 =	simm.s32 $0x0;
	v1 =	vimm.s32 $0x0;
	[tilespmem:$0xB0] =	vst v0  }
0xe: {  	s24 =	simm.s32 $0x0;
	s15 =	sshllo.u32 s15, $0x1;
	[tilespmem:$0x90] =	vst v1;
	s10 =	sshrl.u32 s6, $0x9  }
0xf: {  	[tilespmem:$0xA0] =	vst v1;
	[sflag:s7] =	ssyncpa.u1 $0x0;
	s7 =	simm.s32 $0x7;
	s11 =	smul.u32 $0x1F40, s10  }
.Ltmp0:
0x10: {  	s13 =	sor.u32 $0x80, s3;
	[sflag:s7] =	ssyncpa.u1 $0x0;
	(pc) =	sbr.rel .LBB2_1-.Ltmp0, $4  }
0x11: {  	s14 =	sor.u32 $0x81, s3;
	[sflag:s8] =	ssyncpa.u1 $0x0;
	p0 =	sne.s32 s9, s11  }
0x12: {  	s23 =	smov.u32 s4;
	[sflag:s31] =	ssyncpa.u1 $0x0;
	s2 =	simm.s32 @!p0 $0x0  }
0x13: {  	vm0 =	vmmov $0xffff;
	v2 =	vlaneseq.u32;
	s6 =	sadd.s32 $0x1DA00, s0;
	s9 =	sadd.s32 $0x27800, s0;
	s10 =	sadd.s32 s2, s10  }
0x14: {  	vm1 =	vmxor vm1, vm1;
	vm2 =	vmmov $0x1;
	vm3 =	vcmask $0x3F3C;
	p0 =	por $0x0, $0x0;
	s11 =	sadd.s32 $0x1, s10;
	s12 =	sadd.s32 $0x2, s10  }
.LBB2_9:
0x15: {  	p1 =	slt.u32 s24, $0x3  }
0x16: {  	s0 =	simm.s32 @!p1 $0x2  }
0x17: {  	_ =	swait.ge @!p1 [sflag:s0], $0x1F40  }
0x18: {  	[sflag:s0] =	ssyncset.done @!p1 $0x0  }
0x19: {  	[sflag:s0] =	ssyncadd.s32 @!p1 $0xFFFFE0C0;
	s0 =	simm.s32 @!p1 $0x9  }
0x1a: {  	_ =	swait.ge @!p1 [sflag:s0], $0x10  }
0x1b: {  	[sflag:s0] =	ssyncset.done @!p1 $0x0  }
0x1c: {  	[sflag:s0] =	ssyncadd.s32 @!p1 $0xFFFFFFF0;
	p1 =	sne.s32 s24, s12  }
.Ltmp1:
0x1d: {  	s2 =	sadd.s32 $0x1F40, s23;
	(pc) =	sbr.rel @!p1 .LBB2_10-.Ltmp1, $4  }
0x1e: {  	s22 =	smov.u32 s4;
	s31 =	sadd.s32 $0x1, s24;
	s17 =	sadd.s32 $0x1F40, s17  }
0x1f: {  	s18 =	sadd.s32 $0x1, s18;
	s25 =	smov.u32 s23;
	p2 =	slt.s32 s2, s5  }
0x20: {  	p0 =	por !p0, !p0;
	s19 =	sadd.s32 $0x1F40, s19;
	s22 =	smov.u32 @p2 s2  }
0x21: {  	s20 =	sadd.s32 $0x1, s20;
	s23 =	smov.u32 s22;
	s24 =	smov.u32 s31  }
.LBB2_1:
0x22: {  	p1 =	sge.u32 s24, s10  }
0x23: {  	s0 =	smulhi.u32 @!p1 $0xAAAAAAAB, s24;
	_ =	sdelay $0x1  }
0x24: {  	s0 =	sshrl.u32 @!p1 s0, $0x1  }
0x25: {  	s0 =	smul.u32 @!p1 $0x3, s0;
	_ =	sdelay $0x1  }
0x26: {  	s0 =	ssub.s32 @!p1 s24, s0  }
0x27: {  	s0 =	smul.u32 @!p1 $0x7D00, s0;
	_ =	sdelay $0x1  }
0x28: {  	s2 =	sshrl.u32 @!p1 s23, $0x3;
	s0 =	sshrl.u32 @!p1 s0, $0x2  }
0x29: {  	s22 =	sand.u32 @!p1 $0x7, s23;
	s2 =	sadd.s32 @!p1 s6, s2;
	s0 =	sadd.s32 @!p1 $0x100, s0  }
0x2a: {  	[tilespmem:s0], [sflag:$0x7] =	stream.linear.gather @!p1 [hbm4b:s2+s22], $0x1F40, $0x38;
	[tilespmem:$0x11A60] =	vst v63  }
0x2b: {  	s0 =	sadd.s32 $0xFFFFFFFF, s24  }
0x2c: {  	p1 =	sge.u32 s0, s10  }
.Ltmp2:
0x2d: {  	_ = 	snop;
	(pc) =	sbr.rel @p1 .LBB2_5-.Ltmp2, $1  }
0x2e: {  	_ =	sdelay $0x3  }
0x2f: {  	s2 =	smulhi.u32 $0xAAAAAAAB, s0;
	_ =	sdelay $0x1  }
0x30: {  	s2 =	sshrl.u32 s2, $0x1  }
0x31: {  	s2 =	smul.u32 $0x3, s2;
	_ =	sdelay $0x1  }
0x32: {  	s2 =	ssub.s32 s0, s2  }
0x33: {  	s2 =	smul.u32 $0x7D00, s2  }
0x34: {  	_ =	swait.ge [sflag:s7], $0x1F40  }
0x35: {  	[sflag:s7] =	ssyncset.done $0x0;
	s2 =	sshrl.u32 s2, $0x2  }
0x36: {  	[sflag:s7] =	ssyncadd.s32 $0xFFFFE0C0;
	(ifvalue) =	ssetifvalue $0xFFFFFFFF;
	v3 =	vld.msk [tilespmem:s2+$0x100 ss:$0x1], $0xffff;
	_ =	sdelay $0x2  }
0x37: {  	s30 =	smulhi.u32 $0xAAAAAAAB, s18;
	p1 =	sne.s32 s24, $0x1  }
0x38: {  	v4 =	vimm.s32 @!p1 $0x0  }
0x39: {  	s2 =	sshrl.u32 s30, $0x1;
	v4 =	vperm.xlane @!p1 v3, v4  }
0x3a: {  	s22 =	sshll.u32 s24, $0x4;
	s2 =	smul.u32 $0xFFFE8900, s2;
	vm4 =	vlt.u32 v3, $0x2800  }
0x3b: {  	s22 =	sand.u32 $0x10, s22;
	v3 =	vnsel vm4, $0xFFFFFFFE, v3;
	vm4 =	vlt.u32 @!p1 v4, $0x2800  }
0x3c: {  	s2 =	sshra.s32 s2, $0x2;
	[tilespmem:s22+$0x60] =	vst v3;
	v3 =	vnsel @!p1 vm4, $0xFFFFFFFE, v4  }
0x3d: {  	s28 =	sadd.s32 s2, s17;
	[tilespmem:$0x80] =	vst @!p1 v3  }
0x3e: {  	v3 =	vld.msk [tilespmem:s28+$0x0 ss:$0x1], $0xffff;
	_ =	sdelay $0x4  }
0x3f: {  	(xrf1) =	vunique.msk.u32 $0xffff, v3;
	_ =	sdelay $0xd  }
0x40: {  	v4 =	vimm.s32 $0xFFFFFFFF;
	v5, _, _ =	vpop (xrf1)  }
0x41: {  	vm5 =	vne.s32 v3, v4;
	vm4 =	veq.s32 v5, v2  }
0x42: {  	vm6 =	vlt.u32 v3, $0x2800;
	vm4 =	vmand vm5, vm4  }
0x43: {  	vm4 =	vmand vm6, vm4  }
0x44: {  	v4 =	vnsel vm4, $0xFFFFFFFF, v3  }
0x45: {  	s31 =	sand.u32 $0x1, s0  }
0x46: {  	s0 =	simm.s32 $0x1F40;
	p1 =	seq.s32 s31, $0x1  }
0x47: {  	s0 =	simm.s32 @!p1 $0x0  }
0x48: {  	s26 =	sadd.s32 $0x7DF0, s0;
	(ifvalue) =	ssetifvalue $0xFFFFFFFF  }
0x49: {  	v3 =	vperm.xlane v3, v1;
	[tilespmem:s26], [sflag:$0x8] =	stream.indirect_vreg.gather [hbm4b:s1+s16], $0x1, v4, vm0, $0x4038;
	v4 =	vnsel vm6, $0xFFFFFFFE, v4;
	[tilespmem:$0x11A60] =	vst v63  }
0x4a: {  	s2 =	simm.s32 $0x0;
	s22 =	sadd.s32 $0xFFFFFFF0, s28;
	[tilespmem:s28+$0x0] =	vst v4  }
.LBB2_3:
0x4b: {  	v4 =	vld.msk [tilespmem:s22+$0x0 ss:$0x1], $0xffff;
	s2 =	sadd.s32 $0x10, s2;
	v5 =	vmov v3;
	s28 =	smov.u32 s22  }
0x4c: {  	p1 =	slt.u32 s2, $0x1F30;
	_ =	sdelay $0x4  }
0x4d: {  	v3 =	vperm.xlane v4, v1;
	(xrf1) =	vunique.msk.u32 $0xffff, v4;
	_ =	sdelay $0xd  }
0x4e: {  	v6, _, _ =	vpop (xrf1)  }
0x4f: {  	vm5 =	vne.s32 v4, v5;
	vm4 =	veq.s32 v6, v2  }
0x50: {  	vm6 =	vlt.u32 v4, $0x2800;
	vm4 =	vmand vm5, vm4  }
0x51: {  	vm4 =	vmand vm6, vm4  }
0x52: {  	v4 =	vnsel vm4, $0xFFFFFFFF, v4  }
.Ltmp3:
0x53: {  	v5 =	vnsel vm6, $0xFFFFFFFE, v4;
	(pc) =	sbr.rel @p1 .LBB2_3-.Ltmp3, $3  }
0x54: {  	_ =	sdelay $0x1  }
0x55: {  	s22 =	sadd.s32 $0xFFFFFFF0, s22;
	s26 =	sadd.s32 $0xFFFFFFF0, s26;
	(ifvalue) =	ssetifvalue $0xFFFFFFFF  }
0x56: {  	[tilespmem:s26], [sflag:$0x8] =	stream.indirect_vreg.gather [hbm4b:s1+s16], $0x1, v4, vm0, $0x4038;
	[tilespmem:s28+$0x0] =	vst v5  }
0x57: {  	s2 =	sshrl.u32 s25, $0x3  }
0x58: {  	s0 =	sadd.s32 $0x9D40, s0;
	s2 =	sadd.s32 s9, s2  }
0x59: {  	[tilespmem:s0], [sflag:$0x8] =	stream.linear.gather [hbm:s2], $0x1F40, $0x38;
	[tilespmem:$0x11A60] =	vst v63  }
.LBB2_5:
0x5a: {  	p1 =	slt.u32 s24, $0x2  }
0x5b: {  	p2 =	sge.u32 @!p1 s24, s12  }
0x5c: {  	p1 =	por p1, p2  }
.Ltmp4:
0x5d: {  	_ = 	snop;
	(pc) =	sbr.rel @p1 .LBB2_9-.Ltmp4, $1  }
0x5e: {  	_ =	sdelay $0x3  }
0x5f: {  	s0 =	sadd.s32 $0xFFFFFFFE, s24  }
0x60: {  	s2 =	smulhi.u32 $0xAAAAAAAB, s0;
	_ =	sdelay $0x1  }
0x61: {  	s2 =	sshrl.u32 s2, $0x1  }
0x62: {  	s2 =	smul.u32 $0x3, s2;
	_ =	sdelay $0x1  }
0x63: {  	s0 =	ssub.s32 s0, s2  }
0x64: {  	_ =	swait.ge [sflag:s8], $0x3E80;
	s0 =	smul.u32 $0x1F40, s0  }
0x65: {  	p1 =	sne.s32 s24, s11;
	[sflag:s8] =	ssyncset.done $0x0  }
0x66: {  	[sflag:s8] =	ssyncadd.s32 $0xFFFFC180;
	s2 =	sadd.s32 @!p1 $0x203F, s0  }
0x67: {  	[spmem:s14] =	stream.linear.scatter @!p1 [tilespmem:s2], [sflag:$0x1], $0x1, $0x38;
	[tilespmem:$0x11A60] =	vst v63  }
0x68: {  	s2 =	simm.s32 @!p1 $0x1  }
0x69: {  	_ =	swait.ge @!p1 [sflag:s2], $0x1  }
0x6a: {  	s22 =	sshll.u32 s24, $0x4;
	[sflag:s2] =	ssyncset.done @!p1 $0x0  }
0x6b: {  	s25 =	sand.u32 $0x10, s22;
	[sflag:s2] =	ssyncadd.s32 @!p1 $0xFFFFFFFF  }
0x6c: {  	s2 =	sxor.u32 $0x10, s25;
	v4 =	vld [tilespmem:s25+$0x10]  }
0x6d: {  	v5 =	vld [tilespmem:s2+$0x60]  }
0x6e: {  	v3 =	vld [tilespmem:$0x80];
	_ =	sdelay $0x2  }
0x6f: {  	(v2sf) =	vpush v4, $0x0  }
0x70: {  	(v2sf) =	vpush v5, $0x0  }
0x71: {  	(v2sf) =	vpush v3, $0x0;
	_ =	sdelay $0xc  }
0x72: {  	s22 =	spop (v2sf)  }
0x73: {  	s26 =	spop (v2sf)  }
0x74: {  	s28 =	spop (v2sf)  }
0x75: {  	p2 =	seq.s32 s22, s26;
	p3 =	seq.s32 s28, s22  }
0x76: {  	p3 =	por p2, p3  }
0x77: {  	s26 =	sand.u32 $0x1, s24;
	v4 =	vpsel p3, $0xFFFFFFFF, v4  }
0x78: {  	s29 =	smul.u32 $0x1F40, s26;
	[tilespmem:s25+$0x10] =	vst.msk $0x1, v4  }
0x79: {  	v4 =	vld [tilespmem:$0x30]  }
0x7a: {  	v5 =	vld [tilespmem:s29+$0x9D40]  }
0x7b: {  	v6 =	vld [tilespmem:s25+$0x40];
	_ =	sdelay $0x3  }
0x7c: {  	vm4 =	vmmov vm1;
	v5 =	vadd.f32 v5, v4  }
0x7d: {  	vm5 =	vmmov vm2;
	vm4 =	vmmov @p2 vm2;
	s22 =	sshll.u32 s26, $0x4;
	v4 =	vadd.f32 v6, v4  }
0x7e: {  	s26 =	sor.u32 $0x11A40, s22;
	vm5 =	vmmov @p3 vm1;
	[tilespmem:s29+$0x9D40] =	vst.msk vm4, v5  }
0x7f: {  	[tilespmem:s26+$0x0] =	vst.msk vm5, v4  }
0x80: {  	v4 =	vld [tilespmem:s29+$0x7DF0];
	_ =	sdelay $0x3  }
0x81: {  	v5 =	vimm.f32 $0.0e+00  }
0x82: {  	v4 =	vshift.insert v4, v5, s21  }
0x83: {  	s22 =	sor.u32 $0x40, s2  }
0x84: {  	[tilespmem:s22+$0x0] =	vst.msk $0x1, v4  }
0x85: {  	[tilespmem:s29+$0x7DFF] =	vst.msk $0x1, v5  }
0x86: {  	v4 =	vld [tilespmem:s0+$0x2030];
	_ =	sdelay $0x1  }
0x87: {  	s22 =	smulhi.u32 $0xAAAAAAAB, s20;
	s0 =	simm.s32 $0x1  }
0x88: {  	s0 =	simm.s32 @!p0 $0x0  }
0x89: {  	s22 =	sshrl.u32 s22, $0x1;
	s0 =	smul.u32 $0x7D00, s0  }
0x8a: {  	s22 =	smul.u32 $0xFFFE8900, s22;
	v4 =	vshift.insert v4, v1, s21  }
0x8b: {  	s0 =	sshrl.u32 s0, $0x2  }
0x8c: {  	s22 =	sshra.s32 s22, $0x2;
	s30 =	sadd.s32 $0x9D40, s0;
	[tilespmem:s2+$0x10] =	vst.msk $0x1, v4  }
0x8d: {  	s22 =	sadd.s32 s22, s19;
	v6 =	vld [tilespmem:s30+$0x0]  }
0x8e: {  	v7 =	vld [tilespmem:s22+$0x0];
	_ =	sdelay $0x3  }
0x8f: {  	v5 =	vadd.f32 v6, v5  }
0x90: {  	vm4 =	vne.s32 v7, $0xFFFFFFFF  }
0x91: {  	(xrf2) =	vadd.seg.scan.f32 vm4, v5;
	_ =	sdelay $0x3  }
0x92: {  	s31 =	sadd.s32 $0x5EC0, s0;
	v5 =	vperm.xlane v4, v1  }
0x93: {  	v6 =	vld [tilespmem:s31+$0x0]  }
0x94: {  	vm5 =	veq.s32 v7, v3;
	vm6 =	veq.s32 v7, v5  }
0x95: {  	vm7 =	vgt.u32 v7, $0xFFFFFFFD;
	vm6 =	vmor vm6, vm5  }
0x96: {  	vm6 =	vmor vm6, vm7  }
0x97: {  	v9 =	vld [tilespmem:$0xA0];
	v7 =	vsel vm6, $0xFFFFFFFF, v7  }
0x98: {  	v10 =	vld [tilespmem:$0x90];
	v6 =	vsel vm5, $0x0, v6;
	v8, _, _ =	vpop (xrf2)  }
0x99: {  	v6 =	vadd.f32 v8, v6  }
0x9a: {  	s0 =	sadd.s32 $0xDBC0, s0  }
0x9b: {  	vm4 =	vmand vm4, vm3;
	[tilespmem:s0+$0x0] =	vst v6;
	(ifvalue) =	ssetifvalue $0xFFFFFFFF  }
0x9c: {  	vm6 =	veq.s32 v9, $0x1;
	[hbm4b:s1+s16] =	stream.indirect_vreg.scatter [tilespmem:s0], [sflag:$0x2], $0x1, v7, vm0, $0x4038;
	v7 =	vsel vm4, $0x0, v8;
	[tilespmem:$0x11A60] =	vst v63  }
0x9d: {  	s2 =	simm.s32 $0x0;
	s22 =	sadd.s32 $0x10, s22;
	vm4 =	vmor vm6, vm5;
	v6 =	vsel vm5, v8, v10;
	v7 =	vshift.insert v7, v0, s21  }
.LBB2_7:
0x9e: {  	v8 =	vld [tilespmem:s22+$0x0];
	s30 =	sadd.s32 $0x10, s30  }
0x9f: {  	s31 =	sadd.s32 $0x10, s31;
	v9 =	vld [tilespmem:s30+$0x0]  }
0xa0: {  	s2 =	sadd.s32 $0x10, s2;
	v10 =	vld [tilespmem:s31+$0x0]  }
0xa1: {  	p2 =	slt.u32 s2, $0x1F30;
	_ =	sdelay $0x2  }
0xa2: {  	v7 =	vadd.f32 v9, v7  }
0xa3: {  	vm5 =	vne.s32 v8, $0xFFFFFFFF  }
0xa4: {  	vm6 =	vmand vm5, vm3;
	(xrf2) =	vadd.seg.scan.f32 vm5, v7;
	_ =	sdelay $0x5  }
0xa5: {  	vm7 =	veq.s32 v8, v5;
	vm5 =	veq.s32 v8, v3  }
0xa6: {  	vm8 =	vgt.u32 v8, $0xFFFFFFFD;
	vm4 =	vmor vm4, vm5;
	vm7 =	vmor vm7, vm5  }
0xa7: {  	vm7 =	vmor vm7, vm8  }
0xa8: {  	v8 =	vsel vm7, $0xFFFFFFFF, v8  }
.Ltmp5:
0xa9: {  	v7 =	vsel vm5, $0x0, v10;
	v9, _, _ =	vpop (xrf2);
	(pc) =	sbr.rel @p2 .LBB2_7-.Ltmp5, $4  }
0xaa: {  	v6 =	vsel vm5, v9, v6;
	v10 =	vadd.f32 v9, v7;
	v7 =	vsel vm6, $0x0, v9  }
0xab: {  	s0 =	sadd.s32 $0x10, s0;
	v7 =	vshift.insert v7, v0, s21  }
0xac: {  	s22 =	sadd.s32 $0x10, s22;
	[tilespmem:s0+$0x0] =	vst v10;
	(ifvalue) =	ssetifvalue $0xFFFFFFFF  }
0xad: {  	[hbm4b:s1+s16] =	stream.indirect_vreg.scatter [tilespmem:s0], [sflag:$0x2], $0x1, v8, vm0, $0x4038;
	[tilespmem:$0x11A60] =	vst v63  }
0xae: {  	v3 =	vld [tilespmem:s29+$0xFAF0];
	_ =	sdelay $0x4  }
0xaf: {  	v3 =	vshift.insert v3, v0, s21  }
0xb0: {  	s0 =	simm.s32 $0x30  }
0xb1: {  	[tilespmem:s0+$0x0] =	vst.msk $0x1, v3  }
0xb2: {  	v3 =	vsel vm4, $0x1, v1;
	[tilespmem:$0x90] =	vst v6  }
0xb3: {  	s0 =	sadd.s32 @!p1 $0xFAFF, s29;
	[tilespmem:$0xA0] =	vst v3  }
0xb4: {  	[spmem:s15] =	stream.linear.scatter @!p1 [tilespmem:s0], [sflag:$0x1], $0x1, $0x38;
	[tilespmem:$0x11A60] =	vst v63  }
0xb5: {  	s0 =	simm.s32 @!p1 $0x1  }
0xb6: {  	v3 =	vmctz.xlane @!p1 vm4;
	_ =	swait.ge @!p1 [sflag:s0], $0x1  }
0xb7: {  	(v2sf) =	vpush @!p1 v4, $0x0  }
0xb8: {  	(v2sf) =	vpush @!p1 v3, $0x0;
	_ =	sdelay $0xd  }
0xb9: {  	s2 =	spop @!p1 (v2sf)  }
0xba: {  	s22 =	spop @!p1 (v2sf)  }
0xbb: {  	p2 =	sne.s32 @!p1 s28, s2;
	p3 =	slt.s32 @!p1 s22, $0xF  }
0xbc: {  	[sflag:s0] =	ssyncset.done @!p1 $0x0;
	p2 =	por p2, p1;
	p3 =	por !p3, p1  }
0xbd: {  	[sflag:s0] =	ssyncadd.s32 @!p1 $0xFFFFFFFF;
	v3 =	vimm.s32 @!p2 $0xFFFFFFFF;
	s22 =	simm.s32 @p3 $0xF  }
0xbe: {  	[tilespmem:$0x80] =	vst @!p2 v3;
	s2 =	sadd.s32 @!p1 $0x90, s22  }
0xbf: {  	[spmem:s3] =	stream.linear.scatter @!p1 [tilespmem:s2], [sflag:$0x1], $0x1, $0x38;
	[tilespmem:$0x11A60] =	vst v63  }
0xc0: {  	_ =	swait.ge @!p1 [sflag:s0], $0x1  }
0xc1: {  	[sflag:s0] =	ssyncset.done @!p1 $0x0  }
0xc2: {  	s2 =	simm.s32 @!p1 $0x80;
	[sflag:s0] =	ssyncadd.s32 @!p1 $0xFFFFFFFF  }
0xc3: {  	[spmem:s13] =	stream.linear.scatter @!p1 [tilespmem:s2], [sflag:$0x1], $0x1, $0x38;
	[tilespmem:$0x11A60] =	vst v63  }
0xc4: {  	_ =	swait.ge @!p1 [sflag:s0], $0x1  }
0xc5: {  	[sflag:s0] =	ssyncset.done @!p1 $0x0  }
0xc6: {  	[sflag:s0] =	ssyncadd.s32 @!p1 $0xFFFFFFFF;
	(ifvalue) =	ssetifvalue $0xFFFFFFFF;
	v3 =	vld [tilespmem:s25+$0x10];
	_ =	sdelay $0x3  }
.Ltmp6:
0xc7: {  	_ = 	snop;
	(pc) =	sbr.rel .LBB2_9-.Ltmp6, $3  }
0xc8: {  	_ =	sdelay $0x1  }
0xc9: {  	(ifvalue) =	ssetifvalue $0xFFFFFFFF  }
0xca: {  	[hbm4b:s1+s16] =	stream.indirect_vreg.scatter [tilespmem:s26], [sflag:$0x9], $0x1, v3, vm0, $0x4038;
	[tilespmem:$0x11A60] =	vst v63  }
.LBB2_10:
0xcb: {  	_ =	sfence.sel $0x180000  }
0xcc: {  	s0 =	simm.s32 $0x7;
	[bflag:$0x0] =	sbarrier.arrive $0xFFFF  }
0xcd: {  	s26 =	simm.s32 $0x8;
	[sflag:s0] =	ssyncpa.u1 $0x1  }
0xce: {  	s28 =	simm.s32 $0x9;
	[sflag:s26] =	ssyncpa.u1 $0x1  }
0xcf: {  	[sflag:s28] =	ssyncpa.u1 $0x1  }
0xd0: {  	_ =	sfence.stream.spmem  }
0xd1: {  	s29 =	simm.s32 $0x3;
	[bflag:$0x0] =	sbarrier.arrive $0xFFFF  }
0xd2: {  	s30 =	simm.s32 $0x4;
	[sflag:s29] =	ssyncpa.u1 $0x1  }
0xd3: {  	s31 =	simm.s32 $0x3C;
	s2 =	stileid.u32;
	[sflag:s30] =	ssyncpa.u1 $0x1  }
0xd4: {  	p0 =	sne.s32 s2, $0x0;
	[sflag:s31] =	ssyncpa.u1 $0x1  }
0xd5: {  	s0 =	simm.s32 @p0 $0x1;
	_ =	sfence @p0  }
0xd6: {  	[sflag:s0] =	ssyncpa.u1 @p0 $0x1;
	s0 =	simm.s32 @p0 $0x2  }
0xd7: {  	[sflag:s0] =	ssyncpa.u1 @p0 $0x1  }
0xd8: {  	_ =	strace @p0 $0x90000047  }
0xd9: {  	[bflag:$0x2] =	sbarrier.arrive @p0 $0xFFFF  }
0xda: {  	_ =	shalt @p0  }
.LBB2_11:
0xdb: {  	_ =	sfence.stream.spmem;
	s0 =	simm.s32 $0x5  }
0xdc: {  	s2 =	simm.s32 $0x80;
	s3 =	simm.s32 $0xC0;
	[sflag:s0] =	ssyncpa.u1 $0x0  }
0xdd: {  	[tilespmem:s3], [sflag:$0x5] =	stream.linear.gather [spmem:s2], $0x20, $0x38;
	[tilespmem:$0x11A60] =	vst v63  }
0xde: {  	s2 =	simm.s32 $0x0;
	s3 =	simm.s32 $0xE0  }
0xdf: {  	[tilespmem:s3], [sflag:$0x5] =	stream.linear.gather [spmem:s2], $0x20, $0x38;
	[tilespmem:$0x11A60] =	vst v63  }
.Ltmp7:
0xe0: {  	_ = 	snop;
	(pc) =	sbr.rel .LBB2_12-.Ltmp7, $4  }
0xe1: {  	_ =	swait.ge [sflag:s0], $0x40  }
0xe2: {  	[sflag:s0] =	ssyncset.done $0x0  }
0xe3: {  	s31 =	simm.s32 $0x6;
	[sflag:s0] =	ssyncadd.s32 $0xFFFFFFC0  }
0xe4: {  	s4 =	simm.s32 $0x0;
	[sflag:s31] =	ssyncpa.u1 $0x0  }
.LBB2_17:
0xe5: {  	p0 =	sgt.u32 s5, $0x27FF  }
0xe6: {  	s0 =	sshrl.u32 @!p0 s5, $0x3  }
0xe7: {  	s5 =	sand.u32 @!p0 $0x7, s5;
	s6 =	simm.s32 @!p0 $0xB0;
	s0 =	sadd.s32 @!p0 s1, s0  }
0xe8: {  	[tilespmem:s6], [sflag:$0x6] =	stream.linear.gather @!p0 [hbm4b:s0+s5], $0x1, $0x38;
	[tilespmem:$0x11A60] =	vst v63  }
0xe9: {  	s0 =	simm.s32 @!p0 $0x6  }
0xea: {  	_ =	swait.ge @!p0 [sflag:s0], $0x1  }
0xeb: {  	[sflag:s0] =	ssyncset.done @!p0 $0x0  }
0xec: {  	[sflag:s0] =	ssyncadd.s32 @!p0 $0xFFFFFFFF  }
0xed: {  	v2 =	vmov @!p0 s4;
	v1 =	vld.msk @!p0 [tilespmem:$0xB0], $0x1;
	_ =	sdelay $0x3  }
0xee: {  	s0 =	simm.s32 @!p0 $0xE0  }
0xef: {  	[tilespmem:v2+s0+$0x0], v1 =	vst.idx.ret.add.f32.msk @!p0 $0x1, v1  }
0xf0: {  	[tilespmem:s2+$0xC0] =	vst.msk $0x1, v0  }
0xf1: {  	v0 =	vld.msk [tilespmem:s4+$0xE0], $0x1;
	_ =	sdelay $0x4  }
0xf2: {  	[tilespmem:s2+$0xE0] =	vst.msk $0x1, v0;
	s2 =	sadd.s32 $0x1, s2  }
.LBB2_19:
0xf3: {  	s4 =	sadd.s32 $0x1, s4  }
0xf4: {  	p0 =	sne.s32 s4, $0x20  }
.Ltmp8:
0xf5: {  	_ = 	snop;
	(pc) =	sbr.rel @!p0 .LBB2_20-.Ltmp8, $1  }
0xf6: {  	_ =	sdelay $0x3  }
.LBB2_12:
0xf7: {  	v0 =	vld.msk [tilespmem:s4+$0xC0], $0x1;
	_ =	sdelay $0x4  }
0xf8: {  	(v2sf) =	vpush v0, $0x0;
	_ =	sdelay $0xe  }
0xf9: {  	s5 =	spop (v2sf)  }
0xfa: {  	p0 =	seq.s32 s5, $0xFFFFFFFF  }
.Ltmp9:
0xfb: {  	_ = 	snop;
	(pc) =	sbr.rel @p0 .LBB2_19-.Ltmp9, $1  }
0xfc: {  	_ =	sdelay $0x3  }
0xfd: {  	p0 =	slt.s32 s2, $0x1  }
.Ltmp10:
0xfe: {  	_ = 	snop;
	(pc) =	sbr.rel @p0 .LBB2_17-.Ltmp10, $1  }
0xff: {  	_ =	sdelay $0x3  }
0x100: {  	s0 =	simm.s32 $0xC0;
	p0 =	por $0x0, $0x0  }
0x101: {  	v1 =	vld.msk @!p0 [tilespmem:s0+$0x0], $0x1;
	_ =	sdelay $0x4  }
0x102: {  	(v2sf) =	vpush @!p0 v1, $0x0;
	_ =	sdelay $0xd  }
0x103: {  	p2 =	sne.s32 s2, $0x1  }
.Ltmp11:
0x104: {  	s6 =	spop @!p0 (v2sf);
	(pc) =	sbr.rel @!p2 .LBB2_16-.Ltmp11, $4  }
0x105: {  	p1 =	seq.s32 @!p0 s5, s6  }
0x106: {  	s6 =	simm.s32 $0x0;
	p1 =	por !p1, p0  }
0x107: {  	s8 =	simm.s32 $0xFFFFFFFF;
	s6 =	simm.s32 @p1 $0xFFFFFFFF  }
0x108: {  	s7 =	simm.s32 $0x1;
	s6 =	smov.u32 @p0 s8  }
.LBB2_15:
0x109: {  	s8 =	smov.u32 s6;
	p0 =	sne.s32 s6, $0xFFFFFFFF  }
0x10a: {  	s0 =	sadd.s32 $0x1, s0;
	s6 =	smov.u32 s7;
	s7 =	sadd.s32 $0x1, s7  }
0x10b: {  	p1 =	sne.s32 s2, s7;
	v1 =	vld.msk @!p0 [tilespmem:s0+$0x0], $0x1;
	_ =	sdelay $0x4  }
0x10c: {  	(v2sf) =	vpush @!p0 v1, $0x0;
	_ =	sdelay $0xe  }
.Ltmp12:
0x10d: {  	s9 =	spop @!p0 (v2sf);
	(pc) =	sbr.rel @p1 .LBB2_15-.Ltmp12, $4  }
0x10e: {  	p2 =	seq.s32 @!p0 s5, s9  }
0x10f: {  	p2 =	por !p2, p0  }
0x110: {  	s6 =	simm.s32 @p2 $0xFFFFFFFF  }
0x111: {  	s6 =	smov.u32 @p0 s8  }
.LBB2_16:
0x112: {  	p0 =	sne.s32 s6, $0xFFFFFFFF  }
.Ltmp13:
0x113: {  	_ = 	snop;
	(pc) =	sbr.rel @!p0 .LBB2_17-.Ltmp13, $1  }
0x114: {  	_ =	sdelay $0x3  }
0x115: {  	v0 =	vld.msk [tilespmem:s4+$0xE0], $0x1;
	v1 =	vmov s6  }
.Ltmp14:
0x116: {  	_ = 	snop;
	(pc) =	sbr.rel .LBB2_19-.Ltmp14, $2  }
0x117: {  	_ =	sdelay $0x2  }
0x118: {  	[tilespmem:v1+s3+$0x0], v0 =	vst.idx.ret.add.f32.msk $0x1, v0  }
.LBB2_20:
0x119: {  	p0 =	slt.s32 s2, $0x1  }
.Ltmp15:
0x11a: {  	_ = 	snop;
	(pc) =	sbr.rel @p0 .LBB2_24-.Ltmp15, $3  }
0x11b: {  	_ =	sdelay $0x1  }
0x11c: {  	s0 =	simm.s32 $0x6  }
0x11d: {  	s3 =	simm.s32 $0x0;
	[sflag:s0] =	ssyncpa.u1 $0x1  }
0x11e: {  	s0 =	simm.s32 $0xC0  }
0x11f: {  	v0 =	vld.msk [tilespmem:s0+$0x0], $0x1;
	_ =	sdelay $0x4  }
0x120: {  	(v2sf) =	vpush v0, $0x0;
	_ =	sdelay $0xe  }
0x121: {  	s2 =	sadd.s32 $0xFFFFFFFF, s2;
	s4 =	spop (v2sf)  }
0x122: {  	p1 =	sne.s32 s2, $0x0;
	p0 =	sgt.u32 s4, $0x27FF  }
.Ltmp16:
0x123: {  	s5 =	sshrl.u32 @!p0 s4, $0x3;
	(pc) =	sbr.rel @!p1 .LBB2_23-.Ltmp16, $4  }
0x124: {  	s0 =	simm.s32 $0xE0;
	s4 =	sand.u32 @!p0 $0x7, s4;
	s5 =	sadd.s32 @!p0 s1, s5  }
0x125: {  	[hbm4b:s5+s4] =	stream.linear.scatter @!p0 [tilespmem:s0], [sflag:$0x5], $0x1, $0x38;
	[tilespmem:$0x11A60] =	vst v63  }
0x126: {  	s5 =	simm.s32 $0x0  }
0x127: {  	s4 =	simm.s32 $0xC1;
	s5 =	simm.s32 @!p0 $0x4  }
.LBB2_22:
0x128: {  	v0 =	vld.msk [tilespmem:s4+$0x0], $0x1;
	s2 =	sadd.s32 $0xFFFFFFFF, s2;
	s3 =	sadd.s32 s3, s5  }
0x129: {  	p0 =	sne.s32 s2, $0x0;
	_ =	sdelay $0x3  }
0x12a: {  	(v2sf) =	vpush v0, $0x0;
	_ =	sdelay $0xe  }
.Ltmp17:
0x12b: {  	s6 =	spop (v2sf);
	(pc) =	sbr.rel @p0 .LBB2_22-.Ltmp17, $4  }
0x12c: {  	s5 =	simm.s32 $0x0;
	p1 =	sgt.u32 s6, $0x27FF  }
0x12d: {  	s0 =	sadd.s32 $0x1, s0;
	s5 =	simm.s32 @!p1 $0x4;
	s7 =	sshrl.u32 @!p1 s6, $0x3  }
0x12e: {  	s4 =	sadd.s32 $0x1, s4;
	s6 =	sand.u32 @!p1 $0x7, s6;
	s7 =	sadd.s32 @!p1 s1, s7  }
0x12f: {  	[hbm4b:s7+s6] =	stream.linear.scatter @!p1 [tilespmem:s0], [sflag:$0x5], $0x1, $0x38;
	[tilespmem:$0x11A60] =	vst v63  }
.LBB2_23:
0x130: {  	s0 =	sadd.s32 s3, s5  }
0x131: {  	s3 =	sshrl.u32 s0, $0x2  }
.LBB2_24:
0x132: {  	s0 =	simm.s32 $0x5  }
0x133: {  	_ =	swait.ge [sflag:s0], s3  }
0x134: {  	s1 =	ssub.s32 $0x0, s3;
	[sflag:s0] =	ssyncset.done $0x0  }
0x135: {  	[sflag:s0] =	ssyncadd.s32 s1  }
0x136: {  	[sflag:s0] =	ssyncpa.u1 $0x1  }
0x137: {  	s29 =	simm.s32 $0x1;
	_ =	sfence  }
0x138: {  	s30 =	simm.s32 $0x2;
	[sflag:s29] =	ssyncpa.u1 $0x1  }
0x139: {  	[sflag:s30] =	ssyncpa.u1 $0x1  }
0x13a: {  	_ =	strace $0x90000047  }
0x13b: {  	[bflag:$0x2] =	sbarrier.arrive $0xFFFF  }
0x13c: {  	s31 =	rddreg [dreg:$0x2]  }
0x13d: {  	s0 =	sadd.s32 $0x100000, s31  }
0x13e: {  	[sflag:s0] =	ssyncadd.tile.s32 $0x1;
	_ =	shalt  }
.Lfunc_end2:
_tile_overlayer_lowered:
.L_overlay_start_2:
0x13f: {  	(tag) =	ssettag $0x2  }
0x140: {  	s0 =	rddreg [dreg:$0x0];
	s2 =	stileid.u32  }
0x141: {  	s1 =	rddreg [dreg:$0x1];
	p0 =	sne.s32 s2, $0x0  }
0x142: {  	s3 =	rddreg [dreg:$0x2];
	[bflag:$0x3] =	sbarrier.arrive $0xFFFF;
	s2 =	simm.s32 @!p0 $0x1C01  }
0x143: {  	[timem:s3], [sflag:s2] =	dma.local @!p0 [hbm:s0], s1  }
0x144: {  	s0 =	simm.s32 @!p0 $0x1  }
0x145: {  	_ =	swait.ge @!p0 [sflag:s0], s1  }
0x146: {  	s1 =	ssub.s32 @!p0 $0x0, s1;
	[sflag:s0] =	ssyncset.done @!p0 $0x0  }
0x147: {  	[sflag:s0] =	ssyncadd.s32 @!p0 s1  }
0x148: {  	[bflag:$0x3] =	sbarrier.arrive $0xFFFF  }
0x149: {  	_ =	shalt  }

// kernel: scatter_offload_async_start.2
scs
__scs_entry_jumppad:
0x0: {  	(pc) =	sbr.rel $0x88, $3  }
0x1: {  	(tag) =	ssettag $0x0;
	lr =	simm.s32 $0x1  }
0x2: {  	[smem:$0x3F9B] =	sst lr;
	_ =	strace $0xD0000000  }
0x3: {  	_ = 	snop  }
0x4: {  	_ = 	snop  }
0x5: {  	_ = 	snop  }
0x6: {  	_ = 	snop  }
0x7: {  	_ = 	snop  }
__scs_overlays_trampoline_lowered:
0x8: {  	[smem:$0x3FAA] =	sst s0  }
0x9: {  	[smem:$0x3FAB] =	sst s1  }
0xa: {  	[smem:$0x3FAC] =	sst s2  }
0xb: {  	[smem:$0x3FAD] =	sst s3  }
0xc: {  	[smem:$0x3FAE] =	sst s4  }
0xd: {  	[smem:$0x3FAF] =	sst s5  }
0xe: {  	[smem:$0x3FB0] =	sst s6  }
0xf: {  	[smem:$0x3FB1] =	sst s7  }
0x10: {  	[smem:$0x3FB2] =	sst s8  }
0x11: {  	[smem:$0x3FB3] =	sst s9;
	s0 =	simm.s32 @!p0 $0x0  }
0x12: {  	s1 =	sld [smem:$0x3F99];
	s0 =	simm.s32 @p0 $0x1  }
0x13: {  	[smem:$0x3FB4] =	sst s0;
	s0 =	simm.s32 @!p1 $0x0  }
0x14: {  	s2 =	sld [smem:$0x3F98];
	s0 =	simm.s32 @p1 $0x1  }
0x15: {  	[smem:$0x3FB5] =	sst s0;
	s0 =	simm.s32 @!p2 $0x0  }
0x16: {  	s3 =	sld [smem:$0x3FDB];
	s0 =	simm.s32 @p2 $0x1  }
0x17: {  	s4 =	simm.s32 $0x1BF5;
	[smem:$0x3FB7] =	sst s0  }
0x18: {  	s0 =	sld [smem:$0x3F9A];
	_ =	swait.ge [sflag:s4], $0x0  }
0x19: {  	s7 =	sld [smem:$0x3F9B]  }
0x1a: {  	s8 =	sadd.s32 $0xFFFFE003, lr  }
0x1b: {  	s9 =	sadd.s32 $0xFFFFFEF7, lr;
	s5 =	simm.s32 $0xFFFFFFFF;
	p2 =	slt.u32 s8, $0xFFFFF086  }
0x1c: {  	p1 =	slt.u32 s9, $0xF7A;
	s5 =	simm.s32 @!p2 $0x0  }
0x1d: {  	s5 =	simm.s32 @p1 $0x1;
	p0 =	seq.s32 s7, s2  }
0x1e: {  	s7 =	smul.u32 @!p0 $0xF7A, s2;
	p2 =	seq.s32 @!p0 s5, $0x0  }
0x1f: {  	s9 =	smul.u32 $0xF7A, s1;
	s8 =	simm.s32 @!p0 $0x1BF5;
	p2 =	por !p2, p0  }
0x20: {  	[sflag:s8] =	ssyncset.s32 @!p0 $0xFFFFF086;
	s6 =	sadd.s32 @!p0 s3, s7;
	s7 =	simm.s32 @!p0 $0x108  }
0x21: {  	s3 =	sadd.s32 s3, s9;
	s6 =	sadd.s32 @!p0 $0x88, s6;
	s7 =	simm.s32 @p2 $0x1082  }
0x22: {  	[simem:s7], [sflag:s8] =	dma.local @!p0 [hbm:s6], $0xF7A  }
0x23: {  	s9 =	sor.u32 $0xD0000000, s2;
	s6 =	simm.s32 $0x108;
	_ =	swait.ge @!p0 [sflag:s8], $0x0  }
0x24: {  	s3 =	sadd.s32 $0x88, s3;
	s6 =	simm.s32 @!p1 $0x1082;
	[sflag:s4] =	ssyncset.s32 $0xFFFFF086  }
0x25: {  	[simem:s6], [sflag:s4] =	dma.local [hbm:s3], $0xF7A  }
0x26: {  	[smem:$0x3F9B] =	sst s1;
	(tag) =	ssettag s2;
	_ =	strace s9  }
0x27: {  	s1 =	sld [smem:$0x3FAB]  }
0x28: {  	s2 =	sld [smem:$0x3FAC]  }
0x29: {  	s4 =	sld [smem:$0x3FAE]  }
0x2a: {  	p0 =	seq.s32 s5, $0x0;
	s5 =	sld [smem:$0x3FAF]  }
0x2b: {  	s6 =	sld [smem:$0x3FB0]  }
0x2c: {  	s7 =	sld [smem:$0x3FB1]  }
0x2d: {  	s3 =	simm.s32 $0x108;
	s8 =	sld [smem:$0x3FB2]  }
0x2e: {  	s3 =	simm.s32 @!p0 $0x1082;
	s9 =	sld [smem:$0x3FB3]  }
0x2f: {  	lr =	sadd.s32 s0, s3;
	s0 =	sld [smem:$0x3FAA]  }
0x30: {  	s3 =	sld [smem:$0x3FAD]  }
0x31: {  	[smem:$0x3FB6] =	sst s10  }
0x32: {  	s10 =	sld [smem:$0x3FB4];
	_ =	sdelay $0x3  }
0x33: {  	p0 =	seq.s32 s10, $0x1;
	s10 =	sld [smem:$0x3FB6];
	_ =	sdelay $0x3  }
0x34: {  	[smem:$0x3FB6] =	sst s10  }
0x35: {  	s10 =	sld [smem:$0x3FB5];
	_ =	sdelay $0x3  }
0x36: {  	p1 =	seq.s32 s10, $0x1;
	s10 =	sld [smem:$0x3FB6];
	_ =	sdelay $0x3  }
0x37: {  	[smem:$0x3FB6] =	sst s10  }
0x38: {  	s10 =	sld [smem:$0x3FB7]  }
0x39: {  	_ = 	snop;
	(pc) =	sbr.ind lr, $3  }
0x3a: {  	_ = 	snop  }
0x3b: {  	_ = 	snop  }
0x3c: {  	p2 =	seq.s32 s10, $0x1;
	s10 =	sld [smem:$0x3FB6]  }
0x3d: {  	_ =	shalt  }
0x3e: {  	_ =	shalt  }
0x3f: {  	_ =	shalt  }
0x40: {  	_ =	shalt  }
0x41: {  	_ =	shalt  }
0x42: {  	_ =	shalt  }
0x43: {  	_ =	shalt  }
0x44: {  	_ =	shalt  }
0x45: {  	_ =	shalt  }
0x46: {  	_ =	shalt  }
0x47: {  	_ =	shalt  }
0x48: {  	_ =	shalt  }
0x49: {  	_ =	shalt  }
0x4a: {  	_ =	shalt  }
0x4b: {  	_ =	shalt  }
0x4c: {  	_ =	shalt  }
0x4d: {  	_ =	shalt  }
0x4e: {  	_ =	shalt  }
0x4f: {  	_ =	shalt  }
0x50: {  	_ =	shalt  }
0x51: {  	_ =	shalt  }
0x52: {  	_ =	shalt  }
0x53: {  	_ =	shalt  }
0x54: {  	_ =	shalt  }
0x55: {  	_ =	shalt  }
0x56: {  	_ =	shalt  }
0x57: {  	_ =	shalt  }
0x58: {  	_ =	shalt  }
0x59: {  	_ =	shalt  }
0x5a: {  	_ =	shalt  }
0x5b: {  	_ =	shalt  }
0x5c: {  	_ =	shalt  }
0x5d: {  	_ =	shalt  }
0x5e: {  	_ =	shalt  }
0x5f: {  	_ =	shalt  }
0x60: {  	_ =	shalt  }
0x61: {  	_ =	shalt  }
0x62: {  	_ =	shalt  }
0x63: {  	_ =	shalt  }
0x64: {  	_ =	shalt  }
0x65: {  	_ =	shalt  }
0x66: {  	_ =	shalt  }
0x67: {  	_ =	shalt  }
0x68: {  	_ =	shalt  }
0x69: {  	_ =	shalt  }
0x6a: {  	_ =	shalt  }
0x6b: {  	_ =	shalt  }
0x6c: {  	_ =	shalt  }
0x6d: {  	_ =	shalt  }
0x6e: {  	_ =	shalt  }
0x6f: {  	_ =	shalt  }
0x70: {  	_ =	shalt  }
0x71: {  	_ =	shalt  }
0x72: {  	_ =	shalt  }
0x73: {  	_ =	shalt  }
0x74: {  	_ =	shalt  }
0x75: {  	_ =	shalt  }
0x76: {  	_ =	shalt  }
0x77: {  	_ =	shalt  }
0x78: {  	_ =	shalt  }
0x79: {  	_ =	shalt  }
0x7a: {  	_ =	shalt  }
0x7b: {  	_ =	shalt  }
0x7c: {  	_ =	shalt  }
0x7d: {  	_ =	shalt  }
0x7e: {  	_ =	shalt  }
0x7f: {  	_ =	shalt  }
0x80: {  	_ =	shalt  }
0x81: {  	_ =	shalt  }
0x82: {  	_ =	shalt  }
0x83: {  	_ =	shalt  }
0x84: {  	_ =	shalt  }
0x85: {  	_ =	shalt  }
0x86: {  	_ =	shalt  }
0x87: {  	_ =	shalt  }
.Lfunc_end0:
.L_simem_size_0:
called_computation.2_lowered:
.L_overlay_start_0:
0x88: {  	s2 =	sld [smem:$0x3FD9]  }
0x89: {  	s3 =	sld [smem:$0x3FFE];
	_ =	sdelay $0x1  }
0x8a: {  	s1 =	srdreg.scid  }
0x8b: {  	s0 =	sand.u32 $0x1, s1  }
0x8c: {  	s15 =	sshll.u32 s0, $0xA;
	s2 =	sadd.s32 s3, s2  }
0x8d: {  	s2 =	sadd.s32 s2, s15  }
0x8e: {  	[smem:$0x3FC2] =	sst s2  }
0x8f: {  	_ = 	snop  }
0x90: {  	(tm) =	ssettm $0x1  }
0x91: {  	s16 =	sld [smem:$0x3FFB];
	_ =	sdelay $0x3  }
0x92: {  	_ =	strace s16  }
0x93: {  	s2 =	sld [smem:$0x3FFC];
	_ =	sdelay $0x3  }
0x94: {  	_ =	strace s2  }
0x95: {  	s2 =	sld [smem:$0x3FFD];
	_ =	sdelay $0x3  }
0x96: {  	_ =	strace s2  }
0x97: {  	_ =	strace $0x8FFFFFFF  }
0x98: {  	s17 =	sld [smem:$0x3FDB];
	_ =	sdelay $0x1  }
0x99: {  	s18 =	simm.s32 $_scs_section_size  }
0x9a: {  	s4 =	simm.s32 $_size__tile_overlayer_lowered;
	s5 =	simm.s32 $_tile_overlayer_lowered  }
0x9b: {  	s21 =	simm.s32 $0x1BFF;
	s20 =	sshll.u32 s5, $0x1;
	s2 =	sadd.s32 s18, s17  }
0x9c: {  	s6 =	simm.s32 $0x0;
	s19 =	sshll.u32 s4, $0x1;
	s4 =	sadd.s32 s20, s2  }
0x9d: {  	[timem:s6], [sflag:s21] =	dma.local [hbm:s4], s19  }
0x9e: {  	_ =	swait.ge [sflag:s21], s19  }
0x9f: {  	s3 =	ssub.s32 $0x0, s19;
	[sflag:s21] =	ssyncset.done $0x0  }
0xa0: {  	[sflag:s21] =	ssyncadd.s32 s3;
	_ =	sdelay $0x1  }
0xa1: {  	s22 =	simm.s32 $0x1B8B  }
0xa2: {  	_ =	swait.ge [sflag:s22], $0x1  }
0xa3: {  	[sflag:s22] =	ssyncset.done $0x0  }
0xa4: {  	s23 =	sld [smem:$0x3FFE];
	[sflag:s22] =	ssyncadd.s32 $0xFFFFFFFF  }
0xa5: {  	s25 =	simm.s32 $0x1B8E;
	s24 =	sld [smem:$0x0]  }
0xa6: {  	s26 =	simm.s32 $execute0_lowered;
	[smem:$0x3FD2] =	sst s25  }
0xa7: {  	s5 =	sshll.u32 s26, $0x1;
	_ =	strace $0x8000004C;
	[dreg:$0x1] =	wrdreg $0xFFFFFFFF  }
0xa8: {  	s28 =	simm.s32 $_size_execute0_lowered;
	s2 =	sadd.s32 s2, s5;
	[dreg:$0x0] =	wrdreg $0x0  }
0xa9: {  	s5 =	sshll.u32 s28, $0x1;
	[dreg:$0x2] =	wrdreg s2  }
0xaa: {  	[dreg:$0x3] =	wrdreg s5  }
0xab: {  	[dreg:$0x4] =	wrdreg $0xC0  }
0xac: {  	_ =	task [dreg:s6], $0x5FFFF  }
0xad: {  	[dreg:$0x1] =	wrdreg $0xFFFFFFFF  }
0xae: {  	[dreg:$0x0] =	wrdreg $0x60  }
0xaf: {  	[dreg:$0x2] =	wrdreg s23  }
0xb0: {  	[dreg:$0x3] =	wrdreg s1  }
0xb1: {  	[dreg:$0x4] =	wrdreg s24  }
0xb2: {  	[dreg:$0x5] =	wrdreg $0x9  }
0xb3: {  	_ =	task.clear_ibuf [dreg:s6], $0x6FFFF;
	_ =	strace $0x9000004C  }
0xb4: {  	s29 =	simm.s32 $0x9;
	_ =	strace $0x8000004E  }
0xb5: {  	_ =	swait.ge [sflag:s29], $0x1  }
0xb6: {  	[sflag:s29] =	ssyncadd.s32 $0xFFFFFFFF  }
0xb7: {  	_ =	strace $0x9000004E  }
0xb8: {  	_ =	sfence  }
0xb9: {  	s30 =	sld [smem:$0x0];
	_ =	sdelay $0x2  }
0xba: {  	s31 =	sshll.u32 s1, $0xD;
	s1 =	sshrl.u32 s1, $0x2  }
0xbb: {  	s3 =	sand.u32 $0x4000, s31;
	s1 =	sadd.s32 s1, s30  }
0xbc: {  	s0 =	sor.u32 s3, s0;
	s1 =	sshll.u32 s1, $0x11  }
0xbd: {  	s0 =	sor.u32 s1, s0  }
0xbe: {  	s0 =	sadd.s32 $0x8F2B, s0  }
0xbf: {  	[sflag:s0] =	ssyncadd.remote.s32 $0x1  }
0xc0: {  	_ =	sfence.sel $0xFFFF  }
0xc1: {  	[dreg:$0x0] =	wrdreg $0xFFFFFFFF;
	(pc) =	sbr.abs _section_cstart, $3  }
0xc2: {  	[dreg:$0x1] =	wrdreg $0xFFFFFFFF  }
0xc3: {  	_ =	task.clear_ibuf [dreg:s6], $0x2FFFF;
	_ =	strace $0x9FFFFFFF  }
0xc4: {  	(tm) =	ssettm $0x7FFFFFFF  }
0xc5: {  	_ =	shalt  }
tec
execute0_lowered:
.L_overlay_start_1:
0x0: {  	(tag) =	ssettag $0x1  }
0x1: {  	s6 =	rddreg [dreg:$0x0]  }
0x2: {  	s2 =	rddreg [dreg:$0x1];
	_ =	strace $0x8000004D;
	s7 =	simm.s32 $0x1  }
0x3: {  	v0 =	vimm.s32 $0x0;
	[sflag:s7] =	ssyncpa.u1 $0x0  }
0x4: {  	[tilespmem:$0x48] =	vst v0  }
0x5: {  	[tilespmem:$0x58] =	vst v0  }
0x6: {  	[tilespmem:$0x68] =	vst v0  }
0x7: {  	[tilespmem:$0x78] =	vst v0  }
0x8: {  	[tilespmem:$0x88] =	vst v0  }
0x9: {  	[tilespmem:$0x98] =	vst v0  }
0xa: {  	[tilespmem:$0xA8] =	vst v0  }
0xb: {  	[tilespmem:$0xB8] =	vst v0  }
0xc: {  	[tilespmem:$0xC8] =	vst v0  }
0xd: {  	[tilespmem:$0xD8] =	vst v0  }
0xe: {  	[tilespmem:$0xE8] =	vst v0  }
0xf: {  	[tilespmem:$0xF8] =	vst v0  }
0x10: {  	[tilespmem:$0x108] =	vst v0  }
0x11: {  	[tilespmem:$0x118] =	vst v0  }
0x12: {  	[tilespmem:$0x128] =	vst v0  }
0x13: {  	[tilespmem:$0x138] =	vst v0  }
0x14: {  	[tilespmem:$0x148] =	vst v0  }
0x15: {  	[tilespmem:$0x158] =	vst v0  }
0x16: {  	[tilespmem:$0x168] =	vst v0  }
0x17: {  	[tilespmem:$0x178] =	vst v0  }
0x18: {  	[tilespmem:$0x188] =	vst v0  }
0x19: {  	[tilespmem:$0x198] =	vst v0  }
0x1a: {  	[tilespmem:$0x1A8] =	vst v0  }
0x1b: {  	[tilespmem:$0x1B8] =	vst v0  }
0x1c: {  	[tilespmem:$0x1C8] =	vst v0  }
0x1d: {  	[tilespmem:$0x1D8] =	vst v0  }
0x1e: {  	[tilespmem:$0x1E8] =	vst v0  }
0x1f: {  	[tilespmem:$0x1F8] =	vst v0  }
0x20: {  	[tilespmem:$0x208] =	vst v0  }
0x21: {  	[tilespmem:$0x218] =	vst v0  }
0x22: {  	[tilespmem:$0x228] =	vst v0  }
0x23: {  	[tilespmem:$0x238] =	vst v0  }
0x24: {  	[tilespmem:$0x248] =	vst v0  }
0x25: {  	[tilespmem:$0x258] =	vst v0  }
0x26: {  	[tilespmem:$0x268] =	vst v0  }
0x27: {  	[tilespmem:$0x278] =	vst v0  }
0x28: {  	[tilespmem:$0x288] =	vst v0  }
0x29: {  	[tilespmem:$0x298] =	vst v0  }
0x2a: {  	[tilespmem:$0x2A8] =	vst v0  }
0x2b: {  	[tilespmem:$0x2B8] =	vst v0  }
0x2c: {  	[tilespmem:$0x2C8] =	vst v0  }
0x2d: {  	[tilespmem:$0x2D8] =	vst v0  }
0x2e: {  	[tilespmem:$0x2E8] =	vst v0  }
0x2f: {  	[tilespmem:$0x2F8] =	vst v0  }
0x30: {  	[tilespmem:$0x308] =	vst v0  }
0x31: {  	[tilespmem:$0x318] =	vst v0  }
0x32: {  	[tilespmem:$0x328] =	vst v0  }
0x33: {  	[tilespmem:$0x338] =	vst v0  }
0x34: {  	[tilespmem:$0x348] =	vst v0  }
0x35: {  	[tilespmem:$0x358] =	vst v0  }
0x36: {  	[tilespmem:$0x368] =	vst v0  }
0x37: {  	[tilespmem:$0x378] =	vst v0  }
0x38: {  	[tilespmem:$0x388] =	vst v0  }
0x39: {  	[tilespmem:$0x398] =	vst v0  }
0x3a: {  	[tilespmem:$0x3A8] =	vst v0  }
0x3b: {  	[tilespmem:$0x3B8] =	vst v0  }
0x3c: {  	[tilespmem:$0x3C8] =	vst v0  }
0x3d: {  	[tilespmem:$0x3D8] =	vst v0  }
0x3e: {  	[tilespmem:$0x3E8] =	vst v0  }
0x3f: {  	[tilespmem:$0x3F8] =	vst v0  }
0x40: {  	[tilespmem:$0x408] =	vst v0  }
0x41: {  	[tilespmem:$0x418] =	vst v0  }
0x42: {  	[tilespmem:$0x428] =	vst v0  }
0x43: {  	[tilespmem:$0x438] =	vst v0  }
0x44: {  	[tilespmem:$0x448] =	vst v0  }
0x45: {  	[tilespmem:$0x458] =	vst v0  }
0x46: {  	[tilespmem:$0x468] =	vst v0  }
0x47: {  	[tilespmem:$0x478] =	vst v0  }
0x48: {  	[tilespmem:$0x488] =	vst v0  }
0x49: {  	[tilespmem:$0x498] =	vst v0  }
0x4a: {  	[tilespmem:$0x4A8] =	vst v0  }
0x4b: {  	[tilespmem:$0x4B8] =	vst v0  }
0x4c: {  	[tilespmem:$0x4C8] =	vst v0  }
0x4d: {  	[tilespmem:$0x4D8] =	vst v0  }
0x4e: {  	[tilespmem:$0x4E8] =	vst v0  }
0x4f: {  	[tilespmem:$0x4F8] =	vst v0  }
0x50: {  	[tilespmem:$0x508] =	vst v0  }
0x51: {  	[tilespmem:$0x518] =	vst v0  }
0x52: {  	[tilespmem:$0x528] =	vst v0  }
0x53: {  	[tilespmem:$0x538] =	vst v0  }
0x54: {  	[tilespmem:$0x548] =	vst v0  }
0x55: {  	[tilespmem:$0x558] =	vst v0  }
0x56: {  	[tilespmem:$0x568] =	vst v0  }
0x57: {  	[tilespmem:$0x578] =	vst v0  }
0x58: {  	[tilespmem:$0x588] =	vst v0  }
0x59: {  	[tilespmem:$0x598] =	vst v0  }
0x5a: {  	[tilespmem:$0x5A8] =	vst v0  }
0x5b: {  	[tilespmem:$0x5B8] =	vst v0  }
0x5c: {  	[tilespmem:$0x5C8] =	vst v0  }
0x5d: {  	[tilespmem:$0x5D8] =	vst v0  }
0x5e: {  	[tilespmem:$0x5E8] =	vst v0  }
0x5f: {  	[tilespmem:$0x5F8] =	vst v0  }
0x60: {  	[tilespmem:$0x608] =	vst v0  }
0x61: {  	[tilespmem:$0x618] =	vst v0  }
0x62: {  	[tilespmem:$0x628] =	vst v0  }
0x63: {  	[tilespmem:$0x638] =	vst v0  }
0x64: {  	[tilespmem:$0x648] =	vst v0  }
0x65: {  	[tilespmem:$0x658] =	vst v0  }
0x66: {  	[tilespmem:$0x668] =	vst v0  }
0x67: {  	[tilespmem:$0x678] =	vst v0  }
0x68: {  	[tilespmem:$0x688] =	vst v0  }
0x69: {  	[tilespmem:$0x698] =	vst v0  }
0x6a: {  	[tilespmem:$0x6A8] =	vst v0  }
0x6b: {  	[tilespmem:$0x6B8] =	vst v0  }
0x6c: {  	[tilespmem:$0x6C8] =	vst v0  }
0x6d: {  	[tilespmem:$0x6D8] =	vst v0  }
0x6e: {  	[tilespmem:$0x6E8] =	vst v0  }
0x6f: {  	[tilespmem:$0x6F8] =	vst v0  }
0x70: {  	[tilespmem:$0x708] =	vst v0  }
0x71: {  	[tilespmem:$0x718] =	vst v0  }
0x72: {  	[tilespmem:$0x728] =	vst v0  }
0x73: {  	[tilespmem:$0x738] =	vst v0  }
0x74: {  	[tilespmem:$0x748] =	vst v0  }
0x75: {  	[tilespmem:$0x758] =	vst v0  }
0x76: {  	[tilespmem:$0x768] =	vst v0  }
0x77: {  	[tilespmem:$0x778] =	vst v0  }
0x78: {  	[tilespmem:$0x788] =	vst v0  }
0x79: {  	[tilespmem:$0x798] =	vst v0  }
0x7a: {  	[tilespmem:$0x7A8] =	vst v0  }
0x7b: {  	[tilespmem:$0x7B8] =	vst v0  }
0x7c: {  	[tilespmem:$0x7C8] =	vst v0  }
0x7d: {  	[tilespmem:$0x7D8] =	vst v0  }
0x7e: {  	[tilespmem:$0x7E8] =	vst v0  }
0x7f: {  	[tilespmem:$0x7F8] =	vst v0  }
0x80: {  	[tilespmem:$0x808] =	vst v0  }
0x81: {  	[tilespmem:$0x818] =	vst v0  }
0x82: {  	[tilespmem:$0x828] =	vst v0  }
0x83: {  	[tilespmem:$0x838] =	vst v0  }
0x84: {  	[tilespmem:$0x848] =	vst v0  }
0x85: {  	[tilespmem:$0x858] =	vst v0  }
0x86: {  	[tilespmem:$0x868] =	vst v0  }
0x87: {  	[tilespmem:$0x878] =	vst v0  }
0x88: {  	[tilespmem:$0x888] =	vst v0  }
0x89: {  	[tilespmem:$0x898] =	vst v0  }
0x8a: {  	[tilespmem:$0x8A8] =	vst v0  }
0x8b: {  	[tilespmem:$0x8B8] =	vst v0  }
0x8c: {  	[tilespmem:$0x8C8] =	vst v0  }
0x8d: {  	[tilespmem:$0x8D8] =	vst v0  }
0x8e: {  	[tilespmem:$0x8E8] =	vst v0  }
0x8f: {  	[tilespmem:$0x8F8] =	vst v0  }
0x90: {  	[tilespmem:$0x908] =	vst v0  }
0x91: {  	[tilespmem:$0x918] =	vst v0  }
0x92: {  	[tilespmem:$0x928] =	vst v0  }
0x93: {  	[tilespmem:$0x938] =	vst v0  }
0x94: {  	[tilespmem:$0x948] =	vst v0  }
0x95: {  	[tilespmem:$0x958] =	vst v0  }
0x96: {  	[tilespmem:$0x968] =	vst v0  }
0x97: {  	[tilespmem:$0x978] =	vst v0  }
0x98: {  	[tilespmem:$0x988] =	vst v0  }
0x99: {  	[tilespmem:$0x998] =	vst v0  }
0x9a: {  	[tilespmem:$0x9A8] =	vst v0  }
0x9b: {  	[tilespmem:$0x9B8] =	vst v0  }
0x9c: {  	[tilespmem:$0x9C8] =	vst v0  }
0x9d: {  	[tilespmem:$0x9D8] =	vst v0  }
0x9e: {  	[tilespmem:$0x9E8] =	vst v0  }
0x9f: {  	[tilespmem:$0x9F8] =	vst v0  }
0xa0: {  	[tilespmem:$0xA08] =	vst v0  }
0xa1: {  	[tilespmem:$0xA18] =	vst v0  }
0xa2: {  	[tilespmem:$0xA28] =	vst v0  }
0xa3: {  	[tilespmem:$0xA38] =	vst v0  }
0xa4: {  	[tilespmem:$0xA48] =	vst v0  }
0xa5: {  	[tilespmem:$0xA58] =	vst v0  }
0xa6: {  	[tilespmem:$0xA68] =	vst v0  }
0xa7: {  	[tilespmem:$0xA78] =	vst v0  }
0xa8: {  	[tilespmem:$0xA88] =	vst v0  }
0xa9: {  	[tilespmem:$0xA98] =	vst v0  }
0xaa: {  	[tilespmem:$0xAA8] =	vst v0  }
0xab: {  	[tilespmem:$0xAB8] =	vst v0  }
0xac: {  	[tilespmem:$0xAC8] =	vst v0  }
0xad: {  	[tilespmem:$0xAD8] =	vst v0  }
0xae: {  	[tilespmem:$0xAE8] =	vst v0  }
0xaf: {  	[tilespmem:$0xAF8] =	vst v0  }
0xb0: {  	[tilespmem:$0xB08] =	vst v0  }
0xb1: {  	[tilespmem:$0xB18] =	vst v0  }
0xb2: {  	[tilespmem:$0xB28] =	vst v0  }
0xb3: {  	[tilespmem:$0xB38] =	vst v0  }
0xb4: {  	[tilespmem:$0xB48] =	vst v0  }
0xb5: {  	[tilespmem:$0xB58] =	vst v0  }
0xb6: {  	[tilespmem:$0xB68] =	vst v0  }
0xb7: {  	[tilespmem:$0xB78] =	vst v0  }
0xb8: {  	[tilespmem:$0xB88] =	vst v0  }
0xb9: {  	[tilespmem:$0xB98] =	vst v0  }
0xba: {  	[tilespmem:$0xBA8] =	vst v0  }
0xbb: {  	[tilespmem:$0xBB8] =	vst v0  }
0xbc: {  	[tilespmem:$0xBC8] =	vst v0  }
0xbd: {  	[tilespmem:$0xBD8] =	vst v0  }
0xbe: {  	[tilespmem:$0xBE8] =	vst v0  }
0xbf: {  	[tilespmem:$0xBF8] =	vst v0  }
0xc0: {  	[tilespmem:$0xC08] =	vst v0  }
0xc1: {  	[tilespmem:$0xC18] =	vst v0  }
0xc2: {  	[tilespmem:$0xC28] =	vst v0  }
0xc3: {  	[tilespmem:$0xC38] =	vst v0  }
0xc4: {  	[tilespmem:$0xC48] =	vst v0  }
0xc5: {  	[tilespmem:$0xC58] =	vst v0  }
0xc6: {  	[tilespmem:$0xC68] =	vst v0  }
0xc7: {  	[tilespmem:$0xC78] =	vst v0  }
0xc8: {  	[tilespmem:$0xC88] =	vst v0  }
0xc9: {  	[tilespmem:$0xC98] =	vst v0  }
0xca: {  	[tilespmem:$0xCA8] =	vst v0  }
0xcb: {  	[tilespmem:$0xCB8] =	vst v0  }
0xcc: {  	[tilespmem:$0xCC8] =	vst v0  }
0xcd: {  	[tilespmem:$0xCD8] =	vst v0  }
0xce: {  	[tilespmem:$0xCE8] =	vst v0  }
0xcf: {  	[tilespmem:$0xCF8] =	vst v0  }
0xd0: {  	[tilespmem:$0xD08] =	vst v0  }
0xd1: {  	[tilespmem:$0xD18] =	vst v0  }
0xd2: {  	[tilespmem:$0xD28] =	vst v0  }
0xd3: {  	[tilespmem:$0xD38] =	vst v0  }
0xd4: {  	[tilespmem:$0xD48] =	vst v0  }
0xd5: {  	[tilespmem:$0xD58] =	vst v0  }
0xd6: {  	[tilespmem:$0xD68] =	vst v0  }
0xd7: {  	[tilespmem:$0xD78] =	vst v0  }
0xd8: {  	[tilespmem:$0xD88] =	vst v0  }
0xd9: {  	[tilespmem:$0xD98] =	vst v0  }
0xda: {  	[tilespmem:$0xDA8] =	vst v0  }
0xdb: {  	[tilespmem:$0xDB8] =	vst v0  }
0xdc: {  	[tilespmem:$0xDC8] =	vst v0  }
0xdd: {  	[tilespmem:$0xDD8] =	vst v0  }
0xde: {  	[tilespmem:$0xDE8] =	vst v0  }
0xdf: {  	[tilespmem:$0xDF8] =	vst v0  }
0xe0: {  	[tilespmem:$0xE08] =	vst v0  }
0xe1: {  	[tilespmem:$0xE18] =	vst v0  }
0xe2: {  	[tilespmem:$0xE28] =	vst v0  }
0xe3: {  	[tilespmem:$0xE38] =	vst v0  }
0xe4: {  	[tilespmem:$0xE48] =	vst v0  }
0xe5: {  	[tilespmem:$0xE58] =	vst v0  }
0xe6: {  	[tilespmem:$0xE68] =	vst v0  }
0xe7: {  	[tilespmem:$0xE78] =	vst v0  }
0xe8: {  	[tilespmem:$0xE88] =	vst v0  }
0xe9: {  	[tilespmem:$0xE98] =	vst v0  }
0xea: {  	[tilespmem:$0xEA8] =	vst v0  }
0xeb: {  	[tilespmem:$0xEB8] =	vst v0  }
0xec: {  	[tilespmem:$0xEC8] =	vst v0  }
0xed: {  	[tilespmem:$0xED8] =	vst v0  }
0xee: {  	[tilespmem:$0xEE8] =	vst v0  }
0xef: {  	[tilespmem:$0xEF8] =	vst v0  }
0xf0: {  	[tilespmem:$0xF08] =	vst v0  }
0xf1: {  	[tilespmem:$0xF18] =	vst v0  }
0xf2: {  	[tilespmem:$0xF28] =	vst v0  }
0xf3: {  	[tilespmem:$0xF38] =	vst v0  }
0xf4: {  	[tilespmem:$0xF48] =	vst v0  }
0xf5: {  	[tilespmem:$0xF58] =	vst v0  }
0xf6: {  	[tilespmem:$0xF68] =	vst v0  }
0xf7: {  	[tilespmem:$0xF78] =	vst v0  }
0xf8: {  	[tilespmem:$0xF88] =	vst v0  }
0xf9: {  	[tilespmem:$0xF98] =	vst v0  }
0xfa: {  	[tilespmem:$0xFA8] =	vst v0  }
0xfb: {  	[tilespmem:$0xFB8] =	vst v0  }
0xfc: {  	[tilespmem:$0xFC8] =	vst v0  }
0xfd: {  	[tilespmem:$0xFD8] =	vst v0  }
0xfe: {  	[tilespmem:$0xFE8] =	vst v0  }
0xff: {  	[tilespmem:$0xFF8] =	vst v0  }
0x100: {  	[tilespmem:$0x1008] =	vst v0  }
0x101: {  	[tilespmem:$0x1018] =	vst v0  }
0x102: {  	[tilespmem:$0x1028] =	vst v0  }
0x103: {  	[tilespmem:$0x1188] =	vst v0  }
0x104: {  	[tilespmem:$0x1178] =	vst v0  }
0x105: {  	[tilespmem:$0x1038] =	vst v0  }
0x106: {  	[tilespmem:$0x1048] =	vst v0  }
0x107: {  	[tilespmem:$0x1058] =	vst v0  }
0x108: {  	[tilespmem:$0x1068] =	vst v0  }
0x109: {  	[tilespmem:$0x1078] =	vst v0  }
0x10a: {  	[tilespmem:$0x1088] =	vst v0  }
0x10b: {  	[tilespmem:$0x1098] =	vst v0  }
0x10c: {  	[tilespmem:$0x10A8] =	vst v0  }
0x10d: {  	[tilespmem:$0x10B8] =	vst v0  }
0x10e: {  	[tilespmem:$0x10C8] =	vst v0  }
0x10f: {  	[tilespmem:$0x10D8] =	vst v0  }
0x110: {  	[tilespmem:$0x10E8] =	vst v0  }
0x111: {  	[tilespmem:$0x10F8] =	vst v0  }
0x112: {  	[tilespmem:$0x1108] =	vst v0  }
0x113: {  	[tilespmem:$0x1118] =	vst v0  }
0x114: {  	[tilespmem:$0x1128] =	vst v0  }
0x115: {  	[tilespmem:$0x1138] =	vst v0  }
0x116: {  	[tilespmem:$0x1148] =	vst v0  }
0x117: {  	[tilespmem:$0x1158] =	vst v0  }
0x118: {  	[tilespmem:$0x1168] =	vst v0  }
0x119: {  	[tilespmem:$0x1198] =	vst v0  }
0x11a: {  	[tilespmem:$0x11A8] =	vst v0  }
0x11b: {  	[tilespmem:$0x11B8] =	vst v0  }
0x11c: {  	[tilespmem:$0x11C8] =	vst v0  }
0x11d: {  	[tilespmem:$0x11D8] =	vst v0  }
0x11e: {  	[tilespmem:$0x11E8] =	vst v0  }
0x11f: {  	[tilespmem:$0x11F8] =	vst v0  }
0x120: {  	[tilespmem:$0x1208] =	vst v0  }
0x121: {  	[tilespmem:$0x1218] =	vst v0  }
0x122: {  	[tilespmem:$0x1228] =	vst v0  }
0x123: {  	[tilespmem:$0x1238] =	vst v0  }
0x124: {  	[tilespmem:$0x1248] =	vst v0  }
0x125: {  	[tilespmem:$0x1258] =	vst v0  }
0x126: {  	[tilespmem:$0x1268] =	vst v0  }
0x127: {  	[tilespmem:$0x1278] =	vst v0  }
0x128: {  	[tilespmem:$0x1288] =	vst v0  }
0x129: {  	[tilespmem:$0x1298] =	vst v0  }
0x12a: {  	[tilespmem:$0x12A8] =	vst v0  }
0x12b: {  	[tilespmem:$0x12B8] =	vst v0  }
0x12c: {  	[tilespmem:$0x12C8] =	vst v0  }
0x12d: {  	[tilespmem:$0x12D8] =	vst v0  }
0x12e: {  	[tilespmem:$0x12E8] =	vst v0  }
0x12f: {  	[tilespmem:$0x12F8] =	vst v0  }
0x130: {  	[tilespmem:$0x1308] =	vst v0  }
0x131: {  	[tilespmem:$0x1318] =	vst v0  }
0x132: {  	[tilespmem:$0x1328] =	vst v0  }
0x133: {  	[tilespmem:$0x1338] =	vst v0  }
0x134: {  	[tilespmem:$0x1348] =	vst v0  }
0x135: {  	[tilespmem:$0x1358] =	vst v0  }
0x136: {  	[tilespmem:$0x1368] =	vst v0  }
0x137: {  	[tilespmem:$0x1378] =	vst v0  }
0x138: {  	[tilespmem:$0x1388] =	vst v0  }
0x139: {  	[tilespmem:$0x1398] =	vst v0  }
0x13a: {  	[tilespmem:$0x13A8] =	vst v0  }
0x13b: {  	[tilespmem:$0x13B8] =	vst v0  }
0x13c: {  	[tilespmem:$0x13C8] =	vst v0  }
0x13d: {  	[tilespmem:$0x13D8] =	vst v0  }
0x13e: {  	[tilespmem:$0x13E8] =	vst v0  }
0x13f: {  	[tilespmem:$0x13F8] =	vst v0  }
0x140: {  	[tilespmem:$0x1408] =	vst v0  }
0x141: {  	[tilespmem:$0x1418] =	vst v0  }
0x142: {  	[tilespmem:$0x1428] =	vst v0  }
0x143: {  	[tilespmem:$0x1438] =	vst v0  }
0x144: {  	[tilespmem:$0x1448] =	vst v0  }
0x145: {  	[tilespmem:$0x1458] =	vst v0  }
0x146: {  	[tilespmem:$0x1468] =	vst v0  }
0x147: {  	[tilespmem:$0x1478] =	vst v0  }
0x148: {  	[tilespmem:$0x1488] =	vst v0  }
0x149: {  	[tilespmem:$0x1498] =	vst v0  }
0x14a: {  	[tilespmem:$0x14A8] =	vst v0  }
0x14b: {  	[tilespmem:$0x14B8] =	vst v0  }
0x14c: {  	[tilespmem:$0x14C8] =	vst v0  }
0x14d: {  	[tilespmem:$0x14D8] =	vst v0  }
0x14e: {  	[tilespmem:$0x14E8] =	vst v0  }
0x14f: {  	[tilespmem:$0x14F8] =	vst v0  }
0x150: {  	[tilespmem:$0x1508] =	vst v0  }
0x151: {  	[tilespmem:$0x1518] =	vst v0  }
0x152: {  	[tilespmem:$0x1528] =	vst v0  }
0x153: {  	[tilespmem:$0x1538] =	vst v0  }
0x154: {  	[tilespmem:$0x1548] =	vst v0  }
0x155: {  	[tilespmem:$0x1558] =	vst v0  }
0x156: {  	[tilespmem:$0x1568] =	vst v0  }
0x157: {  	[tilespmem:$0x1578] =	vst v0  }
0x158: {  	[tilespmem:$0x1588] =	vst v0  }
0x159: {  	[tilespmem:$0x1598] =	vst v0  }
0x15a: {  	[tilespmem:$0x15A8] =	vst v0  }
0x15b: {  	[tilespmem:$0x15B8] =	vst v0  }
0x15c: {  	[tilespmem:$0x15C8] =	vst v0  }
0x15d: {  	[tilespmem:$0x15D8] =	vst v0  }
0x15e: {  	[tilespmem:$0x15E8] =	vst v0  }
0x15f: {  	[tilespmem:$0x15F8] =	vst v0  }
0x160: {  	[tilespmem:$0x1608] =	vst v0  }
0x161: {  	[tilespmem:$0x1618] =	vst v0  }
0x162: {  	[tilespmem:$0x1628] =	vst v0  }
0x163: {  	[tilespmem:$0x1638] =	vst v0  }
0x164: {  	[tilespmem:$0x1648] =	vst v0  }
0x165: {  	[tilespmem:$0x1658] =	vst v0  }
0x166: {  	[tilespmem:$0x1668] =	vst v0  }
0x167: {  	[tilespmem:$0x1678] =	vst v0  }
0x168: {  	[tilespmem:$0x1688] =	vst v0  }
0x169: {  	[tilespmem:$0x1698] =	vst v0  }
0x16a: {  	[tilespmem:$0x16A8] =	vst v0  }
0x16b: {  	[tilespmem:$0x16B8] =	vst v0  }
0x16c: {  	[tilespmem:$0x16C8] =	vst v0  }
0x16d: {  	[tilespmem:$0x16D8] =	vst v0  }
0x16e: {  	[tilespmem:$0x16E8] =	vst v0  }
0x16f: {  	[tilespmem:$0x16F8] =	vst v0  }
0x170: {  	[tilespmem:$0x1708] =	vst v0  }
0x171: {  	[tilespmem:$0x1718] =	vst v0  }
0x172: {  	[tilespmem:$0x1728] =	vst v0  }
0x173: {  	[tilespmem:$0x1738] =	vst v0  }
0x174: {  	[tilespmem:$0x1748] =	vst v0  }
0x175: {  	[tilespmem:$0x1758] =	vst v0  }
0x176: {  	[tilespmem:$0x1768] =	vst v0  }
0x177: {  	[tilespmem:$0x1778] =	vst v0  }
0x178: {  	[tilespmem:$0x1788] =	vst v0  }
0x179: {  	[tilespmem:$0x1798] =	vst v0  }
0x17a: {  	[tilespmem:$0x17A8] =	vst v0  }
0x17b: {  	[tilespmem:$0x17B8] =	vst v0  }
0x17c: {  	[tilespmem:$0x17C8] =	vst v0  }
0x17d: {  	[tilespmem:$0x17D8] =	vst v0  }
0x17e: {  	[tilespmem:$0x17E8] =	vst v0  }
0x17f: {  	[tilespmem:$0x17F8] =	vst v0  }
0x180: {  	[tilespmem:$0x1808] =	vst v0  }
0x181: {  	[tilespmem:$0x1818] =	vst v0  }
0x182: {  	[tilespmem:$0x1828] =	vst v0  }
0x183: {  	[tilespmem:$0x1838] =	vst v0  }
0x184: {  	[tilespmem:$0x1848] =	vst v0  }
0x185: {  	[tilespmem:$0x1858] =	vst v0  }
0x186: {  	[tilespmem:$0x1868] =	vst v0  }
0x187: {  	[tilespmem:$0x1878] =	vst v0  }
0x188: {  	[tilespmem:$0x1888] =	vst v0  }
0x189: {  	[tilespmem:$0x1898] =	vst v0  }
0x18a: {  	[tilespmem:$0x18A8] =	vst v0  }
0x18b: {  	[tilespmem:$0x18B8] =	vst v0  }
0x18c: {  	[tilespmem:$0x18C8] =	vst v0  }
0x18d: {  	[tilespmem:$0x18D8] =	vst v0  }
0x18e: {  	[tilespmem:$0x18E8] =	vst v0  }
0x18f: {  	[tilespmem:$0x18F8] =	vst v0  }
0x190: {  	[tilespmem:$0x1908] =	vst v0  }
0x191: {  	[tilespmem:$0x1918] =	vst v0  }
0x192: {  	[tilespmem:$0x1928] =	vst v0  }
0x193: {  	[tilespmem:$0x1938] =	vst v0  }
0x194: {  	[tilespmem:$0x1948] =	vst v0  }
0x195: {  	[tilespmem:$0x1958] =	vst v0  }
0x196: {  	[tilespmem:$0x1968] =	vst v0  }
0x197: {  	[tilespmem:$0x1978] =	vst v0  }
0x198: {  	[tilespmem:$0x1988] =	vst v0  }
0x199: {  	[tilespmem:$0x1998] =	vst v0  }
0x19a: {  	[tilespmem:$0x19A8] =	vst v0  }
0x19b: {  	[tilespmem:$0x19B8] =	vst v0  }
0x19c: {  	[tilespmem:$0x19C8] =	vst v0  }
0x19d: {  	[tilespmem:$0x19D8] =	vst v0  }
0x19e: {  	[tilespmem:$0x19E8] =	vst v0  }
0x19f: {  	[tilespmem:$0x19F8] =	vst v0  }
0x1a0: {  	[tilespmem:$0x1A08] =	vst v0  }
0x1a1: {  	[tilespmem:$0x1A18] =	vst v0  }
0x1a2: {  	[tilespmem:$0x1A28] =	vst v0  }
0x1a3: {  	[tilespmem:$0x1A38] =	vst v0  }
0x1a4: {  	[tilespmem:$0x1A48] =	vst v0  }
0x1a5: {  	[tilespmem:$0x1A58] =	vst v0  }
0x1a6: {  	[tilespmem:$0x1A68] =	vst v0  }
0x1a7: {  	[tilespmem:$0x1A78] =	vst v0  }
0x1a8: {  	[tilespmem:$0x1A88] =	vst v0  }
0x1a9: {  	[tilespmem:$0x1A98] =	vst v0  }
0x1aa: {  	[tilespmem:$0x1AA8] =	vst v0  }
0x1ab: {  	[tilespmem:$0x1AB8] =	vst v0  }
0x1ac: {  	[tilespmem:$0x1AC8] =	vst v0  }
0x1ad: {  	[tilespmem:$0x1AD8] =	vst v0  }
0x1ae: {  	[tilespmem:$0x1AE8] =	vst v0  }
0x1af: {  	[tilespmem:$0x1AF8] =	vst v0  }
0x1b0: {  	[tilespmem:$0x1B08] =	vst v0  }
0x1b1: {  	[tilespmem:$0x1B18] =	vst v0  }
0x1b2: {  	[tilespmem:$0x1B28] =	vst v0  }
0x1b3: {  	[tilespmem:$0x1B38] =	vst v0  }
0x1b4: {  	[tilespmem:$0x1B48] =	vst v0  }
0x1b5: {  	[tilespmem:$0x1B58] =	vst v0  }
0x1b6: {  	[tilespmem:$0x1B68] =	vst v0  }
0x1b7: {  	[tilespmem:$0x1B78] =	vst v0  }
0x1b8: {  	[tilespmem:$0x1B88] =	vst v0  }
0x1b9: {  	[tilespmem:$0x1B98] =	vst v0  }
0x1ba: {  	[tilespmem:$0x1BA8] =	vst v0  }
0x1bb: {  	[tilespmem:$0x1BB8] =	vst v0  }
0x1bc: {  	[tilespmem:$0x1BC8] =	vst v0  }
0x1bd: {  	[tilespmem:$0x1BD8] =	vst v0  }
0x1be: {  	[tilespmem:$0x1BE8] =	vst v0  }
0x1bf: {  	[tilespmem:$0x1BF8] =	vst v0  }
0x1c0: {  	[tilespmem:$0x1C08] =	vst v0  }
0x1c1: {  	[tilespmem:$0x1C18] =	vst v0  }
0x1c2: {  	[tilespmem:$0x1C28] =	vst v0  }
0x1c3: {  	[tilespmem:$0x1C38] =	vst v0  }
0x1c4: {  	[tilespmem:$0x1C48] =	vst v0  }
0x1c5: {  	[tilespmem:$0x1C58] =	vst v0  }
0x1c6: {  	[tilespmem:$0x1C68] =	vst v0  }
0x1c7: {  	[tilespmem:$0x1C78] =	vst v0  }
0x1c8: {  	[tilespmem:$0x1C88] =	vst v0  }
0x1c9: {  	[tilespmem:$0x1C98] =	vst v0  }
0x1ca: {  	[tilespmem:$0x1CA8] =	vst v0  }
0x1cb: {  	[tilespmem:$0x1CB8] =	vst v0  }
0x1cc: {  	[tilespmem:$0x1CC8] =	vst v0  }
0x1cd: {  	[tilespmem:$0x1CD8] =	vst v0  }
0x1ce: {  	[tilespmem:$0x1CE8] =	vst v0  }
0x1cf: {  	[tilespmem:$0x1CF8] =	vst v0  }
0x1d0: {  	[tilespmem:$0x1D08] =	vst v0  }
0x1d1: {  	[tilespmem:$0x1D18] =	vst v0  }
0x1d2: {  	[tilespmem:$0x1D28] =	vst v0  }
0x1d3: {  	[tilespmem:$0x1D38] =	vst v0  }
0x1d4: {  	[tilespmem:$0x1D48] =	vst v0  }
0x1d5: {  	[tilespmem:$0x1D58] =	vst v0  }
0x1d6: {  	[tilespmem:$0x1D68] =	vst v0  }
0x1d7: {  	[tilespmem:$0x1D78] =	vst v0  }
0x1d8: {  	[tilespmem:$0x1D88] =	vst v0  }
0x1d9: {  	[tilespmem:$0x1D98] =	vst v0  }
0x1da: {  	[tilespmem:$0x1DA8] =	vst v0  }
0x1db: {  	[tilespmem:$0x1DB8] =	vst v0  }
0x1dc: {  	[tilespmem:$0x1DC8] =	vst v0  }
0x1dd: {  	[tilespmem:$0x1DD8] =	vst v0  }
0x1de: {  	[tilespmem:$0x1DE8] =	vst v0  }
0x1df: {  	[tilespmem:$0x1DF8] =	vst v0  }
0x1e0: {  	[tilespmem:$0x1E08] =	vst v0  }
0x1e1: {  	[tilespmem:$0x1E18] =	vst v0  }
0x1e2: {  	[tilespmem:$0x1E28] =	vst v0  }
0x1e3: {  	[tilespmem:$0x1E38] =	vst v0  }
0x1e4: {  	[tilespmem:$0x1E48] =	vst v0  }
0x1e5: {  	[tilespmem:$0x1E58] =	vst v0  }
0x1e6: {  	[tilespmem:$0x1E68] =	vst v0  }
0x1e7: {  	[tilespmem:$0x1E78] =	vst v0  }
0x1e8: {  	[tilespmem:$0x1E88] =	vst v0  }
0x1e9: {  	[tilespmem:$0x1E98] =	vst v0  }
0x1ea: {  	[tilespmem:$0x1EA8] =	vst v0  }
0x1eb: {  	[tilespmem:$0x1EB8] =	vst v0  }
0x1ec: {  	[tilespmem:$0x1EC8] =	vst v0  }
0x1ed: {  	[tilespmem:$0x1ED8] =	vst v0  }
0x1ee: {  	[tilespmem:$0x1EE8] =	vst v0  }
0x1ef: {  	[tilespmem:$0x1EF8] =	vst v0  }
0x1f0: {  	[tilespmem:$0x1F08] =	vst v0  }
0x1f1: {  	[tilespmem:$0x1F18] =	vst v0  }
0x1f2: {  	[tilespmem:$0x1F28] =	vst v0  }
0x1f3: {  	[tilespmem:$0x1F38] =	vst v0  }
0x1f4: {  	[tilespmem:$0x1F48] =	vst v0  }
0x1f5: {  	[tilespmem:$0x1F58] =	vst v0  }
0x1f6: {  	[tilespmem:$0x1F68] =	vst v0  }
0x1f7: {  	[tilespmem:$0x1F78] =	vst v0  }
0x1f8: {  	[tilespmem:$0x1F88] =	vst v0  }
0x1f9: {  	[tilespmem:$0x1F98] =	vst v0  }
0x1fa: {  	[tilespmem:$0x1FA8] =	vst v0  }
0x1fb: {  	[tilespmem:$0x1FB8] =	vst v0  }
0x1fc: {  	[tilespmem:$0x1FC8] =	vst v0  }
0x1fd: {  	[tilespmem:$0x1FD8] =	vst v0  }
0x1fe: {  	[tilespmem:$0x1FE8] =	vst v0  }
0x1ff: {  	[tilespmem:$0x1FF8] =	vst v0  }
0x200: {  	[tilespmem:$0x2008] =	vst v0  }
0x201: {  	[tilespmem:$0x2018] =	vst v0  }
0x202: {  	[tilespmem:$0x2028] =	vst v0  }
0x203: {  	[tilespmem:$0x2038] =	vst v0  }
0x204: {  	[tilespmem:$0x2048] =	vst v0  }
0x205: {  	[tilespmem:$0x2058] =	vst v0  }
0x206: {  	[tilespmem:$0x2068] =	vst v0  }
0x207: {  	[tilespmem:$0x2078] =	vst v0  }
0x208: {  	[tilespmem:$0x2088] =	vst v0  }
0x209: {  	[tilespmem:$0x2098] =	vst v0  }
0x20a: {  	[tilespmem:$0x20A8] =	vst v0  }
0x20b: {  	[tilespmem:$0x20B8] =	vst v0  }
0x20c: {  	[tilespmem:$0x20C8] =	vst v0  }
0x20d: {  	[tilespmem:$0x20D8] =	vst v0  }
0x20e: {  	[tilespmem:$0x20E8] =	vst v0  }
0x20f: {  	[tilespmem:$0x20F8] =	vst v0  }
0x210: {  	[tilespmem:$0x2108] =	vst v0  }
0x211: {  	[tilespmem:$0x2118] =	vst v0  }
0x212: {  	[tilespmem:$0x2128] =	vst v0  }
0x213: {  	[tilespmem:$0x2138] =	vst v0  }
0x214: {  	[tilespmem:$0x2148] =	vst v0  }
0x215: {  	[tilespmem:$0x2158] =	vst v0  }
0x216: {  	[tilespmem:$0x2168] =	vst v0  }
0x217: {  	[tilespmem:$0x2188] =	vst v0  }
0x218: {  	[tilespmem:$0x2238] =	vst v0  }
0x219: {  	[tilespmem:$0x3058] =	vst v0  }
0x21a: {  	[tilespmem:$0x3048] =	vst v0  }
0x21b: {  	[tilespmem:$0x3038] =	vst v0  }
0x21c: {  	[tilespmem:$0x21B8] =	vst v0  }
0x21d: {  	[tilespmem:$0x21C8] =	vst v0  }
0x21e: {  	[tilespmem:$0x3028] =	vst v0  }
0x21f: {  	[tilespmem:$0x3018] =	vst v0  }
0x220: {  	[tilespmem:$0x3008] =	vst v0  }
0x221: {  	[tilespmem:$0x2FF8] =	vst v0  }
0x222: {  	[tilespmem:$0x2FE8] =	vst v0  }
0x223: {  	[tilespmem:$0x2FD8] =	vst v0  }
0x224: {  	[tilespmem:$0x2FC8] =	vst v0  }
0x225: {  	[tilespmem:$0x2FB8] =	vst v0  }
0x226: {  	[tilespmem:$0x2FA8] =	vst v0  }
0x227: {  	[tilespmem:$0x2F98] =	vst v0  }
0x228: {  	[tilespmem:$0x2F88] =	vst v0  }
0x229: {  	[tilespmem:$0x2F78] =	vst v0  }
0x22a: {  	[tilespmem:$0x2F68] =	vst v0  }
0x22b: {  	[tilespmem:$0x2F58] =	vst v0  }
0x22c: {  	[tilespmem:$0x2F48] =	vst v0  }
0x22d: {  	[tilespmem:$0x2F38] =	vst v0  }
0x22e: {  	[tilespmem:$0x2F28] =	vst v0  }
0x22f: {  	[tilespmem:$0x2F18] =	vst v0  }
0x230: {  	[tilespmem:$0x2F08] =	vst v0  }
0x231: {  	[tilespmem:$0x2EF8] =	vst v0  }
0x232: {  	[tilespmem:$0x2EE8] =	vst v0  }
0x233: {  	[tilespmem:$0x2ED8] =	vst v0  }
0x234: {  	[tilespmem:$0x2EC8] =	vst v0  }
0x235: {  	[tilespmem:$0x2EB8] =	vst v0  }
0x236: {  	[tilespmem:$0x2EA8] =	vst v0  }
0x237: {  	[tilespmem:$0x2E98] =	vst v0  }
0x238: {  	[tilespmem:$0x2E88] =	vst v0  }
0x239: {  	[tilespmem:$0x2E78] =	vst v0  }
0x23a: {  	[tilespmem:$0x2E68] =	vst v0  }
0x23b: {  	[tilespmem:$0x2E58] =	vst v0  }
0x23c: {  	[tilespmem:$0x2E48] =	vst v0  }
0x23d: {  	[tilespmem:$0x2E38] =	vst v0  }
0x23e: {  	[tilespmem:$0x2E28] =	vst v0  }
0x23f: {  	[tilespmem:$0x2E18] =	vst v0  }
0x240: {  	[tilespmem:$0x2E08] =	vst v0  }
0x241: {  	[tilespmem:$0x2DF8] =	vst v0  }
0x242: {  	[tilespmem:$0x2DE8] =	vst v0  }
0x243: {  	[tilespmem:$0x2DD8] =	vst v0  }
0x244: {  	[tilespmem:$0x2DC8] =	vst v0  }
0x245: {  	[tilespmem:$0x2DB8] =	vst v0  }
0x246: {  	[tilespmem:$0x2DA8] =	vst v0  }
0x247: {  	[tilespmem:$0x2D98] =	vst v0  }
0x248: {  	[tilespmem:$0x2D88] =	vst v0  }
0x249: {  	[tilespmem:$0x2D78] =	vst v0  }
0x24a: {  	[tilespmem:$0x2D68] =	vst v0  }
0x24b: {  	[tilespmem:$0x2D58] =	vst v0  }
0x24c: {  	[tilespmem:$0x2D48] =	vst v0  }
0x24d: {  	[tilespmem:$0x2D38] =	vst v0  }
0x24e: {  	[tilespmem:$0x2D28] =	vst v0  }
0x24f: {  	[tilespmem:$0x2D18] =	vst v0  }
0x250: {  	[tilespmem:$0x2D08] =	vst v0  }
0x251: {  	[tilespmem:$0x2CF8] =	vst v0  }
0x252: {  	[tilespmem:$0x2CE8] =	vst v0  }
0x253: {  	[tilespmem:$0x2CD8] =	vst v0  }
0x254: {  	[tilespmem:$0x2CC8] =	vst v0  }
0x255: {  	[tilespmem:$0x2CB8] =	vst v0  }
0x256: {  	[tilespmem:$0x2CA8] =	vst v0  }
0x257: {  	[tilespmem:$0x2C98] =	vst v0  }
0x258: {  	[tilespmem:$0x2C88] =	vst v0  }
0x259: {  	[tilespmem:$0x2C78] =	vst v0  }
0x25a: {  	[tilespmem:$0x2C68] =	vst v0  }
0x25b: {  	[tilespmem:$0x2C58] =	vst v0  }
0x25c: {  	[tilespmem:$0x2C48] =	vst v0  }
0x25d: {  	[tilespmem:$0x2C38] =	vst v0  }
0x25e: {  	[tilespmem:$0x2C28] =	vst v0  }
0x25f: {  	[tilespmem:$0x2C18] =	vst v0  }
0x260: {  	[tilespmem:$0x2C08] =	vst v0  }
0x261: {  	[tilespmem:$0x2BF8] =	vst v0  }
0x262: {  	[tilespmem:$0x2BE8] =	vst v0  }
0x263: {  	[tilespmem:$0x2BD8] =	vst v0  }
0x264: {  	[tilespmem:$0x2BC8] =	vst v0  }
0x265: {  	[tilespmem:$0x2BB8] =	vst v0  }
0x266: {  	[tilespmem:$0x2BA8] =	vst v0  }
0x267: {  	[tilespmem:$0x2B98] =	vst v0  }
0x268: {  	[tilespmem:$0x2B88] =	vst v0  }
0x269: {  	[tilespmem:$0x2B78] =	vst v0  }
0x26a: {  	[tilespmem:$0x2B68] =	vst v0  }
0x26b: {  	[tilespmem:$0x2B58] =	vst v0  }
0x26c: {  	[tilespmem:$0x2B48] =	vst v0  }
0x26d: {  	[tilespmem:$0x2B38] =	vst v0  }
0x26e: {  	[tilespmem:$0x2B28] =	vst v0  }
0x26f: {  	[tilespmem:$0x2B18] =	vst v0  }
0x270: {  	[tilespmem:$0x2B08] =	vst v0  }
0x271: {  	[tilespmem:$0x2AF8] =	vst v0  }
0x272: {  	[tilespmem:$0x2AE8] =	vst v0  }
0x273: {  	[tilespmem:$0x2AD8] =	vst v0  }
0x274: {  	[tilespmem:$0x2AC8] =	vst v0  }
0x275: {  	[tilespmem:$0x2AB8] =	vst v0  }
0x276: {  	[tilespmem:$0x2AA8] =	vst v0  }
0x277: {  	[tilespmem:$0x2A98] =	vst v0  }
0x278: {  	[tilespmem:$0x2A88] =	vst v0  }
0x279: {  	[tilespmem:$0x2A78] =	vst v0  }
0x27a: {  	[tilespmem:$0x2A68] =	vst v0  }
0x27b: {  	[tilespmem:$0x2A58] =	vst v0  }
0x27c: {  	[tilespmem:$0x2A48] =	vst v0  }
0x27d: {  	[tilespmem:$0x2A38] =	vst v0  }
0x27e: {  	[tilespmem:$0x2A28] =	vst v0  }
0x27f: {  	[tilespmem:$0x2A18] =	vst v0  }
0x280: {  	[tilespmem:$0x2A08] =	vst v0  }
0x281: {  	[tilespmem:$0x29F8] =	vst v0  }
0x282: {  	[tilespmem:$0x29E8] =	vst v0  }
0x283: {  	[tilespmem:$0x29D8] =	vst v0  }
0x284: {  	[tilespmem:$0x29C8] =	vst v0  }
0x285: {  	[tilespmem:$0x29B8] =	vst v0  }
0x286: {  	[tilespmem:$0x29A8] =	vst v0  }
0x287: {  	[tilespmem:$0x2998] =	vst v0  }
0x288: {  	[tilespmem:$0x2988] =	vst v0  }
0x289: {  	[tilespmem:$0x2978] =	vst v0  }
0x28a: {  	[tilespmem:$0x2968] =	vst v0  }
0x28b: {  	[tilespmem:$0x2958] =	vst v0  }
0x28c: {  	[tilespmem:$0x2948] =	vst v0  }
0x28d: {  	[tilespmem:$0x2938] =	vst v0  }
0x28e: {  	[tilespmem:$0x2928] =	vst v0  }
0x28f: {  	[tilespmem:$0x2918] =	vst v0  }
0x290: {  	[tilespmem:$0x2908] =	vst v0  }
0x291: {  	[tilespmem:$0x28F8] =	vst v0  }
0x292: {  	[tilespmem:$0x28E8] =	vst v0  }
0x293: {  	[tilespmem:$0x28D8] =	vst v0  }
0x294: {  	[tilespmem:$0x28C8] =	vst v0  }
0x295: {  	[tilespmem:$0x28B8] =	vst v0  }
0x296: {  	[tilespmem:$0x28A8] =	vst v0  }
0x297: {  	[tilespmem:$0x2898] =	vst v0  }
0x298: {  	[tilespmem:$0x2888] =	vst v0  }
0x299: {  	[tilespmem:$0x2878] =	vst v0  }
0x29a: {  	[tilespmem:$0x2868] =	vst v0  }
0x29b: {  	[tilespmem:$0x2858] =	vst v0  }
0x29c: {  	[tilespmem:$0x2848] =	vst v0  }
0x29d: {  	[tilespmem:$0x2838] =	vst v0  }
0x29e: {  	[tilespmem:$0x2828] =	vst v0  }
0x29f: {  	[tilespmem:$0x2818] =	vst v0  }
0x2a0: {  	[tilespmem:$0x2808] =	vst v0  }
0x2a1: {  	[tilespmem:$0x27F8] =	vst v0  }
0x2a2: {  	[tilespmem:$0x27E8] =	vst v0  }
0x2a3: {  	[tilespmem:$0x27D8] =	vst v0  }
0x2a4: {  	[tilespmem:$0x27C8] =	vst v0  }
0x2a5: {  	[tilespmem:$0x27B8] =	vst v0  }
0x2a6: {  	[tilespmem:$0x27A8] =	vst v0  }
0x2a7: {  	[tilespmem:$0x2798] =	vst v0  }
0x2a8: {  	[tilespmem:$0x2788] =	vst v0  }
0x2a9: {  	[tilespmem:$0x2778] =	vst v0  }
0x2aa: {  	[tilespmem:$0x2768] =	vst v0  }
0x2ab: {  	[tilespmem:$0x2758] =	vst v0  }
0x2ac: {  	[tilespmem:$0x2748] =	vst v0  }
0x2ad: {  	[tilespmem:$0x2738] =	vst v0  }
0x2ae: {  	[tilespmem:$0x2728] =	vst v0  }
0x2af: {  	[tilespmem:$0x2718] =	vst v0  }
0x2b0: {  	[tilespmem:$0x2708] =	vst v0  }
0x2b1: {  	[tilespmem:$0x26F8] =	vst v0  }
0x2b2: {  	[tilespmem:$0x26E8] =	vst v0  }
0x2b3: {  	[tilespmem:$0x26D8] =	vst v0  }
0x2b4: {  	[tilespmem:$0x26C8] =	vst v0  }
0x2b5: {  	[tilespmem:$0x26B8] =	vst v0  }
0x2b6: {  	[tilespmem:$0x26A8] =	vst v0  }
0x2b7: {  	[tilespmem:$0x2698] =	vst v0  }
0x2b8: {  	[tilespmem:$0x2688] =	vst v0  }
0x2b9: {  	[tilespmem:$0x2678] =	vst v0  }
0x2ba: {  	[tilespmem:$0x2668] =	vst v0  }
0x2bb: {  	[tilespmem:$0x2658] =	vst v0  }
0x2bc: {  	[tilespmem:$0x2648] =	vst v0  }
0x2bd: {  	[tilespmem:$0x2638] =	vst v0  }
0x2be: {  	[tilespmem:$0x2628] =	vst v0  }
0x2bf: {  	[tilespmem:$0x2618] =	vst v0  }
0x2c0: {  	[tilespmem:$0x2608] =	vst v0  }
0x2c1: {  	[tilespmem:$0x25F8] =	vst v0  }
0x2c2: {  	[tilespmem:$0x25E8] =	vst v0  }
0x2c3: {  	[tilespmem:$0x25D8] =	vst v0  }
0x2c4: {  	[tilespmem:$0x25C8] =	vst v0  }
0x2c5: {  	[tilespmem:$0x25B8] =	vst v0  }
0x2c6: {  	[tilespmem:$0x25A8] =	vst v0  }
0x2c7: {  	[tilespmem:$0x2598] =	vst v0  }
0x2c8: {  	[tilespmem:$0x2588] =	vst v0  }
0x2c9: {  	[tilespmem:$0x2578] =	vst v0  }
0x2ca: {  	[tilespmem:$0x2568] =	vst v0  }
0x2cb: {  	[tilespmem:$0x2558] =	vst v0  }
0x2cc: {  	[tilespmem:$0x2548] =	vst v0  }
0x2cd: {  	[tilespmem:$0x2538] =	vst v0  }
0x2ce: {  	[tilespmem:$0x2528] =	vst v0  }
0x2cf: {  	[tilespmem:$0x2518] =	vst v0  }
0x2d0: {  	[tilespmem:$0x2508] =	vst v0  }
0x2d1: {  	[tilespmem:$0x24F8] =	vst v0  }
0x2d2: {  	[tilespmem:$0x24E8] =	vst v0  }
0x2d3: {  	[tilespmem:$0x24D8] =	vst v0  }
0x2d4: {  	[tilespmem:$0x24C8] =	vst v0  }
0x2d5: {  	[tilespmem:$0x24B8] =	vst v0  }
0x2d6: {  	[tilespmem:$0x24A8] =	vst v0  }
0x2d7: {  	[tilespmem:$0x2498] =	vst v0  }
0x2d8: {  	[tilespmem:$0x2488] =	vst v0  }
0x2d9: {  	[tilespmem:$0x2478] =	vst v0  }
0x2da: {  	[tilespmem:$0x2468] =	vst v0  }
0x2db: {  	[tilespmem:$0x2458] =	vst v0  }
0x2dc: {  	[tilespmem:$0x2448] =	vst v0  }
0x2dd: {  	[tilespmem:$0x2438] =	vst v0  }
0x2de: {  	[tilespmem:$0x2428] =	vst v0  }
0x2df: {  	[tilespmem:$0x2418] =	vst v0  }
0x2e0: {  	[tilespmem:$0x2408] =	vst v0  }
0x2e1: {  	[tilespmem:$0x23F8] =	vst v0  }
0x2e2: {  	[tilespmem:$0x23E8] =	vst v0  }
0x2e3: {  	[tilespmem:$0x23D8] =	vst v0  }
0x2e4: {  	[tilespmem:$0x23C8] =	vst v0  }
0x2e5: {  	[tilespmem:$0x23B8] =	vst v0  }
0x2e6: {  	[tilespmem:$0x23A8] =	vst v0  }
0x2e7: {  	[tilespmem:$0x2398] =	vst v0  }
0x2e8: {  	[tilespmem:$0x2388] =	vst v0  }
0x2e9: {  	[tilespmem:$0x2378] =	vst v0  }
0x2ea: {  	[tilespmem:$0x2368] =	vst v0  }
0x2eb: {  	[tilespmem:$0x2358] =	vst v0  }
0x2ec: {  	[tilespmem:$0x2348] =	vst v0  }
0x2ed: {  	[tilespmem:$0x2338] =	vst v0  }
0x2ee: {  	[tilespmem:$0x2328] =	vst v0  }
0x2ef: {  	[tilespmem:$0x2318] =	vst v0  }
0x2f0: {  	[tilespmem:$0x2308] =	vst v0  }
0x2f1: {  	[tilespmem:$0x22F8] =	vst v0  }
0x2f2: {  	[tilespmem:$0x22E8] =	vst v0  }
0x2f3: {  	[tilespmem:$0x22D8] =	vst v0  }
0x2f4: {  	[tilespmem:$0x22C8] =	vst v0  }
0x2f5: {  	[tilespmem:$0x22B8] =	vst v0  }
0x2f6: {  	s4 =	stileid.u32;
	[tilespmem:$0x22A8] =	vst v0  }
0x2f7: {  	s0 =	simm.s32 $0x1;
	p0 =	sne.s32 s4, $0x0;
	s1 =	smul.u32 $0x1A, s4;
	[tilespmem:$0x2298] =	vst v0  }
0x2f8: {  	[tilespmem:$0x2288] =	vst v0;
	s0 =	simm.s32 @!p0 $0x0;
	s3 =	simm.s32 @!p0 $0x0  }
0x2f9: {  	[tilespmem:$0x2278] =	vst v0;
	s3 =	simm.s32 @p0 $0x1;
	s0 =	sor.u32 s0, s1  }
0x2fa: {  	[tilespmem:$0x2268] =	vst v0;
	s1 =	simm.s32 $0x2880;
	p0 =	seq.s32 s4, $0x0;
	s8 =	smul.u32 $0x180, s0  }
0x2fb: {  	s1 =	simm.s32 @!p0 $0x2700;
	[tilespmem:$0x2258] =	vst v0  }
0x2fc: {  	[tilespmem:$0x2248] =	vst v0;
	s0 =	sadd.s32 s1, s8  }
0x2fd: {  	s5 =	simm.s32 $0x2;
	[tilespmem:$0x2218] =	vst v0;
	s9 =	smin.u32 s0, $0x27100  }
0x2fe: {  	s12 =	simm.s32 $0x9;
	s30 =	simm.s32 $0xA;
	[tilespmem:$0x2228] =	vst v0;
	s0 =	ssub.s32 s9, s8  }
0x2ff: {  	s13 =	simm.s32 $0xB;
	s16 =	simm.s32 $0x0;
	[tilespmem:$0x2208] =	vst v0;
	p0 =	sgt.s32 s0, $0x0  }
0x300: {  	p1 =	por $0x1, $0x1;
	p2 =	por $0x0, $0x0;
	[tilespmem:$0x2198] =	vst v0;
	s0 =	simm.s32 @!p0 $0x0  }
0x301: {  	s17 =	simm.s32 $0xC;
	s21 =	simm.s32 $0x0;
	[tilespmem:$0x21F8] =	vst v0;
	s28 =	smulhi.u32 $0x2AAAAAAB, s0  }
0x302: {  	s18 =	simm.s32 $0x0;
	s20 =	simm.s32 $0x0;
	s10 =	sand.u32 $0x1, s2;
	[tilespmem:$0x21E8] =	vst v0  }
0x303: {  	s11 =	sadd.s32 $0x31000, s6;
	s14 =	smul.u32 $0x4E20, s10;
	[tilespmem:$0x21D8] =	vst v0;
	s1 =	sshrl.u32 s28, $0x6  }
0x304: {  	[dreg:$0x5] =	wrdreg s10;
	s31 =	sshll.u32 s4, $0x6;
	[tilespmem:$0x21A8] =	vst v0;
	s29 =	smul.u32 $0x180, s1  }
.Ltmp0:
0x305: {  	[tilespmem:$0x2178] =	vst v0;
	[sflag:s5] =	ssyncpa.u1 $0x0;
	v0 =	vimm.s32 $0xFFFFFFFF;
	[dreg:$0x4] =	wrdreg s31;
	(pc) =	sbr.rel .LBB2_1-.Ltmp0, $4  }
0x306: {  	[tilespmem:$0x6088] =	vst v0;
	[sflag:s12] =	ssyncpa.u1 $0x0;
	[smem:$0x7FD] =	sst s3;
	p0 =	sne.s32 s0, s29  }
0x307: {  	s3 =	sadd.s32 $0x527200, s6;
	[sflag:s30] =	ssyncpa.u1 $0x0;
	s7 =	simm.s32 @!p0 $0x0  }
0x308: {  	s6 =	sadd.s32 s14, s6;
	[sflag:s13] =	ssyncpa.u1 $0x0;
	s7 =	sadd.s32 s7, s1  }
0x309: {  	v0 =	vlaneseq.u32;
	s14 =	sadd.s32 $0x51D400, s6;
	s19 =	smov.u32 s8;
	s15 =	sadd.s32 $0x1, s7  }
.LBB2_18:
0x30a: {  	s0 =	simm.s32 $0x2  }
0x30b: {  	_ =	swait.ge [sflag:s0], $0x0  }
0x30c: {  	[sflag:s0] =	ssyncset.done $0x0;
	s0 =	simm.s32 $0x0  }
.LBB2_19:
0x30d: {  	_ =	swait.ge [sflag:s17], s0  }
0x30e: {  	s31 =	ssub.s32 $0x0, s0;
	v1 =	vmov s23;
	vm0 =	veq.s32 v0, $0x0;
	[sflag:s17] =	ssyncset.done $0x0  }
0x30f: {  	vm15 =	veq.s32 v0, $0x2;
	v1 =	vsel vm0, s28, v1;
	[sflag:s17] =	ssyncadd.s32 s31  }
0x310: {  	v1 =	vsel vm15, s21, v1;
	[sflag:s17] =	ssyncpa.u1 $0x1  }
0x311: {  	[tilespmem:$0x6088] =	vst v1  }
.LBB2_20:
0x312: {  	s0 =	sadd.s32 $0x180, s19  }
0x313: {  	s1 =	smov.u32 s8;
	p0 =	slt.s32 s0, s9  }
0x314: {  	s1 =	smov.u32 @p0 s0;
	p0 =	sne.s32 s20, s15  }
.Ltmp1:
0x315: {  	_ = 	snop;
	(pc) =	sbr.rel @!p0 .LBB2_21-.Ltmp1, $4  }
0x316: {  	_ = 	snop  }
0x317: {  	s21 =	smov.u32 s18  }
0x318: {  	s31 =	sadd.s32 $0x1, s20;
	s18 =	smov.u32 s19;
	p1 =	por !p1, !p1  }
0x319: {  	p2 =	por !p2, !p2;
	s20 =	smov.u32 s31;
	s19 =	smov.u32 s1  }
.LBB2_1:
0x31a: {  	p0 =	sge.u32 s20, s7  }
0x31b: {  	s0 =	smulhi.u32 @!p0 $0xAAAAAAAB, s20  }
0x31c: {  	s1 =	smov.u32 s19;
	p3 =	sgt.s32 @!p0 s19, $0x26F80  }
0x31d: {  	s2 =	sshra.s32 @!p0 s19, $0x1F;
	p3 =	por !p3, p0;
	s0 =	sshrl.u32 @!p0 s0, $0x1  }
0x31e: {  	s2 =	sand.u32 @!p0 s2, s19;
	s1 =	simm.s32 @p3 $0x26F80;
	s0 =	smul.u32 @!p0 $0x3, s0  }
0x31f: {  	s22 =	sadd.s32 $0xFFFFFFFF, s20;
	s1 =	ssub.s32 @!p0 s1, s2  }
0x320: {  	s5 =	sand.u32 @!p0 $0x7, s19;
	s1 =	sadd.s32 @!p0 $0xFFFD9080, s1;
	s0 =	ssub.s32 @!p0 s20, s0  }
0x321: {  	s2 =	sshll.u32 @!p0 s1, $0x2;
	p3 =	sgt.s32 @!p0 s1, $0x17F;
	s0 =	smul.u32 @!p0 $0x600, s0  }
0x322: {  	s1 =	ssub.s32 @!p0 $0x600, s2;
	p3 =	por !p3, p0;
	s2 =	sshrl.u32 @!p0 s19, $0x3  }
0x323: {  	s1 =	sshrl.u32 @!p0 s1, $0x2;
	s2 =	sadd.s32 @!p0 s2, s14;
	s0 =	sshrl.u32 @!p0 s0, $0x2  }
0x324: {  	s1 =	simm.s32 @!p3 $0x0;
	p3 =	sge.u32 s22, s7;
	s0 =	sadd.s32 @!p0 $0x64C8, s0  }
0x325: {  	[tilespmem:s0], [sflag:$0xA] =	stream.linear.gather @!p0 [hbm4b:s2+s5], s1, $0x38;
	[tilespmem:$0x1EC48] =	vst v63  }
0x326: {  	p0 =	sgt.s32 @!p3 s18, $0x26F80  }
0x327: {  	s0 =	smov.u32 s18;
	s1 =	sshra.s32 @!p3 s18, $0x1F;
	p0 =	por !p0, p3  }
0x328: {  	s1 =	sand.u32 @!p3 s1, s18;
	s0 =	simm.s32 @p0 $0x26F80  }
0x329: {  	s0 =	ssub.s32 @!p3 s0, s1  }
0x32a: {  	s0 =	sadd.s32 @!p3 $0xFFFD9080, s0  }
0x32b: {  	s1 =	sshll.u32 @!p3 s0, $0x2  }
0x32c: {  	p0 =	sgt.s32 @!p3 s0, $0x17F;
	s0 =	ssub.s32 @!p3 $0x600, s1  }
0x32d: {  	p0 =	por !p0, p3;
	s0 =	sshrl.u32 @!p3 s0, $0x2  }
0x32e: {  	s2 =	simm.s32 @!p3 $0xA;
	s1 =	sand.u32 @!p3 $0x1, s22;
	s0 =	simm.s32 @!p0 $0x0  }
0x32f: {  	s1 =	smul.u32 @!p3 $0x600, s1;
	_ =	swait.ge @!p3 [sflag:s2], s0  }
0x330: {  	s5 =	ssub.s32 @!p3 $0x0, s0;
	[sflag:s2] =	ssyncset.done @!p3 $0x0  }
0x331: {  	s1 =	sshrl.u32 @!p3 s1, $0x2;
	[sflag:s2] =	ssyncadd.s32 @!p3 s5;
	s2 =	sshrl.u32 @!p3 s18, $0x3  }
0x332: {  	s1 =	sadd.s32 @!p3 $0x6948, s1;
	s5 =	sand.u32 @!p3 $0x7, s18;
	s2 =	sadd.s32 @!p3 s2, s6  }
0x333: {  	[tilespmem:s1], [sflag:$0xB] =	stream.linear.gather @!p3 [hbm4b:s2+s5], s0, $0x38;
	[tilespmem:$0x1EC48] =	vst v63  }
0x334: {  	s0 =	ssub.s32 @!p3 $0x27100, s18  }
0x335: {  	p0 =	slt.s32 @!p3 s0, $0x1  }
0x336: {  	p0 =	por p3, p0  }
.Ltmp2:
0x337: {  	_ = 	snop;
	(pc) =	sbr.rel @p0 .LBB2_7-.Ltmp2, $1  }
0x338: {  	_ =	sdelay $0x3  }
0x339: {  	s1 =	smulhi.u32 $0xAAAAAAAB, s22;
	_ =	sdelay $0x1  }
0x33a: {  	s1 =	sshrl.u32 s1, $0x1  }
0x33b: {  	s1 =	smul.u32 $0x3, s1;
	_ =	sdelay $0x1  }
0x33c: {  	s1 =	ssub.s32 s22, s1  }
0x33d: {  	s2 =	simm.s32 $0x1;
	s1 =	smul.u32 $0x600, s1  }
.Ltmp3:
0x33e: {  	s2 =	simm.s32 @!p1 $0x0;
	(pc) =	sbr.rel .LBB2_4-.Ltmp3, $4  }
0x33f: {  	s2 =	smul.u32 $0x30000, s2  }
0x340: {  	p0 =	slt.s32 @!p3 s0, $0x180;
	s1 =	sshrl.u32 s1, $0x2  }
0x341: {  	p0 =	por !p0, p3;
	s2 =	sshrl.u32 s2, $0x2;
	s1 =	sadd.s32 $0x64C8, s1  }
0x342: {  	s23 =	simm.s32 $0x0;
	s0 =	simm.s32 @p0 $0x180;
	s22 =	sadd.s32 $0x6C48, s2;
	v1 =	vmov s1  }
.LBB2_3:
0x343: {  	p0 =	sge.s32 s23, s0  }
.Ltmp4:
0x344: {  	_ = 	snop;
	(pc) =	sbr.rel @p0 .LBB2_7-.Ltmp4, $2  }
0x345: {  	_ =	sdelay $0x2  }
0x346: {  	s22 =	sadd.s32 $0x800, s22  }
.LBB2_4:
0x347: {  	p0 =	sle.s32 s0, s23  }
.Ltmp5:
0x348: {  	_ = 	snop;
	(pc) =	sbr.rel @p0 .LBB2_3-.Ltmp5, $2  }
0x349: {  	_ =	sdelay $0x2  }
0x34a: {  	s24 =	smov.u32 s23;
	s23 =	sadd.s32 $0x10, s23  }
0x34b: {  	s1 =	ssub.s32 s0, s24  }
0x34c: {  	p0 =	slt.s32 s1, $0x10  }
0x34d: {  	s1 =	simm.s32 @!p0 $0x10  }
0x34e: {  	v2 =	vmov s1  }
0x34f: {  	vm0 =	vgt.s32 v2, v0;
	_ =	sdelay $0x5  }
0x350: {  	v2 =	vld.idx.msk [tilespmem:v1+s24+$0x0 ss:$0x1], vm0;
	_ =	sdelay $0x2  }
0x351: {  	p0 =	slt.s32 s23, s0;
	s1 =	smov.u32 s0  }
0x352: {  	s2 =	smov.u32 s22;
	s25 =	simm.s32 $0x0;
	s1 =	smov.u32 @p0 s23  }
.LBB2_6:
0x353: {  	(v2sf) =	vpush v2, s25;
	_ =	sdelay $0xc  }
0x354: {  	s25 =	sadd.s32 $0x1, s25  }
0x355: {  	s31 =	sadd.s32 s25, s24  }
0x356: {  	p0 =	slt.s32 s31, s1;
	s5 =	spop (v2sf)  }
.Ltmp6:
0x357: {  	s5 =	sshll.u32 s5, $0x4;
	(pc) =	sbr.rel @p0 .LBB2_6-.Ltmp6, $4  }
0x358: {  	s5 =	sand.u32 $0x1FFFFFF0, s5  }
0x359: {  	s5 =	sadd.s32 s11, s5  }
0x35a: {  	[tilespmem:s2], [sflag:$0x9] =	stream.linear.gather [hbm4b:s5+s16], $0x19, $0x38;
	[tilespmem:$0x1EC48] =	vst v63  }
0x35b: {  	s2 =	sadd.s32 $0x80, s2  }
.Ltmp7:
0x35c: {  	_ = 	snop;
	(pc) =	sbr.rel .LBB2_3-.Ltmp7, $1  }
0x35d: {  	_ =	sdelay $0x3  }
.LBB2_7:
0x35e: {  	p0 =	slt.u32 s20, $0x2  }
.Ltmp8:
0x35f: {  	_ = 	snop;
	(pc) =	sbr.rel @p0 .LBB2_20-.Ltmp8, $1  }
0x360: {  	_ =	sdelay $0x3  }
0x361: {  	s0 =	ssub.s32 $0x27100, s21;
	p0 =	sgt.s32 s21, $0x26F80  }
0x362: {  	s1 =	smov.u32 s21;
	s2 =	sshra.s32 s21, $0x1F;
	p3 =	slt.s32 s0, $0x180  }
0x363: {  	s1 =	simm.s32 @!p0 $0x26F80;
	s2 =	sand.u32 s2, s21;
	s0 =	simm.s32 @!p3 $0x180  }
0x364: {  	s1 =	ssub.s32 s1, s2;
	s0 =	smul.u32 $0x64, s0  }
0x365: {  	s1 =	sadd.s32 $0xFFFD9080, s1  }
0x366: {  	s26 =	sshll.u32 s1, $0x2;
	s0 =	sshrl.u32 s0, $0x2  }
0x367: {  	p0 =	sgt.s32 s1, $0x17F;
	s28 =	ssub.s32 $0x600, s26;
	_ =	swait.ge [sflag:s12], s0  }
0x368: {  	s0 =	ssub.s32 $0x0, s0;
	s1 =	sshrl.u32 s28, $0x2;
	[sflag:s12] =	ssyncset.done $0x0  }
0x369: {  	s1 =	simm.s32 @p0 $0x0;
	[sflag:s12] =	ssyncadd.s32 s0  }
0x36a: {  	_ =	swait.ge [sflag:s13], s1  }
0x36b: {  	s29 =	ssub.s32 $0x0, s1;
	[sflag:s13] =	ssyncset.done $0x0  }
0x36c: {  	[sflag:s13] =	ssyncadd.s32 s29  }
0x36d: {  	v1 =	vld [tilespmem:$0x6088];
	_ =	sdelay $0x4  }
0x36e: {  	(v2sf) =	vpush v1, $0x0  }
0x36f: {  	(v2sf) =	vpush v1, $0x1  }
0x370: {  	(v2sf) =	vpush v1, $0x2;
	_ =	sdelay $0x3  }
0x371: {  	s0 =	sadd.s32 $0x180, s21  }
0x372: {  	p0 =	slt.s32 s9, s0;
	s1 =	ssub.s32 $0x4E200, s21  }
0x373: {  	s0 =	smov.u32 @p0 s9;
	p0 =	sgt.s32 s1, $0x0  }
0x374: {  	s0 =	ssub.s32 s0, s21;
	s1 =	simm.s32 @!p0 $0x0  }
0x375: {  	p0 =	slt.s32 s1, s0  }
0x376: {  	s0 =	smov.u32 @p0 s1  }
0x377: {  	s24 =	simm.s32 $0x1;
	p3 =	slt.s32 s0, $0x1  }
.Ltmp9:
0x378: {  	s24 =	simm.s32 @!p2 $0x0;
	(pc) =	sbr.rel @p3 .LBB2_12-.Ltmp9, $4  }
0x379: {  	s30 =	smul.u32 $0x600, s24  }
0x37a: {  	s25 =	spop (v2sf)  }
0x37b: {  	s31 =	sshrl.u32 s30, $0x2;
	s26 =	spop (v2sf)  }
0x37c: {  	s22 =	sadd.s32 $0x6948, s31;
	s21 =	spop (v2sf)  }
0x37d: {  	s1 =	smin.u32 s0, $0x10  }
0x37e: {  	v1 =	vmov s1  }
0x37f: {  	p0 =	sgt.s32 s0, $0x10;
	vm1 =	vgt.u32 v1, v0  }
.Ltmp10:
0x380: {  	_ = 	snop;
	(pc) =	sbr.rel @!p0 .LBB2_11-.Ltmp10, $2  }
0x381: {  	_ =	sdelay $0x2  }
0x382: {  	s28 =	simm.s32 $0x10;
	s29 =	sadd.s32 $0xFFFFFFF0, s0;
	s23 =	smov.u32 s22;
	vm0 =	vmmov vm1  }
.LBB2_10:
0x383: {  	s1 =	smin.u32 s29, $0x10;
	s28 =	sadd.s32 $0x10, s28;
	v1 =	vld.msk [tilespmem:s23+$0x0 ss:$0x1], vm1  }
0x384: {  	v2 =	vmov s1;
	p0 =	slt.s32 s28, s0  }
0x385: {  	vm1 =	vgt.u32 v2, v0  }
.Ltmp11:
0x386: {  	(pc) =	sbr.rel @p0 .LBB2_10-.Ltmp11, $3  }
0x387: {  	_ =	sdelay $0x1  }
0x388: {  	v1 =	vshll.u32 v1, $0x4  }
0x389: {  	s29 =	sadd.s32 $0xFFFFFFF0, s29;
	[tilespmem:s23+$0x0] =	vst.msk vm0, v1;
	s23 =	sadd.s32 $0x10, s23;
	vm0 =	vmmov vm1  }
.LBB2_11:
0x38a: {  	_ =	sdelay $0x4  }
0x38b: {  	v1 =	vld.msk [tilespmem:s23+$0x0 ss:$0x1], vm1;
	_ =	sdelay $0x4  }
0x38c: {  	v1 =	vshll.u32 v1, $0x4  }
0x38d: {  	[tilespmem:s23+$0x0] =	vst.msk vm0, v1  }
.LBB2_12:
0x38e: {  	s1 =	sand.u32 $0x1, s20  }
0x38f: {  	s1 =	smul.u32 $0x180, s1  }
0x390: {  	p0 =	sne.s32 s26, $0xFFFFFFFF  }
0x391: {  	v1 =	vld.msk @!p0 [tilespmem:s1+$0x6948], $0x1;
	_ =	sdelay $0x4  }
0x392: {  	(v2sf) =	vpush @!p0 v1, $0x0;
	_ =	sdelay $0xc  }
.Ltmp12:
0x393: {  	_ = 	snop;
	(pc) =	sbr.rel @p3 .LBB2_18-.Ltmp12, $4  }
0x394: {  	_ = 	snop  }
0x395: {  	s28 =	spop @!p0 (v2sf)  }
0x396: {  	s21 =	simm.s32 @!p0 $0x0;
	s23 =	smov.u32 s28  }
0x397: {  	[sflag:s17] =	ssyncpa.u1 $0x0;
	s28 =	smov.u32 @p0 s25;
	s23 =	smov.u32 @p0 s26  }
0x398: {  	v1 =	vld.msk [tilespmem:s22+$0x0], $0x1;
	_ =	sdelay $0x4  }
0x399: {  	(v2sf) =	vpush v1, $0x0;
	_ =	sdelay $0xd  }
0x39a: {  	s1 =	simm.s32 @!p2 $0x0  }
0x39b: {  	s26 =	smul.u32 $0x30000, s24;
	s29 =	ssub.s32 $0x0, s0;
	s30 =	spop (v2sf)  }
0x39c: {  	s1 =	simm.s32 @p2 $0x1;
	s0 =	sadd.s32 $0x1, s29;
	p3 =	seq.s32 s28, s30  }
0x39d: {  	[smem:$0x7FC] =	sst s1;
	s1 =	sshrl.u32 s26, $0x2;
	p0 =	sgt.s32 @!p3 s28, $0x0  }
0x39e: {  	s24 =	sadd.s32 $0x6C58, s1;
	s1 =	smov.u32 s28;
	p0 =	por !p0, p3  }
0x39f: {  	s1 =	simm.s32 @p0 $0x0;
	p0 =	seq.s32 s0, $0x0  }
.Ltmp13:
0x3a0: {  	_ = 	snop;
	(pc) =	sbr.rel @p0 .LBB2_15-.Ltmp13, $4  }
0x3a1: {  	_ = 	snop  }
0x3a2: {  	s25 =	simm.s32 $0x0;
	s31 =	simm.s32 @!p3 $0x1;
	s2 =	smin.u32 @!p3 s1, $0x7A11FC  }
0x3a3: {  	s26 =	sadd.s32 $0x1, s22;
	s31 =	smov.u32 @p3 s25;
	s5 =	sand.u32 @!p3 $0x7FFFF8, s2  }
0x3a4: {  	s1 =	simm.s32 @!p3 $0x3068;
	s2 =	sand.u32 @!p3 $0x7, s2;
	s5 =	sadd.s32 @!p3 s3, s5  }
.LBB2_14:
0x3a5: {  	s4 =	smov.u32 s31  }
0x3a6: {  	[tilespmem:s1], [sflag:$0x2] =	stream.linear.gather @!p3 [hbm4b:s5+s2], $0x19, $0x38;
	[tilespmem:$0x1EC48] =	vst v63  }
0x3a7: {  	s0 =	sadd.s32 $0x1, s0;
	s2 =	smov.u32 s30;
	v1 =	vld.msk [tilespmem:s26+$0x0], $0x1  }
0x3a8: {  	p4 =	seq.s32 s0, $0x0;
	_ =	sdelay $0x3  }
0x3a9: {  	(v2sf) =	vpush v1, $0x0;
	_ =	sdelay $0xe  }
0x3aa: {  	s30 =	spop (v2sf)  }
0x3ab: {  	p3 =	seq.s32 s2, s30  }
0x3ac: {  	p0 =	sgt.s32 @!p3 s2, $0x0;
	s1 =	sshll.u32 @!p3 s31, $0x7;
	s31 =	sadd.s32 @!p3 $0x1, s31  }
.Ltmp14:
0x3ad: {  	p0 =	por !p0, p3;
	s1 =	sshra.s32 @!p3 s1, $0x2;
	(pc) =	sbr.rel @!p4 .LBB2_14-.Ltmp14, $4  }
0x3ae: {  	s31 =	smov.u32 @p3 s4;
	s2 =	simm.s32 @p0 $0x0;
	s1 =	sadd.s32 @!p3 $0x3068, s1  }
0x3af: {  	s2 =	smin.u32 @!p3 s2, $0x7A11FC  }
0x3b0: {  	s4 =	sand.u32 @!p3 $0x7FFFF8, s2;
	s2 =	sand.u32 @!p3 $0x7, s2  }
0x3b1: {  	s26 =	sadd.s32 $0x1, s26;
	s5 =	sadd.s32 @!p3 s3, s4  }
.LBB2_15:
0x3b2: {  	s0 =	smul.u32 $0x64, s31  }
0x3b3: {  	[tilespmem:s1], [sflag:$0x2] =	stream.linear.gather @!p3 [hbm4b:s5+s2], $0x19, $0x38;
	[tilespmem:$0x1EC48] =	vst v63  }
0x3b4: {  	s31 =	simm.s32 $0x2;
	s0 =	sshrl.u32 s0, $0x2  }
0x3b5: {  	_ =	swait.ge [sflag:s31], s0  }
0x3b6: {  	s0 =	ssub.s32 $0x0, s0;
	[sflag:s31] =	ssyncset.done $0x0  }
0x3b7: {  	[sflag:s31] =	ssyncadd.s32 s0  }
0x3b8: {  	v1 =	vld.msk [tilespmem:s22+$0x0], $0x1;
	_ =	sdelay $0x4  }
0x3b9: {  	(v2sf) =	vpush v1, $0x0;
	_ =	sdelay $0xe  }
0x3ba: {  	s26 =	spop (v2sf)  }
0x3bb: {  	p3 =	sne.s32 s28, s26  }
0x3bc: {  	p5 =	sne.s32 @p3 s28, s23  }
0x3bd: {  	p4 =	por !p5, !p3  }
0x3be: {  	s0 =	simm.s32 @!p4 $0x0  }
0x3bf: {  	v1 =	vld @!p4 [tilespmem:s0+$0x3068];
	_ =	sdelay $0x2  }
0x3c0: {  	s1 =	sshll.u32 @!p4 s21, $0x7  }
0x3c1: {  	s1 =	sshra.s32 @!p4 s1, $0x2  }
0x3c2: {  	[tilespmem:s1+$0x48] =	vst.add.f32.msk @!p4 $0xffff, v1  }
0x3c3: {  	v1 =	vld.msk @!p4 [tilespmem:s0+$0x3078], $0x1ff  }
0x3c4: {  	p6 =	sgt.u32 @!p4 s28, $0x7A11FC  }
0x3c5: {  	p0 =	por @p3 p6, !p5  }
0x3c6: {  	p2 =	por p0, !p3;
	p0 =	por p5, !p3  }
0x3c7: {  	s4 =	sand.u32 @!p2 $0x7FFFF8, s28;
	s5 =	sshll.u32 @!p0 s21, $0x7;
	s28 =	sand.u32 @!p2 $0x7, s28  }
0x3c8: {  	s0 =	sadd.s32 @!p4 $0x48, s1;
	[tilespmem:s1+$0x58] =	vst.add.f32.msk @!p4 $0x1ff, v1;
	s1 =	sadd.s32 @!p2 s3, s4;
	s4 =	sshra.s32 @!p0 s5, $0x2  }
0x3c9: {  	[hbm4b:s1+s28] =	stream.linear.scatter @!p2 [tilespmem:s0], [sflag:$0xC], $0x19, $0x38;
	[tilespmem:$0x1EC48] =	vst v63  }
0x3ca: {  	s2 =	rddreg [dreg:$0x4];
	s0 =	sadd.s32 @!p0 $0x48, s4;
	s1 =	simm.s32 @!p0 $0x1  }
0x3cb: {  	[spmem:s2] =	stream.linear.scatter @!p0 [tilespmem:s0], [sflag:$0x1], $0x19, $0x38;
	[tilespmem:$0x1EC48] =	vst v63  }
0x3cc: {  	s0 =	sadd.s32 @p3 $0x1, s21;
	_ =	swait.ge @!p0 [sflag:s1], $0x19  }
0x3cd: {  	s2 =	smulhi.u32 @p3 $0xAAAAAAAB, s0;
	[sflag:s1] =	ssyncset.done @!p0 $0x0  }
0x3ce: {  	[sflag:s1] =	ssyncadd.s32 @!p0 $0xFFFFFFE7  }
0x3cf: {  	s1 =	sshrl.u32 @p3 s2, $0x8;
	v1 =	vld @p3 [tilespmem:s24+$0xFFFFFFF0]  }
0x3d0: {  	s1 =	smul.u32 @p3 $0x180, s1;
	_ =	sdelay $0x1  }
0x3d1: {  	s1 =	ssub.s32 @p3 s0, s1  }
0x3d2: {  	s0 =	sshll.u32 @p3 s1, $0x5  }
0x3d3: {  	[tilespmem:s0+$0x48] =	vst @p3 v1  }
0x3d4: {  	v1 =	vld.msk @p3 [tilespmem:s24+$0x0], $0x1ff;
	_ =	sdelay $0x4  }
0x3d5: {  	p0 =	por @p3 !p6, !p5;
	[tilespmem:s0+$0x58] =	vst.msk @p3 $0x1ff, v1  }
0x3d6: {  	s28 =	sadd.s32 $0x1, s29;
	p0 =	por !p0, !p3;
	s0 =	simm.s32 @!p4 $0x0;
	v1 =	vld @!p3 [tilespmem:s24+$0xFFFFFFF0]  }
0x3d7: {  	s0 =	simm.s32 @!p0 $0x64;
	p0 =	seq.s32 s28, $0x0  }
.Ltmp15:
0x3d8: {  	_ = 	snop;
	(pc) =	sbr.rel @p0 .LBB2_17-.Ltmp15, $4  }
0x3d9: {  	s2 =	sshll.u32 @!p3 s21, $0x7  }
0x3da: {  	s5 =	sadd.s32 @!p4 $0x0, s0;
	s0 =	sshra.s32 @!p3 s2, $0x2  }
0x3db: {  	s4 =	simm.s32 @p3 $0x1;
	s29 =	simm.s32 $0x0;
	s5 =	smov.u32 @p4 s25;
	[tilespmem:s0+$0x48] =	vst.add.f32.msk @!p3 $0xffff, v1  }
0x3dc: {  	s29 =	smov.u32 @p3 s4;
	s21 =	smov.u32 @p3 s1;
	s25 =	smov.u32 @p3 s5;
	v1 =	vld.msk @!p3 [tilespmem:s24+$0x0], $0x1ff  }
.LBB2_16:
0x3dd: {  	_ =	sdelay $0x3  }
0x3de: {  	s22 =	sadd.s32 $0x1, s22;
	[tilespmem:s0+$0x58] =	vst.add.f32.msk @!p3 $0x1ff, v1  }
0x3df: {  	v1 =	vld.msk [tilespmem:s22+$0x0], $0x1;
	_ =	sdelay $0x4  }
0x3e0: {  	(v2sf) =	vpush v1, $0x0;
	_ =	sdelay $0xe  }
0x3e1: {  	s31 =	smov.u32 s26;
	s26 =	spop (v2sf)  }
0x3e2: {  	p3 =	sne.s32 s31, s26  }
0x3e3: {  	p6 =	sne.s32 @p3 s31, s23  }
0x3e4: {  	p5 =	por !p6, !p3  }
0x3e5: {  	s1 =	sadd.s32 @p3 $0x1, s21;
	s4 =	sadd.s32 @p3 $0x1, s29;
	s5 =	sshll.u32 @!p5 s29, $0x7  }
0x3e6: {  	s2 =	smulhi.u32 @p3 $0xAAAAAAAB, s1;
	s29 =	smov.u32 @p3 s4;
	s4 =	sshra.s32 @!p5 s5, $0x2  }
0x3e7: {  	v1 =	vld @!p5 [tilespmem:s4+$0x3068]  }
0x3e8: {  	s2 =	sshrl.u32 @p3 s2, $0x8  }
0x3e9: {  	s2 =	smul.u32 @p3 $0x180, s2  }
0x3ea: {  	s10 =	sshll.u32 @!p5 s21, $0x7  }
0x3eb: {  	p2 =	sgt.u32 @!p5 s31, $0x7A11FC;
	s1 =	ssub.s32 @p3 s1, s2;
	s2 =	sshra.s32 @!p5 s10, $0x2  }
0x3ec: {  	p0 =	por @p3 p2, !p6;
	p2 =	por @p3 !p2, !p6;
	[tilespmem:s2+$0x48] =	vst.add.f32.msk @!p5 $0xffff, v1  }
0x3ed: {  	s5 =	simm.s32 @!p5 $0x0;
	p2 =	por !p2, !p3;
	v1 =	vld.msk @!p5 [tilespmem:s4+$0x3078], $0x1ff  }
0x3ee: {  	s0 =	smov.u32 s21;
	s5 =	simm.s32 @!p2 $0x64  }
0x3ef: {  	p2 =	por p0, !p3;
	p0 =	por p6, !p3;
	s5 =	sadd.s32 @!p5 s5, s25  }
0x3f0: {  	s0 =	sshll.u32 @!p0 s0, $0x7;
	s5 =	smov.u32 @p5 s25  }
0x3f1: {  	s10 =	sadd.s32 @!p5 $0x48, s2;
	s25 =	smov.u32 @p3 s5;
	s5 =	sand.u32 @!p2 $0x7FFFF8, s31  }
0x3f2: {  	s0 =	sshra.s32 @!p0 s0, $0x2;
	s31 =	sand.u32 @!p2 $0x7, s31;
	[tilespmem:s2+$0x58] =	vst.add.f32.msk @!p5 $0x1ff, v1;
	s2 =	sadd.s32 @!p2 s3, s5  }
0x3f3: {  	[hbm4b:s2+s31] =	stream.linear.scatter @!p2 [tilespmem:s10], [sflag:$0xC], $0x19, $0x38;
	[tilespmem:$0x1EC48] =	vst v63  }
0x3f4: {  	s0 =	sadd.s32 @!p0 $0x48, s0;
	s4 =	rddreg [dreg:$0x4];
	s2 =	simm.s32 @!p0 $0x1  }
0x3f5: {  	[spmem:s4] =	stream.linear.scatter @!p0 [tilespmem:s0], [sflag:$0x1], $0x19, $0x38;
	[tilespmem:$0x1EC48] =	vst v63  }
0x3f6: {  	_ =	swait.ge @!p0 [sflag:s2], $0x19  }
0x3f7: {  	[sflag:s2] =	ssyncset.done @!p0 $0x0  }
0x3f8: {  	s24 =	sadd.s32 $0x80, s24;
	[sflag:s2] =	ssyncadd.s32 @!p0 $0xFFFFFFE7  }
0x3f9: {  	v1 =	vld @p3 [tilespmem:s24+$0xFFFFFFF0];
	_ =	sdelay $0x3  }
0x3fa: {  	s0 =	sshll.u32 @p3 s1, $0x5  }
0x3fb: {  	[tilespmem:s0+$0x48] =	vst @p3 v1  }
0x3fc: {  	v1 =	vld.msk @p3 [tilespmem:s24+$0x0], $0x1ff;
	_ =	sdelay $0x4  }
0x3fd: {  	[tilespmem:s0+$0x58] =	vst.msk @p3 $0x1ff, v1  }
0x3fe: {  	s28 =	sadd.s32 $0x1, s28;
	v1 =	vld @!p3 [tilespmem:s24+$0xFFFFFFF0]  }
0x3ff: {  	p4 =	seq.s32 s28, $0x0  }
.Ltmp16:
0x400: {  	_ = 	snop;
	(pc) =	sbr.rel @!p4 .LBB2_16-.Ltmp16, $4  }
0x401: {  	s30 =	sshll.u32 @!p3 s21, $0x7  }
0x402: {  	s0 =	sshra.s32 @!p3 s30, $0x2  }
0x403: {  	[tilespmem:s0+$0x48] =	vst.add.f32.msk @!p3 $0xffff, v1  }
0x404: {  	s21 =	smov.u32 @p3 s1;
	v1 =	vld.msk @!p3 [tilespmem:s24+$0x0], $0x1ff  }
.LBB2_17:
.Ltmp17:
0x405: {  	_ = 	snop;
	(pc) =	sbr.rel .LBB2_19-.Ltmp17, $2  }
0x406: {  	s1 =	sld [smem:$0x7FC];
	_ =	sdelay $0x2  }
0x407: {  	s28 =	smov.u32 s26;
	p2 =	seq.s32 s1, $0x1;
	[tilespmem:s0+$0x58] =	vst.add.f32.msk @!p3 $0x1ff, v1;
	s0 =	sshrl.u32 s25, $0x2  }
.LBB2_21:
0x408: {  	_ =	sfence.sel $0x180000  }
0x409: {  	s0 =	simm.s32 $0x9;
	[bflag:$0x0] =	sbarrier.arrive $0xFFFF  }
0x40a: {  	s23 =	simm.s32 $0xA;
	[sflag:s0] =	ssyncpa.u1 $0x1  }
0x40b: {  	s24 =	simm.s32 $0xB;
	[sflag:s23] =	ssyncpa.u1 $0x1  }
0x40c: {  	s25 =	simm.s32 $0x2;
	[sflag:s24] =	ssyncpa.u1 $0x1  }
0x40d: {  	[sflag:s25] =	ssyncpa.u1 $0x1  }
0x40e: {  	v0 =	vld [tilespmem:$0x6088];
	_ =	sdelay $0x4  }
0x40f: {  	(v2sf) =	vpush v0, $0x0  }
0x410: {  	(v2sf) =	vpush v0, $0x1;
	_ =	sdelay $0x1  }
0x411: {  	(v2sf) =	vpush v0, $0x2;
	_ =	sdelay $0xb  }
0x412: {  	s0 =	spop (v2sf)  }
0x413: {  	s1 =	spop (v2sf)  }
0x414: {  	s2 =	smov.u32 s0;
	p0 =	sne.s32 s0, s1  }
0x415: {  	s4 =	spop (v2sf);
	s2 =	simm.s32 @!p0 $0xFFFFFFFF  }
0x416: {  	v2 =	vimm.s32 $0x1;
	v3 =	vlaneseq.u32;
	p0 =	seq.s32 s4, $0xFFFFFFFF;
	v1 =	vmov s2  }
0x417: {  	s15 =	stileid.u32;
	v0 =	vperm.xlane v0, v2;
	p1 =	sne.s32 @!p0 s0, s1;
	v1 =	vperm.xlane v1, v3  }
0x418: {  	vm0 =	vcmask $0x3F04;
	s6 =	simm.s32 $0x6088;
	s0 =	simm.s32 @!p0 $0x1;
	p1 =	por !p1, p0  }
0x419: {  	s2 =	sshll.u32 s15, $0x1;
	s1 =	sshll.u32 @!p0 s4, $0x7;
	s0 =	simm.s32 @p1 $0x0;
	v0 =	vsel vm0, v1, v0  }
0x41a: {  	s5 =	sor.u32 $0x400, s2;
	s1 =	sshra.s32 @!p0 s1, $0x2;
	s0 =	sor.u32 @!p0 s0, s2;
	[tilespmem:$0x6088] =	vst v0  }
0x41b: {  	[spmem:s5] =	stream.linear.scatter [tilespmem:s6], [sflag:$0x1], $0x2, $0x38;
	[tilespmem:$0x1EC48] =	vst v63  }
0x41c: {  	s1 =	sadd.s32 @!p0 $0x48, s1;
	s0 =	sshll.u32 @!p0 s0, $0x5  }
0x41d: {  	[spmem:s0] =	stream.linear.scatter @!p0 [tilespmem:s1], [sflag:$0x1], $0x20, $0x38;
	[tilespmem:$0x1EC48] =	vst v63  }
0x41e: {  	s0 =	simm.s32 @!p0 $0x22  }
0x41f: {  	s26 =	simm.s32 $0x1;
	s0 =	simm.s32 @p0 $0x2  }
0x420: {  	_ =	swait.ge [sflag:s26], s0  }
0x421: {  	s0 =	ssub.s32 $0x0, s0;
	[sflag:s26] =	ssyncset.done $0x0  }
0x422: {  	[sflag:s26] =	ssyncadd.s32 s0  }
0x423: {  	_ =	sfence.stream.spmem  }
0x424: {  	[bflag:$0x0] =	sbarrier.arrive $0xFFFF  }
0x425: {  	s31 =	sld [smem:$0x7FD];
	_ =	sdelay $0x2  }
0x426: {  	p3 =	seq.s32 s31, $0x1  }
.Ltmp18:
0x427: {  	_ = 	snop;
	(pc) =	sbr.rel @p3 .LBB2_38-.Ltmp18, $4  }
0x428: {  	s28 =	simm.s32 $0x3  }
0x429: {  	s29 =	simm.s32 $0x4;
	[sflag:s28] =	ssyncpa.u1 $0x1  }
0x42a: {  	s30 =	simm.s32 $0x3C;
	[sflag:s29] =	ssyncpa.u1 $0x1  }
0x42b: {  	s16 =	rddreg [dreg:$0x5];
	[sflag:s30] =	ssyncpa.u1 $0x1  }
0x42c: {  	_ =	sfence.stream.spmem;
	s0 =	simm.s32 $0x5  }
0x42d: {  	s1 =	simm.s32 $0x400;
	s2 =	simm.s32 $0x6098;
	[sflag:s0] =	ssyncpa.u1 $0x0  }
0x42e: {  	[tilespmem:s2], [sflag:$0x5] =	stream.linear.gather [spmem:s1], $0x20, $0x38;
	[tilespmem:$0x1EC48] =	vst v63  }
0x42f: {  	s26 =	simm.s32 $0x0;
	s28 =	simm.s32 $0x60B8  }
0x430: {  	[tilespmem:s28], [sflag:$0x5] =	stream.linear.gather [spmem:s26], $0x400, $0x38;
	[tilespmem:$0x1EC48] =	vst v63  }
0x431: {  	_ =	swait.ge [sflag:s0], $0x420  }
0x432: {  	[sflag:s0] =	ssyncset.done $0x0  }
0x433: {  	s29 =	simm.s32 $0x0;
	[sflag:s0] =	ssyncadd.s32 $0xFFFFFBE0  }
0x434: {  	v0 =	vld.msk [tilespmem:s29+$0x6098], $0x1;
	_ =	sdelay $0x1  }
0x435: {  	s30 =	simm.s32 $0x1  }
0x436: {  	v1 =	vld.msk [tilespmem:s30+$0x6098], $0x1;
	_ =	sdelay $0x1  }
0x437: {  	(v2sf) =	vpush v0, $0x0;
	_ =	sdelay $0x2  }
0x438: {  	(v2sf) =	vpush v1, $0x0;
	_ =	sdelay $0x2  }
0x439: {  	s31 =	simm.s32 $0x2  }
0x43a: {  	v0 =	vld.msk [tilespmem:s31+$0x6098], $0x1;
	_ =	sdelay $0x2  }
0x43b: {  	s6 =	simm.s32 $0xFFFFFFFF;
	s1 =	simm.s32 $0xFFFFFFFF;
	s0 =	simm.s32 $0xC  }
.LBB2_23:
0x43c: {  	s2 =	smov.u32 s6;
	s4 =	smov.u32 s1  }
0x43d: {  	s1 =	sshra.s32 s0, $0x2;
	p0 =	sne.s32 s0, $0x7C;
	s0 =	sadd.s32 $0x4, s0;
	(v2sf) =	vpush v0, $0x0  }
0x43e: {  	v0 =	vld.msk [tilespmem:s1+$0x6098], $0x1  }
.Ltmp19:
0x43f: {  	(pc) =	sbr.rel @p0 .LBB2_23-.Ltmp19, $4  }
0x440: {  	s6 =	spop (v2sf)  }
0x441: {  	p1 =	sne.s32 s4, $0xFFFFFFFF;
	s1 =	smov.u32 s6  }
0x442: {  	p2 =	seq.s32 s6, $0xFFFFFFFF;
	s1 =	smov.u32 @p1 s4  }
0x443: {  	s6 =	smov.u32 @p2 s2;
	s1 =	smov.u32 @p2 s4  }
0x444: {  	(v2sf) =	vpush v0, $0x0;
	_ =	sdelay $0x8  }
0x445: {  	s0 =	spop (v2sf)  }
0x446: {  	p0 =	sne.s32 s1, $0xFFFFFFFF;
	s2 =	smov.u32 s0  }
0x447: {  	s9 =	simm.s32 $0x6;
	p1 =	seq.s32 s0, $0xFFFFFFFF;
	s2 =	smov.u32 @p0 s1  }
0x448: {  	s10 =	simm.s32 $0x6068;
	s2 =	smov.u32 @p1 s1;
	s1 =	spop (v2sf)  }
0x449: {  	s0 =	smov.u32 @p1 s6;
	p0 =	sne.s32 s2, $0xFFFFFFFF;
	s4 =	smov.u32 s1  }
.Ltmp20:
0x44a: {  	p1 =	seq.s32 s1, $0xFFFFFFFF;
	s4 =	smov.u32 @p0 s2;
	(pc) =	sbr.rel .LBB2_25-.Ltmp20, $4  }
0x44b: {  	s11 =	simm.s32 $0x0;
	s4 =	smov.u32 @p1 s2;
	s7 =	spop (v2sf)  }
0x44c: {  	[sflag:s9] =	ssyncpa.u1 $0x0;
	p0 =	sne.s32 s4, $0xFFFFFFFF;
	s8 =	smov.u32 s7  }
0x44d: {  	s1 =	smov.u32 @p1 s0;
	p1 =	seq.s32 s7, $0xFFFFFFFF;
	s8 =	smov.u32 @p0 s4  }
0x44e: {  	s6 =	simm.s32 $0x0;
	s7 =	smov.u32 @p1 s1;
	s8 =	smov.u32 @p1 s4  }
.LBB2_31:
0x44f: {  	p0 =	sgt.u32 s12, $0x7A11FC  }
0x450: {  	p1 =	seq.s32 @!p0 s12, s8  }
0x451: {  	p0 =	por p0, p1  }
0x452: {  	p1 =	sne.s32 @!p0 s12, s7  }
0x453: {  	p0 =	por p0, !p1  }
0x454: {  	s0 =	sshll.u32 @p0 s11, $0x7  }
0x455: {  	s0 =	sand.u32 @!p0 $0x7FFFF8, s12  }
0x456: {  	s1 =	sand.u32 @!p0 $0x7, s12;
	s0 =	sadd.s32 @!p0 s3, s0  }
0x457: {  	[tilespmem:s10], [sflag:$0x6] =	stream.linear.gather @!p0 [hbm4b:s0+s1], $0x19, $0x38;
	[tilespmem:$0x1EC48] =	vst v63  }
0x458: {  	_ =	swait.ge @!p0 [sflag:s9], $0x19  }
0x459: {  	[sflag:s9] =	ssyncset.done @!p0 $0x0  }
0x45a: {  	[sflag:s9] =	ssyncadd.s32 @!p0 $0xFFFFFFE7  }
0x45b: {  	v1 =	vld @!p0 [tilespmem:$0x6068];
	_ =	sdelay $0x2  }
0x45c: {  	s0 =	sshll.u32 @!p0 s11, $0x7  }
0x45d: {  	s1 =	sshrl.u32 @!p0 s0, $0x2  }
0x45e: {  	[tilespmem:s1+$0x60B8] =	vst.add.f32.msk @!p0 $0xffff, v1  }
0x45f: {  	v1 =	vld @!p0 [tilespmem:$0x6078];
	_ =	sdelay $0x4  }
0x460: {  	[tilespmem:s1+$0x60C8] =	vst.add.f32.msk @!p0 $0xffff, v1  }
0x461: {  	s0 =	sshrl.u32 s0, $0x2;
	[tilespmem:s6+$0x6098] =	vst.msk $0x1, v0  }
0x462: {  	v0 =	vld [tilespmem:s0+$0x60B8];
	_ =	sdelay $0x2  }
0x463: {  	s31 =	sshll.u32 s6, $0x7  }
0x464: {  	s1 =	sshra.s32 s31, $0x2  }
0x465: {  	[tilespmem:s1+$0x60B8] =	vst v0  }
0x466: {  	v0 =	vld [tilespmem:s0+$0x60C8];
	_ =	sdelay $0x4  }
0x467: {  	s6 =	sadd.s32 $0x1, s6;
	[tilespmem:s1+$0x60C8] =	vst v0  }
.LBB2_32:
0x468: {  	s11 =	sadd.s32 $0x1, s11  }
0x469: {  	p0 =	sne.s32 s11, $0x20  }
.Ltmp21:
0x46a: {  	_ = 	snop;
	(pc) =	sbr.rel @!p0 .LBB2_33-.Ltmp21, $1  }
0x46b: {  	_ =	sdelay $0x3  }
.LBB2_25:
0x46c: {  	v0 =	vld.msk [tilespmem:s11+$0x6098], $0x1;
	_ =	sdelay $0x4  }
0x46d: {  	(v2sf) =	vpush v0, $0x0;
	_ =	sdelay $0xe  }
0x46e: {  	s12 =	spop (v2sf)  }
0x46f: {  	p0 =	seq.s32 s12, $0xFFFFFFFF  }
.Ltmp22:
0x470: {  	_ = 	snop;
	(pc) =	sbr.rel @p0 .LBB2_32-.Ltmp22, $1  }
0x471: {  	_ =	sdelay $0x3  }
0x472: {  	p0 =	slt.s32 s6, $0x1  }
.Ltmp23:
0x473: {  	_ = 	snop;
	(pc) =	sbr.rel @p0 .LBB2_31-.Ltmp23, $1  }
0x474: {  	_ =	sdelay $0x3  }
0x475: {  	s0 =	simm.s32 $0x6098;
	p0 =	por $0x0, $0x0  }
0x476: {  	v1 =	vld.msk @!p0 [tilespmem:s0+$0x0], $0x1;
	_ =	sdelay $0x4  }
0x477: {  	(v2sf) =	vpush @!p0 v1, $0x0;
	_ =	sdelay $0xd  }
0x478: {  	p2 =	sne.s32 s6, $0x1  }
.Ltmp24:
0x479: {  	s1 =	spop @!p0 (v2sf);
	(pc) =	sbr.rel @!p2 .LBB2_29-.Ltmp24, $4  }
0x47a: {  	p1 =	seq.s32 @!p0 s12, s1  }
0x47b: {  	s13 =	simm.s32 $0x0;
	p1 =	por !p1, p0  }
0x47c: {  	s1 =	simm.s32 $0xFFFFFFFF;
	s13 =	simm.s32 @p1 $0xFFFFFFFF  }
0x47d: {  	s14 =	simm.s32 $0x1;
	s13 =	smov.u32 @p0 s1  }
.LBB2_28:
0x47e: {  	s1 =	smov.u32 s13;
	p1 =	sne.s32 s13, $0xFFFFFFFF  }
0x47f: {  	s0 =	sadd.s32 $0x1, s0;
	s13 =	smov.u32 s14;
	s14 =	sadd.s32 $0x1, s14  }
0x480: {  	p2 =	sne.s32 s6, s14;
	v1 =	vld.msk @!p1 [tilespmem:s0+$0x0], $0x1;
	_ =	sdelay $0x4  }
0x481: {  	(v2sf) =	vpush @!p1 v1, $0x0;
	_ =	sdelay $0xe  }
.Ltmp25:
0x482: {  	s2 =	spop @!p1 (v2sf);
	(pc) =	sbr.rel @p2 .LBB2_28-.Ltmp25, $4  }
0x483: {  	p0 =	seq.s32 @!p1 s12, s2  }
0x484: {  	p0 =	por !p0, p1  }
0x485: {  	s13 =	simm.s32 @p0 $0xFFFFFFFF  }
0x486: {  	s13 =	smov.u32 @p1 s1  }
.LBB2_29:
0x487: {  	p0 =	seq.s32 s13, $0xFFFFFFFF  }
.Ltmp26:
0x488: {  	_ = 	snop;
	(pc) =	sbr.rel @p0 .LBB2_31-.Ltmp26, $1  }
0x489: {  	_ =	sdelay $0x3  }
0x48a: {  	s0 =	sshll.u32 s11, $0x5  }
0x48b: {  	s0 =	sand.u32 $0x3FFFFFE0, s0  }
0x48c: {  	v0 =	vld [tilespmem:s0+$0x60B8];
	_ =	sdelay $0x2  }
0x48d: {  	s1 =	sshll.u32 s13, $0x7  }
0x48e: {  	s1 =	sshra.s32 s1, $0x2  }
0x48f: {  	[tilespmem:s1+$0x60B8] =	vst.add.f32.msk $0xffff, v0  }
0x490: {  	v0 =	vld [tilespmem:s0+$0x60C8]  }
.Ltmp27:
0x491: {  	_ = 	snop;
	(pc) =	sbr.rel .LBB2_32-.Ltmp27, $2  }
0x492: {  	_ =	sdelay $0x2  }
0x493: {  	[tilespmem:s1+$0x60C8] =	vst.add.f32.msk $0xffff, v0  }
.LBB2_33:
0x494: {  	s0 =	simm.s32 $0x6;
	p1 =	seq.s32 s6, $0x0  }
0x495: {  	[sflag:s0] =	ssyncpa.u1 $0x1;
	v0 =	vimm.s32 @p1 $0xFFFFFFFF  }
0x496: {  	s0 =	sadd.s32 $0xFFFFFFFF, s6;
	[tilespmem:$0x64B8] =	vst @p1 v0  }
0x497: {  	v0 =	vld.msk @!p1 [tilespmem:s0+$0x6098], $0x1;
	_ =	sdelay $0x1  }
0x498: {  	v1 =	vld.msk @!p1 [tilespmem:$0x6098], $0x1;
	_ =	sdelay $0x2  }
0x499: {  	p0 =	seq.s32 @!p1 s0, $0x0;
	v0 =	vbroadcast @!p1 v0, $0x0  }
0x49a: {  	vm0 =	vmmov @!p1 $0x1;
	p0 =	por !p0, p1  }
0x49b: {  	v1 =	vnsel @!p1 vm0, $0xFFFFFFFF, v1;
	vm0 =	vcmask @!p1 $0x308;
	v0 =	vpsel !p0, $0xFFFFFFFF, v0  }
0x49c: {  	p0 =	sne.s32 @!p1 s8, s7;
	v0 =	vsel @!p1 vm0, v1, v0  }
0x49d: {  	s1 =	simm.s32 @!p1 $0x60B8;
	s2 =	simm.s32 @!p1 $0x0;
	p2 =	por !p0, p1;
	[tilespmem:$0x64B8] =	vst @!p1 v0  }
0x49e: {  	[spmem:s2] =	stream.linear.scatter @!p1 [tilespmem:s1], [sflag:$0x1], $0x20, $0x38;
	[tilespmem:$0x1EC48] =	vst v63  }
0x49f: {  	s1 =	sshll.u32 @!p2 s0, $0x7  }
0x4a0: {  	s1 =	sshra.s32 @!p2 s1, $0x2  }
0x4a1: {  	s2 =	simm.s32 @!p2 $0x20;
	s1 =	sadd.s32 @!p2 $0x60B8, s1  }
0x4a2: {  	[spmem:s2] =	stream.linear.scatter @!p2 [tilespmem:s1], [sflag:$0x1], $0x20, $0x38;
	[tilespmem:$0x1EC48] =	vst v63  }
0x4a3: {  	s1 =	simm.s32 @!p2 $0x1  }
0x4a4: {  	_ =	swait.ge @!p2 [sflag:s1], $0x40  }
0x4a5: {  	p0 =	por p0, p1;
	[sflag:s1] =	ssyncset.done @!p2 $0x0  }
0x4a6: {  	[sflag:s1] =	ssyncadd.s32 @!p2 $0xFFFFFFC0;
	s1 =	simm.s32 @!p0 $0x1  }
0x4a7: {  	_ =	swait.ge @!p0 [sflag:s1], $0x20  }
0x4a8: {  	s29 =	simm.s32 $0x64B8;
	[sflag:s1] =	ssyncset.done @!p0 $0x0  }
0x4a9: {  	s30 =	simm.s32 $0x400;
	s31 =	simm.s32 $0x1;
	[sflag:s1] =	ssyncadd.s32 @!p0 $0xFFFFFFE0  }
0x4aa: {  	[spmem:s30] =	stream.linear.scatter [tilespmem:s29], [sflag:$0x1], $0x10, $0x38;
	[tilespmem:$0x1EC48] =	vst v63  }
0x4ab: {  	_ =	swait.ge [sflag:s31], $0x10  }
0x4ac: {  	[sflag:s31] =	ssyncset.done $0x0  }
0x4ad: {  	p1 =	seq.s32 s16, $0x0;
	s9 =	rddreg [dreg:$0x1];
	[sflag:s31] =	ssyncadd.s32 $0xFFFFFFF0  }
0x4ae: {  	s2 =	sshll.u32 @p1 s9, $0xE;
	s8 =	rddreg [dreg:$0x2]  }
0x4af: {  	s1 =	sadd.s32 @p1 $0x15C3C, s2;
	s2 =	sshll.u32 @p1 s8, $0x11  }
0x4b0: {  	_ =	sfence.stream.spmem;
	s1 =	sor.u32 @p1 s2, s1  }
0x4b1: {  	[sflag:s1] =	ssyncadd.remote.s32 @p1 $0x1;
	s1 =	simm.s32 @p1 $0x4  }
0x4b2: {  	s4 =	simm.s32 @!p1 $0x3C;
	s2 =	sand.u32 $0xFFFFFFFE, s9;
	_ =	swait.ge @p1 [sflag:s1], $0xA  }
0x4b3: {  	s5 =	simm.s32 @!p1 $0x0;
	s2 =	sadd.s32 @!p1 $0x4, s2;
	[sflag:s1] =	ssyncset.done @p1 $0x0  }
0x4b4: {  	s7 =	simm.s32 @!p1 $0x40;
	[sflag:s1] =	ssyncadd.s32 @p1 $0xFFFFFFF6;
	s1 =	sshll.u32 @!p1 s2, $0x1A  }
0x4b5: {  	s2 =	sshll.u32 @!p1 s2, $0xD;
	s1 =	sor.u32 @!p1 s1, s8;
	_ =	swait.eq @!p1 [sflag:s4], $0x1  }
0x4b6: {  	s2 =	sor.u32 @!p1 $0x1C04, s2;
	s4 =	simm.s32 @!p1 $0x1C03;
	s1 =	sor.u32 @!p1 $0x80004000, s1  }
0x4b7: {  	[spmem:s7], [sflag:s2] =	dma.general @!p1 [spmem:s5], [sflag:s4], length:$0x8, [dreg:$0x0], stride_count:$0x0, ici_dest:s1, dma_misc:DstOpCode:WRITE  }
0x4b8: {  	p0 =	slt.s32 s0, $0x2;
	s5 =	simm.s32 @!p1 $0x80;
	s7 =	simm.s32 @!p1 $0x82  }
0x4b9: {  	[spmem:s7], [sflag:s2] =	dma.general @!p1 [spmem:s5], [sflag:s4], length:$0x2, [dreg:$0x0], stride_count:$0x0, ici_dest:s1, dma_misc:DstOpCode:WRITE  }
.Ltmp28:
0x4ba: {  	s1 =	simm.s32 @!p1 $0x3;
	(pc) =	sbr.rel @p0 .LBB2_37-.Ltmp28, $4  }
0x4bb: {  	s2 =	sshll.u32 @!p1 s9, $0xE;
	_ =	swait.ge @!p1 [sflag:s1], $0xA  }
0x4bc: {  	s4 =	sshll.u32 @!p1 s8, $0x11;
	s2 =	sadd.s32 @!p1 $0x11C3C, s2;
	[sflag:s1] =	ssyncset.done @!p1 $0x0  }
0x4bd: {  	[sflag:s1] =	ssyncadd.s32 @!p1 $0xFFFFFFF6;
	s1 =	sor.u32 @!p1 s4, s2  }
0x4be: {  	s0 =	simm.s32 $0x0;
	[sflag:s1] =	ssyncadd.remote.s32 @!p1 $0xFFFFFFFF  }
0x4bf: {  	s0 =	simm.s32 $0x6099  }
0x4c0: {  	v0 =	vld.msk [tilespmem:s0+$0x0], $0x1;
	_ =	sdelay $0x4  }
0x4c1: {  	(v2sf) =	vpush v0, $0x0;
	_ =	sdelay $0xc  }
0x4c2: {  	s1 =	sadd.s32 $0xFFFFFFFE, s6  }
0x4c3: {  	s1 =	sadd.s32 $0xFFFFFFFF, s1  }
0x4c4: {  	p1 =	sne.s32 s1, $0x0;
	s2 =	spop (v2sf)  }
.Ltmp29:
0x4c5: {  	p0 =	sgt.u32 s2, $0x7A11FC;
	(pc) =	sbr.rel @!p1 .LBB2_36-.Ltmp29, $4  }
0x4c6: {  	s7 =	simm.s32 $0x0;
	s4 =	sand.u32 @!p0 $0x7FFFF8, s2  }
0x4c7: {  	s0 =	simm.s32 $0x60D8;
	s2 =	sand.u32 @!p0 $0x7, s2;
	s4 =	sadd.s32 @!p0 s3, s4  }
0x4c8: {  	[hbm4b:s4+s2] =	stream.linear.scatter @!p0 [tilespmem:s0], [sflag:$0x5], $0x19, $0x38;
	[tilespmem:$0x1EC48] =	vst v63  }
0x4c9: {  	s6 =	simm.s32 $0x609A;
	s7 =	simm.s32 @!p0 $0x64;
	s2 =	simm.s32 $0x0  }
.LBB2_35:
0x4ca: {  	v0 =	vld.msk [tilespmem:s6+$0x0], $0x1;
	s1 =	sadd.s32 $0xFFFFFFFF, s1;
	s2 =	sadd.s32 s2, s7  }
0x4cb: {  	p1 =	sne.s32 s1, $0x0;
	_ =	sdelay $0x3  }
0x4cc: {  	(v2sf) =	vpush v0, $0x0;
	_ =	sdelay $0xe  }
.Ltmp30:
0x4cd: {  	s4 =	spop (v2sf);
	(pc) =	sbr.rel @p1 .LBB2_35-.Ltmp30, $4  }
0x4ce: {  	s7 =	simm.s32 $0x0;
	p0 =	sgt.u32 s4, $0x7A11FC  }
0x4cf: {  	s0 =	sadd.s32 $0x20, s0;
	s7 =	simm.s32 @!p0 $0x64;
	s5 =	sand.u32 @!p0 $0x7FFFF8, s4  }
0x4d0: {  	s6 =	sadd.s32 $0x1, s6;
	s4 =	sand.u32 @!p0 $0x7, s4;
	s5 =	sadd.s32 @!p0 s3, s5  }
0x4d1: {  	[hbm4b:s5+s4] =	stream.linear.scatter @!p0 [tilespmem:s0], [sflag:$0x5], $0x19, $0x38;
	[tilespmem:$0x1EC48] =	vst v63  }
.LBB2_36:
0x4d2: {  	s0 =	sadd.s32 s2, s7  }
0x4d3: {  	s0 =	sshrl.u32 s0, $0x2  }
.LBB2_37:
0x4d4: {  	s1 =	simm.s32 $0x5  }
0x4d5: {  	_ =	swait.ge [sflag:s1], s0  }
0x4d6: {  	s31 =	ssub.s32 $0x0, s0;
	[sflag:s1] =	ssyncset.done $0x0  }
0x4d7: {  	[sflag:s1] =	ssyncadd.s32 s31  }
0x4d8: {  	[sflag:s1] =	ssyncpa.u1 $0x1  }
.LBB2_38:
0x4d9: {  	s0 =	sor.u32 s16, s15  }
0x4da: {  	p0 =	sne.s32 s0, $0x0  }
.Ltmp31:
0x4db: {  	_ = 	snop;
	(pc) =	sbr.rel @p0 .LBB2_53-.Ltmp31, $3  }
0x4dc: {  	_ =	sdelay $0x1  }
0x4dd: {  	[bflag:$0x0] =	sbarrier.arrive $0xFFFF  }
0x4de: {  	_ =	sfence  }
0x4df: {  	s0 =	simm.s32 $0x7  }
0x4e0: {  	s1 =	simm.s32 $0x400;
	s2 =	simm.s32 $0x6098;
	[sflag:s0] =	ssyncpa.u1 $0x0  }
0x4e1: {  	[tilespmem:s2], [sflag:$0x7] =	stream.linear.gather [spmem:s1], $0x20, $0x38;
	[tilespmem:$0x1EC48] =	vst v63  }
0x4e2: {  	s30 =	simm.s32 $0x60B8;
	s1 =	simm.s32 $0x0  }
0x4e3: {  	[tilespmem:s30], [sflag:$0x7] =	stream.linear.gather [spmem:s1], $0x400, $0x38;
	[tilespmem:$0x1EC48] =	vst v63  }
.Ltmp32:
0x4e4: {  	_ = 	snop;
	(pc) =	sbr.rel .LBB2_40-.Ltmp32, $4  }
0x4e5: {  	_ =	swait.ge [sflag:s0], $0x420  }
0x4e6: {  	[sflag:s0] =	ssyncset.done $0x0  }
0x4e7: {  	s31 =	simm.s32 $0x8;
	[sflag:s0] =	ssyncadd.s32 $0xFFFFFBE0  }
0x4e8: {  	s2 =	simm.s32 $0x0;
	[sflag:s31] =	ssyncpa.u1 $0x0  }
.LBB2_46:
0x4e9: {  	p0 =	slt.u32 s0, $0x7A11FD  }
0x4ea: {  	s4 =	sand.u32 @p0 $0x7FFFF8, s0  }
0x4eb: {  	s0 =	sand.u32 @p0 $0x7, s0;
	s5 =	simm.s32 @p0 $0x6068;
	s4 =	sadd.s32 @p0 s3, s4  }
0x4ec: {  	[tilespmem:s5], [sflag:$0x8] =	stream.linear.gather @p0 [hbm4b:s4+s0], $0x19, $0x38;
	[tilespmem:$0x1EC48] =	vst v63  }
0x4ed: {  	s0 =	simm.s32 @p0 $0x8  }
0x4ee: {  	_ =	swait.ge @p0 [sflag:s0], $0x19  }
0x4ef: {  	[sflag:s0] =	ssyncset.done @p0 $0x0  }
0x4f0: {  	[sflag:s0] =	ssyncadd.s32 @p0 $0xFFFFFFE7  }
0x4f1: {  	v1 =	vld @p0 [tilespmem:$0x6068];
	_ =	sdelay $0x2  }
0x4f2: {  	s0 =	sshll.u32 @p0 s2, $0x7  }
0x4f3: {  	s4 =	sshrl.u32 @p0 s0, $0x2  }
0x4f4: {  	[tilespmem:s4+$0x60B8] =	vst.add.f32.msk @p0 $0xffff, v1  }
0x4f5: {  	v1 =	vld @p0 [tilespmem:$0x6078];
	_ =	sdelay $0x3  }
0x4f6: {  	s5 =	sshll.u32 @!p0 s2, $0x7  }
0x4f7: {  	s5 =	smov.u32 @p0 s0;
	[tilespmem:s4+$0x60C8] =	vst.add.f32.msk @p0 $0xffff, v1  }
0x4f8: {  	s0 =	sshrl.u32 s5, $0x2;
	[tilespmem:s1+$0x6098] =	vst.msk $0x1, v0  }
0x4f9: {  	v0 =	vld [tilespmem:s0+$0x60B8];
	_ =	sdelay $0x2  }
0x4fa: {  	s31 =	sshll.u32 s1, $0x7  }
0x4fb: {  	s4 =	sshra.s32 s31, $0x2  }
0x4fc: {  	[tilespmem:s4+$0x60B8] =	vst v0  }
0x4fd: {  	v0 =	vld [tilespmem:s0+$0x60C8];
	_ =	sdelay $0x4  }
0x4fe: {  	s1 =	sadd.s32 $0x1, s1;
	[tilespmem:s4+$0x60C8] =	vst v0  }
.LBB2_47:
0x4ff: {  	s2 =	sadd.s32 $0x1, s2  }
0x500: {  	p0 =	sne.s32 s2, $0x20  }
.Ltmp33:
0x501: {  	_ = 	snop;
	(pc) =	sbr.rel @!p0 .LBB2_48-.Ltmp33, $1  }
0x502: {  	_ =	sdelay $0x3  }
.LBB2_40:
0x503: {  	v0 =	vld.msk [tilespmem:s2+$0x6098], $0x1;
	_ =	sdelay $0x4  }
0x504: {  	(v2sf) =	vpush v0, $0x0;
	_ =	sdelay $0xe  }
0x505: {  	s0 =	spop (v2sf)  }
0x506: {  	p0 =	seq.s32 s0, $0xFFFFFFFF  }
.Ltmp34:
0x507: {  	_ = 	snop;
	(pc) =	sbr.rel @p0 .LBB2_47-.Ltmp34, $1  }
0x508: {  	_ =	sdelay $0x3  }
0x509: {  	p0 =	slt.s32 s1, $0x1  }
.Ltmp35:
0x50a: {  	_ = 	snop;
	(pc) =	sbr.rel @p0 .LBB2_46-.Ltmp35, $1  }
0x50b: {  	_ =	sdelay $0x3  }
0x50c: {  	s4 =	simm.s32 $0x6098;
	p0 =	por $0x0, $0x0  }
0x50d: {  	v1 =	vld.msk @!p0 [tilespmem:s4+$0x0], $0x1;
	_ =	sdelay $0x4  }
0x50e: {  	(v2sf) =	vpush @!p0 v1, $0x0;
	_ =	sdelay $0xd  }
0x50f: {  	p2 =	sne.s32 s1, $0x1  }
.Ltmp36:
0x510: {  	s5 =	spop @!p0 (v2sf);
	(pc) =	sbr.rel @!p2 .LBB2_44-.Ltmp36, $4  }
0x511: {  	p1 =	seq.s32 @!p0 s0, s5  }
0x512: {  	s5 =	simm.s32 $0x0;
	p1 =	por !p1, p0  }
0x513: {  	s7 =	simm.s32 $0xFFFFFFFF;
	s5 =	simm.s32 @p1 $0xFFFFFFFF  }
0x514: {  	s6 =	simm.s32 $0x1;
	s5 =	smov.u32 @p0 s7  }
.LBB2_43:
0x515: {  	s7 =	smov.u32 s5;
	p1 =	sne.s32 s5, $0xFFFFFFFF  }
0x516: {  	s4 =	sadd.s32 $0x1, s4;
	s5 =	smov.u32 s6;
	s6 =	sadd.s32 $0x1, s6  }
0x517: {  	p2 =	sne.s32 s1, s6;
	v1 =	vld.msk @!p1 [tilespmem:s4+$0x0], $0x1;
	_ =	sdelay $0x4  }
0x518: {  	(v2sf) =	vpush @!p1 v1, $0x0;
	_ =	sdelay $0xe  }
.Ltmp37:
0x519: {  	s8 =	spop @!p1 (v2sf);
	(pc) =	sbr.rel @p2 .LBB2_43-.Ltmp37, $4  }
0x51a: {  	p0 =	seq.s32 @!p1 s0, s8  }
0x51b: {  	p0 =	por !p0, p1  }
0x51c: {  	s5 =	simm.s32 @p0 $0xFFFFFFFF  }
0x51d: {  	s5 =	smov.u32 @p1 s7  }
.LBB2_44:
0x51e: {  	p0 =	seq.s32 s5, $0xFFFFFFFF  }
.Ltmp38:
0x51f: {  	_ = 	snop;
	(pc) =	sbr.rel @p0 .LBB2_46-.Ltmp38, $1  }
0x520: {  	_ =	sdelay $0x3  }
0x521: {  	s0 =	sshll.u32 s2, $0x5  }
0x522: {  	s0 =	sand.u32 $0x3FFFFFE0, s0  }
0x523: {  	v0 =	vld [tilespmem:s0+$0x60B8];
	_ =	sdelay $0x2  }
0x524: {  	s4 =	sshll.u32 s5, $0x7  }
0x525: {  	s4 =	sshra.s32 s4, $0x2  }
0x526: {  	[tilespmem:s4+$0x60B8] =	vst.add.f32.msk $0xffff, v0  }
0x527: {  	v0 =	vld [tilespmem:s0+$0x60C8]  }
.Ltmp39:
0x528: {  	_ = 	snop;
	(pc) =	sbr.rel .LBB2_47-.Ltmp39, $2  }
0x529: {  	_ =	sdelay $0x2  }
0x52a: {  	[tilespmem:s4+$0x60C8] =	vst.add.f32.msk $0xffff, v0  }
.LBB2_48:
0x52b: {  	p0 =	slt.s32 s1, $0x1  }
.Ltmp40:
0x52c: {  	_ = 	snop;
	(pc) =	sbr.rel @p0 .LBB2_52-.Ltmp40, $3  }
0x52d: {  	_ =	sdelay $0x1  }
0x52e: {  	s0 =	simm.s32 $0x8  }
0x52f: {  	[sflag:s0] =	ssyncpa.u1 $0x1;
	s0 =	simm.s32 $0x0  }
0x530: {  	s2 =	simm.s32 $0x6098  }
0x531: {  	v0 =	vld.msk [tilespmem:s2+$0x0], $0x1;
	_ =	sdelay $0x4  }
0x532: {  	(v2sf) =	vpush v0, $0x0;
	_ =	sdelay $0xe  }
0x533: {  	s1 =	sadd.s32 $0xFFFFFFFF, s1;
	s4 =	spop (v2sf)  }
0x534: {  	p1 =	sne.s32 s1, $0x0;
	p0 =	sgt.u32 s4, $0x7A11FC  }
.Ltmp41:
0x535: {  	s5 =	sand.u32 @!p0 $0x7FFFF8, s4;
	(pc) =	sbr.rel @!p1 .LBB2_51-.Ltmp41, $4  }
0x536: {  	s2 =	simm.s32 $0x60B8;
	s4 =	sand.u32 @!p0 $0x7, s4;
	s5 =	sadd.s32 @!p0 s3, s5  }
0x537: {  	[hbm4b:s5+s4] =	stream.linear.scatter @!p0 [tilespmem:s2], [sflag:$0x7], $0x19, $0x38;
	[tilespmem:$0x1EC48] =	vst v63  }
0x538: {  	s5 =	simm.s32 $0x0  }
0x539: {  	s4 =	simm.s32 $0x6099;
	s5 =	simm.s32 @!p0 $0x64  }
.LBB2_50:
0x53a: {  	v0 =	vld.msk [tilespmem:s4+$0x0], $0x1;
	s1 =	sadd.s32 $0xFFFFFFFF, s1;
	s0 =	sadd.s32 s0, s5  }
0x53b: {  	p1 =	sne.s32 s1, $0x0;
	_ =	sdelay $0x3  }
0x53c: {  	(v2sf) =	vpush v0, $0x0;
	_ =	sdelay $0xe  }
.Ltmp42:
0x53d: {  	s6 =	spop (v2sf);
	(pc) =	sbr.rel @p1 .LBB2_50-.Ltmp42, $4  }
0x53e: {  	s5 =	simm.s32 $0x0;
	p0 =	sgt.u32 s6, $0x7A11FC  }
0x53f: {  	s2 =	sadd.s32 $0x20, s2;
	s5 =	simm.s32 @!p0 $0x64;
	s7 =	sand.u32 @!p0 $0x7FFFF8, s6  }
0x540: {  	s4 =	sadd.s32 $0x1, s4;
	s6 =	sand.u32 @!p0 $0x7, s6;
	s7 =	sadd.s32 @!p0 s3, s7  }
0x541: {  	[hbm4b:s7+s6] =	stream.linear.scatter @!p0 [tilespmem:s2], [sflag:$0x7], $0x19, $0x38;
	[tilespmem:$0x1EC48] =	vst v63  }
.LBB2_51:
0x542: {  	s0 =	sadd.s32 s0, s5  }
0x543: {  	s0 =	sshrl.u32 s0, $0x2  }
.LBB2_52:
0x544: {  	s1 =	simm.s32 $0x7  }
0x545: {  	_ =	swait.ge [sflag:s1], s0  }
0x546: {  	s31 =	ssub.s32 $0x0, s0;
	[sflag:s1] =	ssyncset.done $0x0  }
0x547: {  	[sflag:s1] =	ssyncadd.s32 s31  }
0x548: {  	[sflag:s1] =	ssyncpa.u1 $0x1  }
.LBB2_53:
0x549: {  	_ =	sfence;
	s0 =	simm.s32 $0x1  }
0x54a: {  	[sflag:s0] =	ssyncpa.u1 $0x1  }
0x54b: {  	_ =	strace $0x9000004D  }
0x54c: {  	[bflag:$0x2] =	sbarrier.arrive $0xFFFF  }
0x54d: {  	s0 =	rddreg [dreg:$0x3]  }
0x54e: {  	s0 =	sadd.s32 @!p3 $0x100000, s0  }
0x54f: {  	[sflag:s0] =	ssyncadd.tile.s32 @!p3 $0x1;
	_ =	shalt  }
.Lfunc_end2:
_tile_overlayer_lowered:
.L_overlay_start_2:
0x550: {  	(tag) =	ssettag $0x2  }
0x551: {  	s0 =	rddreg [dreg:$0x0];
	s2 =	stileid.u32  }
0x552: {  	s1 =	rddreg [dreg:$0x1];
	p0 =	sne.s32 s2, $0x0  }
0x553: {  	s3 =	rddreg [dreg:$0x2];
	[bflag:$0x3] =	sbarrier.arrive $0xFFFF;
	s2 =	simm.s32 @!p0 $0x1C01  }
0x554: {  	[timem:s3], [sflag:s2] =	dma.local @!p0 [hbm:s0], s1  }
0x555: {  	s0 =	simm.s32 @!p0 $0x1  }
0x556: {  	_ =	swait.ge @!p0 [sflag:s0], s1  }
0x557: {  	s1 =	ssub.s32 @!p0 $0x0, s1;
	[sflag:s0] =	ssyncset.done @!p0 $0x0  }
0x558: {  	[sflag:s0] =	ssyncadd.s32 @!p0 s1  }
0x559: {  	[bflag:$0x3] =	sbarrier.arrive $0xFFFF  }
0x55a: {  	_ =	shalt  }

// kernel: scatter_offload_async_start
scs
__scs_entry_jumppad:
0x0: {  	(pc) =	sbr.rel $0x88, $3  }
0x1: {  	(tag) =	ssettag $0x0;
	lr =	simm.s32 $0x1  }
0x2: {  	[smem:$0x3F9B] =	sst lr;
	_ =	strace $0xD0000000  }
0x3: {  	_ = 	snop  }
0x4: {  	_ = 	snop  }
0x5: {  	_ = 	snop  }
0x6: {  	_ = 	snop  }
0x7: {  	_ = 	snop  }
__scs_overlays_trampoline_lowered:
0x8: {  	[smem:$0x3FAA] =	sst s0  }
0x9: {  	[smem:$0x3FAB] =	sst s1  }
0xa: {  	[smem:$0x3FAC] =	sst s2  }
0xb: {  	[smem:$0x3FAD] =	sst s3  }
0xc: {  	[smem:$0x3FAE] =	sst s4  }
0xd: {  	[smem:$0x3FAF] =	sst s5  }
0xe: {  	[smem:$0x3FB0] =	sst s6  }
0xf: {  	[smem:$0x3FB1] =	sst s7  }
0x10: {  	[smem:$0x3FB2] =	sst s8  }
0x11: {  	[smem:$0x3FB3] =	sst s9;
	s0 =	simm.s32 @!p0 $0x0  }
0x12: {  	s1 =	sld [smem:$0x3F99];
	s0 =	simm.s32 @p0 $0x1  }
0x13: {  	[smem:$0x3FB4] =	sst s0;
	s0 =	simm.s32 @!p1 $0x0  }
0x14: {  	s2 =	sld [smem:$0x3F98];
	s0 =	simm.s32 @p1 $0x1  }
0x15: {  	[smem:$0x3FB5] =	sst s0;
	s0 =	simm.s32 @!p2 $0x0  }
0x16: {  	s3 =	sld [smem:$0x3FDB];
	s0 =	simm.s32 @p2 $0x1  }
0x17: {  	s4 =	simm.s32 $0x1BF5;
	[smem:$0x3FB7] =	sst s0  }
0x18: {  	s0 =	sld [smem:$0x3F9A];
	_ =	swait.ge [sflag:s4], $0x0  }
0x19: {  	s7 =	sld [smem:$0x3F9B]  }
0x1a: {  	s8 =	sadd.s32 $0xFFFFE003, lr  }
0x1b: {  	s9 =	sadd.s32 $0xFFFFFEF7, lr;
	s5 =	simm.s32 $0xFFFFFFFF;
	p2 =	slt.u32 s8, $0xFFFFF086  }
0x1c: {  	p1 =	slt.u32 s9, $0xF7A;
	s5 =	simm.s32 @!p2 $0x0  }
0x1d: {  	s5 =	simm.s32 @p1 $0x1;
	p0 =	seq.s32 s7, s2  }
0x1e: {  	s7 =	smul.u32 @!p0 $0xF7A, s2;
	p2 =	seq.s32 @!p0 s5, $0x0  }
0x1f: {  	s9 =	smul.u32 $0xF7A, s1;
	s8 =	simm.s32 @!p0 $0x1BF5;
	p2 =	por !p2, p0  }
0x20: {  	[sflag:s8] =	ssyncset.s32 @!p0 $0xFFFFF086;
	s6 =	sadd.s32 @!p0 s3, s7;
	s7 =	simm.s32 @!p0 $0x108  }
0x21: {  	s3 =	sadd.s32 s3, s9;
	s6 =	sadd.s32 @!p0 $0x88, s6;
	s7 =	simm.s32 @p2 $0x1082  }
0x22: {  	[simem:s7], [sflag:s8] =	dma.local @!p0 [hbm:s6], $0xF7A  }
0x23: {  	s9 =	sor.u32 $0xD0000000, s2;
	s6 =	simm.s32 $0x108;
	_ =	swait.ge @!p0 [sflag:s8], $0x0  }
0x24: {  	s3 =	sadd.s32 $0x88, s3;
	s6 =	simm.s32 @!p1 $0x1082;
	[sflag:s4] =	ssyncset.s32 $0xFFFFF086  }
0x25: {  	[simem:s6], [sflag:s4] =	dma.local [hbm:s3], $0xF7A  }
0x26: {  	[smem:$0x3F9B] =	sst s1;
	(tag) =	ssettag s2;
	_ =	strace s9  }
0x27: {  	s1 =	sld [smem:$0x3FAB]  }
0x28: {  	s2 =	sld [smem:$0x3FAC]  }
0x29: {  	s4 =	sld [smem:$0x3FAE]  }
0x2a: {  	p0 =	seq.s32 s5, $0x0;
	s5 =	sld [smem:$0x3FAF]  }
0x2b: {  	s6 =	sld [smem:$0x3FB0]  }
0x2c: {  	s7 =	sld [smem:$0x3FB1]  }
0x2d: {  	s3 =	simm.s32 $0x108;
	s8 =	sld [smem:$0x3FB2]  }
0x2e: {  	s3 =	simm.s32 @!p0 $0x1082;
	s9 =	sld [smem:$0x3FB3]  }
0x2f: {  	lr =	sadd.s32 s0, s3;
	s0 =	sld [smem:$0x3FAA]  }
0x30: {  	s3 =	sld [smem:$0x3FAD]  }
0x31: {  	[smem:$0x3FB6] =	sst s10  }
0x32: {  	s10 =	sld [smem:$0x3FB4];
	_ =	sdelay $0x3  }
0x33: {  	p0 =	seq.s32 s10, $0x1;
	s10 =	sld [smem:$0x3FB6];
	_ =	sdelay $0x3  }
0x34: {  	[smem:$0x3FB6] =	sst s10  }
0x35: {  	s10 =	sld [smem:$0x3FB5];
	_ =	sdelay $0x3  }
0x36: {  	p1 =	seq.s32 s10, $0x1;
	s10 =	sld [smem:$0x3FB6];
	_ =	sdelay $0x3  }
0x37: {  	[smem:$0x3FB6] =	sst s10  }
0x38: {  	s10 =	sld [smem:$0x3FB7]  }
0x39: {  	_ = 	snop;
	(pc) =	sbr.ind lr, $3  }
0x3a: {  	_ = 	snop  }
0x3b: {  	_ = 	snop  }
0x3c: {  	p2 =	seq.s32 s10, $0x1;
	s10 =	sld [smem:$0x3FB6]  }
0x3d: {  	_ =	shalt  }
0x3e: {  	_ =	shalt  }
0x3f: {  	_ =	shalt  }
0x40: {  	_ =	shalt  }
0x41: {  	_ =	shalt  }
0x42: {  	_ =	shalt  }
0x43: {  	_ =	shalt  }
0x44: {  	_ =	shalt  }
0x45: {  	_ =	shalt  }
0x46: {  	_ =	shalt  }
0x47: {  	_ =	shalt  }
0x48: {  	_ =	shalt  }
0x49: {  	_ =	shalt  }
0x4a: {  	_ =	shalt  }
0x4b: {  	_ =	shalt  }
0x4c: {  	_ =	shalt  }
0x4d: {  	_ =	shalt  }
0x4e: {  	_ =	shalt  }
0x4f: {  	_ =	shalt  }
0x50: {  	_ =	shalt  }
0x51: {  	_ =	shalt  }
0x52: {  	_ =	shalt  }
0x53: {  	_ =	shalt  }
0x54: {  	_ =	shalt  }
0x55: {  	_ =	shalt  }
0x56: {  	_ =	shalt  }
0x57: {  	_ =	shalt  }
0x58: {  	_ =	shalt  }
0x59: {  	_ =	shalt  }
0x5a: {  	_ =	shalt  }
0x5b: {  	_ =	shalt  }
0x5c: {  	_ =	shalt  }
0x5d: {  	_ =	shalt  }
0x5e: {  	_ =	shalt  }
0x5f: {  	_ =	shalt  }
0x60: {  	_ =	shalt  }
0x61: {  	_ =	shalt  }
0x62: {  	_ =	shalt  }
0x63: {  	_ =	shalt  }
0x64: {  	_ =	shalt  }
0x65: {  	_ =	shalt  }
0x66: {  	_ =	shalt  }
0x67: {  	_ =	shalt  }
0x68: {  	_ =	shalt  }
0x69: {  	_ =	shalt  }
0x6a: {  	_ =	shalt  }
0x6b: {  	_ =	shalt  }
0x6c: {  	_ =	shalt  }
0x6d: {  	_ =	shalt  }
0x6e: {  	_ =	shalt  }
0x6f: {  	_ =	shalt  }
0x70: {  	_ =	shalt  }
0x71: {  	_ =	shalt  }
0x72: {  	_ =	shalt  }
0x73: {  	_ =	shalt  }
0x74: {  	_ =	shalt  }
0x75: {  	_ =	shalt  }
0x76: {  	_ =	shalt  }
0x77: {  	_ =	shalt  }
0x78: {  	_ =	shalt  }
0x79: {  	_ =	shalt  }
0x7a: {  	_ =	shalt  }
0x7b: {  	_ =	shalt  }
0x7c: {  	_ =	shalt  }
0x7d: {  	_ =	shalt  }
0x7e: {  	_ =	shalt  }
0x7f: {  	_ =	shalt  }
0x80: {  	_ =	shalt  }
0x81: {  	_ =	shalt  }
0x82: {  	_ =	shalt  }
0x83: {  	_ =	shalt  }
0x84: {  	_ =	shalt  }
0x85: {  	_ =	shalt  }
0x86: {  	_ =	shalt  }
0x87: {  	_ =	shalt  }
.Lfunc_end0:
.L_simem_size_0:
called_computation_lowered:
.L_overlay_start_0:
0x88: {  	s2 =	sld [smem:$0x3FD9]  }
0x89: {  	s3 =	sld [smem:$0x3FFE];
	_ =	sdelay $0x1  }
0x8a: {  	s1 =	srdreg.scid  }
0x8b: {  	s0 =	sand.u32 $0x1, s1  }
0x8c: {  	s15 =	sshll.u32 s0, $0xA;
	s2 =	sadd.s32 s3, s2  }
0x8d: {  	s2 =	sadd.s32 s2, s15  }
0x8e: {  	[smem:$0x3FC2] =	sst s2  }
0x8f: {  	_ = 	snop  }
0x90: {  	s2 =	sld [smem:$0x3FD0];
	_ =	sdelay $0x2  }
0x91: {  	s16 =	simm.s32 $0xB;
	s4 =	simm.s32 $0x10  }
0x92: {  	[smem:s4], [sflag:s16] =	dma.local [hbm:s2], $0x1  }
0x93: {  	_ =	swait.eq [sflag:s16], $0x1  }
0x94: {  	[sflag:s16] =	ssyncset.done $0x0  }
0x95: {  	[sflag:s16] =	ssyncadd.s32 $0xFFFFFFFF  }
0x96: {  	s17 =	sld [smem:$0x10];
	(tm) =	ssettm $0x1  }
0x97: {  	s18 =	sld [smem:$0x3FFB];
	_ =	sdelay $0x3  }
0x98: {  	_ =	strace s18  }
0x99: {  	s2 =	sld [smem:$0x3FFC];
	_ =	sdelay $0x3  }
0x9a: {  	_ =	strace s2  }
0x9b: {  	s2 =	sld [smem:$0x3FFD];
	_ =	sdelay $0x3  }
0x9c: {  	_ =	strace s2  }
0x9d: {  	_ =	strace $0x8FFFFFFF  }
0x9e: {  	s19 =	sld [smem:$0x3FDB];
	_ =	sdelay $0x1  }
0x9f: {  	s20 =	simm.s32 $_scs_section_size  }
0xa0: {  	s5 =	simm.s32 $_size__tile_overlayer_lowered;
	s6 =	simm.s32 $_tile_overlayer_lowered  }
0xa1: {  	s7 =	simm.s32 $0x1BFF;
	s21 =	sshll.u32 s6, $0x1;
	s4 =	sadd.s32 s20, s19  }
0xa2: {  	s22 =	simm.s32 $0x0;
	s5 =	sshll.u32 s5, $0x1;
	s6 =	sadd.s32 s21, s4  }
0xa3: {  	[timem:s22], [sflag:s7] =	dma.local [hbm:s6], s5  }
0xa4: {  	_ =	swait.ge [sflag:s7], s5  }
0xa5: {  	s5 =	ssub.s32 $0x0, s5;
	[sflag:s7] =	ssyncset.done $0x0  }
0xa6: {  	[sflag:s7] =	ssyncadd.s32 s5;
	_ =	sdelay $0x1  }
0xa7: {  	s23 =	simm.s32 $0x1B8B  }
0xa8: {  	_ =	swait.ge [sflag:s23], $0x1  }
0xa9: {  	[sflag:s23] =	ssyncset.done $0x0  }
0xaa: {  	[sflag:s23] =	ssyncadd.s32 $0xFFFFFFFF  }
0xab: {  	s5 =	sld [smem:$0x0]  }
0xac: {  	s6 =	sand.u32 $0xFFFFFFFE, s1  }
0xad: {  	p0 =	sne.s32 s1, s6  }
0xae: {  	s6 =	sshll.u32 @p0 s6, $0xE  }
0xaf: {  	s6 =	sadd.s32 @p0 $0x11B8D, s6;
	s7 =	sshll.u32 @p0 s5, $0x11  }
0xb0: {  	s6 =	sor.u32 @p0 s7, s6  }
0xb1: {  	[sflag:s6] =	ssyncadd.remote.s32 @p0 $0x1;
	_ =	sdelay $0x1  }
0xb2: {  	s6 =	simm.s32 @p0 $0x1B8D  }
0xb3: {  	_ =	swait.eq @p0 [sflag:s6], $0x1  }
0xb4: {  	[sflag:s6] =	ssyncadd.s32 @p0 $0xFFFFFFFF  }
0xb5: {  	s7 =	sshll.u32 @!p0 s1, $0xE  }
0xb6: {  	s7 =	sor.u32 @!p0 $0x4000, s7;
	s6 =	simm.s32 @!p0 $0x1B8D  }
0xb7: {  	s8 =	sshll.u32 @!p0 s5, $0x11;
	s7 =	sadd.s32 @!p0 $0x11B8D, s7;
	_ =	swait.eq @!p0 [sflag:s6], $0x1  }
0xb8: {  	[sflag:s6] =	ssyncadd.s32 @!p0 $0xFFFFFFFF;
	s6 =	sor.u32 @!p0 s8, s7  }
0xb9: {  	s25 =	simm.s32 $0x1B8E;
	s24 =	sld [smem:$0x3FFE];
	[sflag:s6] =	ssyncadd.remote.s32 @!p0 $0x1  }
0xba: {  	s26 =	simm.s32 $execute0_lowered;
	[smem:$0x3FD2] =	sst s25  }
0xbb: {  	s7 =	sshll.u32 s26, $0x1;
	_ =	strace $0x80000049;
	[dreg:$0x1] =	wrdreg $0xFFFFFFFF  }
0xbc: {  	s28 =	simm.s32 $_size_execute0_lowered;
	s4 =	sadd.s32 s4, s7;
	[dreg:$0x0] =	wrdreg $0x0  }
0xbd: {  	s7 =	sshll.u32 s28, $0x1;
	[dreg:$0x2] =	wrdreg s4  }
0xbe: {  	[dreg:$0x3] =	wrdreg s7  }
0xbf: {  	[dreg:$0x4] =	wrdreg $0xC0  }
0xc0: {  	_ =	task [dreg:s22], $0x5FFFF  }
0xc1: {  	[dreg:$0x1] =	wrdreg $0xFFFFFFFF  }
0xc2: {  	[dreg:$0x0] =	wrdreg $0x60  }
0xc3: {  	[dreg:$0x2] =	wrdreg s17  }
0xc4: {  	[dreg:$0x3] =	wrdreg s24  }
0xc5: {  	[dreg:$0x4] =	wrdreg s1  }
0xc6: {  	[dreg:$0x5] =	wrdreg s5  }
0xc7: {  	[dreg:$0x6] =	wrdreg $0x9  }
0xc8: {  	_ =	task.clear_ibuf [dreg:s22], $0x7FFFF;
	_ =	strace $0x90000049  }
0xc9: {  	s29 =	simm.s32 $0x9;
	_ =	strace $0x8000004B  }
0xca: {  	_ =	swait.ge [sflag:s29], $0x1  }
0xcb: {  	[sflag:s29] =	ssyncadd.s32 $0xFFFFFFFF  }
0xcc: {  	_ =	strace $0x9000004B  }
0xcd: {  	_ =	sfence  }
0xce: {  	s30 =	sld [smem:$0x0];
	_ =	sdelay $0x2  }
0xcf: {  	s31 =	sshll.u32 s1, $0xD;
	s1 =	sshrl.u32 s1, $0x2  }
0xd0: {  	s4 =	sand.u32 $0x4000, s31;
	s1 =	sadd.s32 s1, s30  }
0xd1: {  	s0 =	sor.u32 s4, s0;
	s1 =	sshll.u32 s1, $0x11  }
0xd2: {  	s0 =	sor.u32 s1, s0  }
0xd3: {  	s0 =	sadd.s32 $0x8F2B, s0  }
0xd4: {  	[sflag:s0] =	ssyncadd.remote.s32 $0x1  }
0xd5: {  	_ =	sfence.sel $0xFFFF  }
0xd6: {  	[dreg:$0x0] =	wrdreg $0xFFFFFFFF;
	(pc) =	sbr.abs _section_cstart, $3  }
0xd7: {  	[dreg:$0x1] =	wrdreg $0xFFFFFFFF  }
0xd8: {  	_ =	task.clear_ibuf [dreg:s22], $0x2FFFF;
	_ =	strace $0x9FFFFFFF  }
0xd9: {  	(tm) =	ssettm $0x7FFFFFFF  }
tec
execute0_lowered:
.L_overlay_start_1:
0x0: {  	(tag) =	ssettag $0x1  }
0x1: {  	s1 =	rddreg [dreg:$0x0]  }
0x2: {  	s2 =	rddreg [dreg:$0x1]  }
0x3: {  	s3 =	rddreg [dreg:$0x2];
	_ =	strace $0x8000004A;
	s0 =	simm.s32 $0x1  }
0x4: {  	v0 =	vimm.s32 $0x0;
	[sflag:s0] =	ssyncpa.u1 $0x0;
	s0 =	simm.s32 $0x108  }
0x5: {  	[tilespmem:s0+$0x70] =	vst v0  }
0x6: {  	[tilespmem:s0+$0x60] =	vst v0  }
0x7: {  	[tilespmem:s0+$0x50] =	vst v0  }
0x8: {  	[tilespmem:s0+$0x40] =	vst v0  }
0x9: {  	[tilespmem:s0+$0x30] =	vst v0  }
0xa: {  	s15 =	sadd.s32 $0x9E00, s2;
	s6 =	sadd.s32 $0x3B400, s2;
	[tilespmem:s0+$0x20] =	vst v0  }
0xb: {  	s14 =	sadd.s32 $0x13C00, s2;
	s5 =	sand.u32 $0x1, s3;
	s3 =	simm.s32 $0x40;
	[tilespmem:s0+$0x10] =	vst v0  }
.LBB2_1:
0xc: {  	s3 =	sadd.s32 $0x40, s3;
	[tilespmem:s0+$0x0] =	vst v0;
	s0 =	sadd.s32 $0x80, s0  }
0xd: {  	p0 =	slt.u32 s3, $0x3C40;
	[tilespmem:s0+$0x70] =	vst v0  }
0xe: {  	[tilespmem:s0+$0x60] =	vst v0  }
.Ltmp0:
0xf: {  	[tilespmem:s0+$0x50] =	vst v0;
	(pc) =	sbr.rel @p0 .LBB2_1-.Ltmp0, $4  }
0x10: {  	[tilespmem:s0+$0x40] =	vst v0  }
0x11: {  	[tilespmem:s0+$0x30] =	vst v0  }
0x12: {  	[tilespmem:s0+$0x20] =	vst v0  }
0x13: {  	[tilespmem:s0+$0x10] =	vst v0  }
0x14: {  	s9 =	stileid.u32  }
0x15: {  	s2 =	smul.u32 $0x29, s9  }
0x16: {  	s3 =	smin.u32 s9, $0xB  }
0x17: {  	s2 =	sadd.s32 s3, s2  }
0x18: {  	p0 =	slt.u32 s9, $0xB;
	s7 =	smul.u32 $0xF0, s2;
	s2 =	simm.s32 $0x2760  }
0x19: {  	s2 =	simm.s32 @!p0 $0x2670  }
0x1a: {  	s2 =	sadd.s32 s2, s7  }
0x1b: {  	s8 =	smin.u32 s2, $0x27100  }
0x1c: {  	s2 =	ssub.s32 s8, s7  }
0x1d: {  	p0 =	sgt.s32 s2, $0x0  }
0x1e: {  	s29 =	simm.s32 $0x2;
	s10 =	simm.s32 $0x9;
	s2 =	simm.s32 @!p0 $0x0  }
0x1f: {  	s4 =	simm.s32 $0xA;
	s11 =	simm.s32 $0xB;
	s28 =	smulhi.u32 $0x88888889, s2  }
0x20: {  	[dreg:$0x5] =	wrdreg s5;
	s31 =	smul.u32 $0x4E20, s5;
	s12 =	simm.s32 $0x1  }
0x21: {  	s22 =	simm.s32 $0x0;
	s18 =	simm.s32 $0xC;
	s30 =	sshrl.u32 s28, $0x7  }
0x22: {  	s20 =	simm.s32 $0x0;
	s21 =	simm.s32 $0x0;
	s3 =	smul.u32 $0xF0, s30  }
.Ltmp1:
0x23: {  	[tilespmem:s0+$0x0] =	vst v0;
	v0 =	vimm.s32 $0xFFFFFFFF;
	[sflag:s29] =	ssyncpa.u1 $0x0;
	s16 =	sshll.u32 s9, $0x8;
	(pc) =	sbr.rel .LBB2_3-.Ltmp1, $4  }
0x24: {  	[tilespmem:$0xF208] =	vst v0;
	[sflag:s10] =	ssyncpa.u1 $0x0;
	p0 =	sne.s32 s2, s3;
	s2 =	simm.s32 $0x1  }
0x25: {  	s14 =	sadd.s32 s31, s14;
	[sflag:s4] =	ssyncpa.u1 $0x0;
	s2 =	simm.s32 @!p0 $0x0  }
0x26: {  	s15 =	sadd.s32 s31, s15;
	[sflag:s11] =	ssyncpa.u1 $0x0;
	s13 =	sadd.s32 s2, s30  }
0x27: {  	v0 =	vlaneseq.u32;
	s19 =	smov.u32 s7;
	p0 =	por $0x0, $0x0;
	s17 =	sadd.s32 $0x1, s13  }
.LBB2_18:
0x28: {  	s0 =	sshrl.u32 s31, $0x2  }
.LBB2_20:
0x29: {  	_ =	swait.ge [sflag:s18], s0  }
0x2a: {  	s31 =	ssub.s32 $0x0, s0;
	v1 =	vmov s24;
	vm0 =	veq.s32 v0, $0x0;
	[sflag:s18] =	ssyncset.done $0x0  }
0x2b: {  	vm15 =	veq.s32 v0, $0x2;
	v1 =	vsel vm0, s30, v1;
	[sflag:s18] =	ssyncadd.s32 s31  }
0x2c: {  	v1 =	vsel vm15, s22, v1;
	[sflag:s18] =	ssyncpa.u1 $0x1  }
0x2d: {  	[tilespmem:$0xF208] =	vst v1  }
.LBB2_21:
0x2e: {  	s0 =	sadd.s32 $0xF0, s19  }
0x2f: {  	s2 =	smov.u32 s7;
	p1 =	slt.s32 s0, s8  }
0x30: {  	s2 =	smov.u32 @p1 s0;
	p1 =	sne.s32 s21, s17  }
.Ltmp2:
0x31: {  	_ = 	snop;
	(pc) =	sbr.rel @!p1 .LBB2_22-.Ltmp2, $3  }
0x32: {  	_ =	sdelay $0x1  }
0x33: {  	s22 =	smov.u32 s20;
	s31 =	sadd.s32 $0x1, s21;
	s20 =	smov.u32 s19  }
0x34: {  	p0 =	por !p0, !p0;
	s21 =	smov.u32 s31;
	s19 =	smov.u32 s2  }
.LBB2_3:
0x35: {  	p1 =	sge.u32 s21, s13  }
0x36: {  	s0 =	smulhi.u32 @!p1 $0xAAAAAAAB, s21  }
0x37: {  	s2 =	smov.u32 s19;
	p2 =	sgt.s32 @!p1 s19, $0x27010  }
0x38: {  	s3 =	sshra.s32 @!p1 s19, $0x1F;
	p2 =	por !p2, p1;
	s0 =	sshrl.u32 @!p1 s0, $0x1  }
0x39: {  	s3 =	sand.u32 @!p1 s3, s19;
	s2 =	simm.s32 @p2 $0x27010;
	s0 =	smul.u32 @!p1 $0x3, s0  }
0x3a: {  	s2 =	ssub.s32 @!p1 s2, s3  }
0x3b: {  	s2 =	sadd.s32 @!p1 $0xFFFD8FF0, s2;
	s0 =	ssub.s32 @!p1 s21, s0  }
0x3c: {  	s3 =	sshll.u32 @!p1 s2, $0x2;
	p2 =	sgt.s32 @!p1 s2, $0xEF;
	s0 =	smul.u32 @!p1 $0x3C0, s0  }
0x3d: {  	s4 =	sand.u32 @!p1 $0x7, s19;
	s2 =	ssub.s32 @!p1 $0x3C0, s3;
	p2 =	por !p2, p1  }
0x3e: {  	s3 =	sshrl.u32 @!p1 s19, $0x3;
	s2 =	sshrl.u32 @!p1 s2, $0x2;
	s0 =	sshrl.u32 @!p1 s0, $0x2  }
0x3f: {  	s3 =	sadd.s32 @!p1 s3, s14;
	s2 =	simm.s32 @!p2 $0x0;
	s0 =	sadd.s32 @!p1 $0x10248, s0  }
0x40: {  	[tilespmem:s0], [sflag:$0xA] =	stream.linear.gather @!p1 [hbm4b:s3+s4], s2, $0x38;
	[tilespmem:$0x1F6F8] =	vst v63  }
0x41: {  	s0 =	sadd.s32 $0xFFFFFFFF, s21  }
0x42: {  	p1 =	sge.u32 s0, s13  }
0x43: {  	p2 =	sgt.s32 @!p1 s20, $0x27010  }
0x44: {  	s2 =	smov.u32 s20;
	s3 =	sshra.s32 @!p1 s20, $0x1F;
	p2 =	por !p2, p1  }
0x45: {  	s3 =	sand.u32 @!p1 s3, s20;
	s2 =	simm.s32 @p2 $0x27010  }
0x46: {  	s2 =	ssub.s32 @!p1 s2, s3  }
0x47: {  	s2 =	sadd.s32 @!p1 $0xFFFD8FF0, s2  }
0x48: {  	s4 =	sand.u32 @!p1 $0x1, s0;
	s3 =	sshll.u32 @!p1 s2, $0x2  }
0x49: {  	p2 =	sgt.s32 @!p1 s2, $0xEF;
	s2 =	ssub.s32 @!p1 $0x3C0, s3;
	s3 =	smulhi.u32 @!p1 $0xAAAAAAAB, s0  }
0x4a: {  	s23 =	smul.u32 @!p1 $0x3C0, s4;
	p2 =	por !p2, p1;
	s2 =	sshrl.u32 @!p1 s2, $0x2  }
0x4b: {  	s5 =	simm.s32 @!p1 $0xA;
	s2 =	simm.s32 @!p2 $0x0;
	s3 =	sshrl.u32 @!p1 s3, $0x1  }
0x4c: {  	s23 =	sshrl.u32 @!p1 s23, $0x2;
	_ =	swait.ge @!p1 [sflag:s5], s2;
	s3 =	smul.u32 @!p1 $0x3, s3  }
0x4d: {  	s23 =	sadd.s32 @!p1 $0x10518, s23;
	s24 =	ssub.s32 @!p1 $0x0, s2;
	[sflag:s5] =	ssyncset.done @!p1 $0x0  }
0x4e: {  	[sflag:s5] =	ssyncadd.s32 @!p1 s24;
	s5 =	sshrl.u32 @!p1 s20, $0x3;
	s0 =	ssub.s32 @!p1 s0, s3  }
0x4f: {  	s24 =	sand.u32 @!p1 $0x7, s20;
	s5 =	sadd.s32 @!p1 s5, s15;
	s0 =	smul.u32 @!p1 $0x3C0, s0  }
0x50: {  	[tilespmem:s23], [sflag:$0xB] =	stream.linear.gather @!p1 [hbm4b:s5+s24], s2, $0x38;
	[tilespmem:$0x1F6F8] =	vst v63  }
0x51: {  	s3 =	ssub.s32 @!p1 $0x27100, s20;
	s2 =	smul.u32 @!p1 $0x1E000, s4  }
0x52: {  	p2 =	slt.s32 @!p1 s3, $0xF0  }
0x53: {  	p2 =	por !p2, p1;
	s0 =	sshrl.u32 @!p1 s0, $0x2;
	s2 =	sshrl.u32 @!p1 s2, $0x2  }
0x54: {  	s3 =	simm.s32 @p2 $0xF0;
	s0 =	sadd.s32 @!p1 $0x10248, s0;
	s2 =	sor.u32 @!p1 $0x106F8, s2  }
0x55: {  	[tilespmem:s2], [sflag:$0x9] =	stream.indirect.gather @!p1 [hbm4b:s6+s3], $0x80, s0, s3, $0xb8;
	[tilespmem:$0x1F6F8] =	vst v63  }
0x56: {  	p1 =	slt.u32 s21, $0x2  }
.Ltmp3:
0x57: {  	_ = 	snop;
	(pc) =	sbr.rel @p1 .LBB2_21-.Ltmp3, $1  }
0x58: {  	_ =	sdelay $0x3  }
0x59: {  	p1 =	sgt.s32 s22, $0x27010  }
0x5a: {  	s0 =	smov.u32 s22;
	s2 =	sshra.s32 s22, $0x1F;
	s3 =	ssub.s32 $0x27100, s22  }
0x5b: {  	s0 =	simm.s32 @!p1 $0x27010;
	s2 =	sand.u32 s2, s22;
	p1 =	slt.s32 s3, $0xF0  }
0x5c: {  	s0 =	ssub.s32 s0, s2;
	s3 =	simm.s32 @!p1 $0xF0  }
0x5d: {  	s0 =	sadd.s32 $0xFFFD8FF0, s0;
	s25 =	sshll.u32 s3, $0x7  }
0x5e: {  	s26 =	sshll.u32 s0, $0x2;
	s2 =	sand.u32 $0x3FFFFF80, s25  }
0x5f: {  	p1 =	sgt.s32 s0, $0xEF;
	s29 =	ssub.s32 $0x3C0, s26;
	_ =	swait.ge [sflag:s10], s2  }
0x60: {  	s2 =	ssub.s32 $0x0, s2;
	[sflag:s10] =	ssyncset.done $0x0;
	s0 =	sshrl.u32 s29, $0x2  }
0x61: {  	[sflag:s10] =	ssyncadd.s32 s2;
	s0 =	simm.s32 @p1 $0x0  }
0x62: {  	_ =	swait.ge [sflag:s11], s0  }
0x63: {  	s0 =	ssub.s32 $0x0, s0;
	[sflag:s11] =	ssyncset.done $0x0  }
0x64: {  	[sflag:s11] =	ssyncadd.s32 s0  }
0x65: {  	v1 =	vld [tilespmem:$0xF208];
	_ =	sdelay $0x4  }
0x66: {  	(v2sf) =	vpush v1, $0x0  }
0x67: {  	(v2sf) =	vpush v1, $0x1  }
0x68: {  	(v2sf) =	vpush v1, $0x2;
	_ =	sdelay $0x3  }
0x69: {  	s0 =	sadd.s32 $0xF0, s22  }
0x6a: {  	s2 =	ssub.s32 $0x4E200, s22;
	p1 =	slt.s32 s8, s0  }
0x6b: {  	s0 =	smov.u32 @p1 s8;
	p1 =	sgt.s32 s2, $0x0  }
0x6c: {  	s26 =	ssub.s32 s0, s22;
	s2 =	simm.s32 @!p1 $0x0  }
0x6d: {  	p1 =	slt.s32 s2, s26  }
0x6e: {  	s26 =	smov.u32 @p1 s2  }
0x6f: {  	s25 =	simm.s32 $0x1;
	p1 =	slt.s32 s26, $0x1  }
.Ltmp4:
0x70: {  	s25 =	simm.s32 @!p0 $0x0;
	(pc) =	sbr.rel @p1 .LBB2_8-.Ltmp4, $4  }
0x71: {  	s31 =	smul.u32 $0x3C0, s25  }
0x72: {  	s28 =	spop (v2sf)  }
0x73: {  	s0 =	sshrl.u32 s31, $0x2;
	s30 =	spop (v2sf)  }
0x74: {  	s23 =	sadd.s32 $0x10518, s0;
	s22 =	spop (v2sf)  }
0x75: {  	s0 =	smin.u32 s26, $0x10  }
0x76: {  	v1 =	vmov s0  }
0x77: {  	p2 =	sgt.s32 s26, $0x10;
	vm1 =	vgt.u32 v1, v0  }
.Ltmp5:
0x78: {  	_ = 	snop;
	(pc) =	sbr.rel @!p2 .LBB2_7-.Ltmp5, $2  }
0x79: {  	_ =	sdelay $0x2  }
0x7a: {  	s4 =	simm.s32 $0x10;
	s24 =	sadd.s32 $0xFFFFFFF0, s26;
	s0 =	smov.u32 s23;
	vm0 =	vmmov vm1  }
.LBB2_6:
0x7b: {  	s2 =	smin.u32 s24, $0x10;
	s4 =	sadd.s32 $0x10, s4;
	v1 =	vld.msk [tilespmem:s0+$0x0 ss:$0x1], vm1  }
0x7c: {  	v2 =	vmov s2;
	p2 =	slt.s32 s4, s26  }
0x7d: {  	vm1 =	vgt.u32 v2, v0  }
.Ltmp6:
0x7e: {  	(pc) =	sbr.rel @p2 .LBB2_6-.Ltmp6, $3  }
0x7f: {  	_ =	sdelay $0x1  }
0x80: {  	v1 =	vshll.u32 v1, $0x4  }
0x81: {  	s24 =	sadd.s32 $0xFFFFFFF0, s24;
	[tilespmem:s0+$0x0] =	vst.msk vm0, v1;
	s0 =	sadd.s32 $0x10, s0;
	vm0 =	vmmov vm1  }
.LBB2_7:
0x82: {  	_ =	sdelay $0x4  }
0x83: {  	v1 =	vld.msk [tilespmem:s0+$0x0 ss:$0x1], vm1;
	_ =	sdelay $0x4  }
0x84: {  	v1 =	vshll.u32 v1, $0x4  }
0x85: {  	[tilespmem:s0+$0x0] =	vst.msk vm0, v1  }
.LBB2_8:
0x86: {  	s0 =	sand.u32 $0x1, s21  }
0x87: {  	s0 =	smul.u32 $0xF0, s0  }
0x88: {  	p2 =	sne.s32 s30, $0xFFFFFFFF  }
0x89: {  	v1 =	vld.msk @!p2 [tilespmem:s0+$0x10518], $0x1;
	_ =	sdelay $0x4  }
0x8a: {  	(v2sf) =	vpush @!p2 v1, $0x0;
	_ =	sdelay $0xc  }
.Ltmp7:
0x8b: {  	_ = 	snop;
	(pc) =	sbr.rel @p1 .LBB2_19-.Ltmp7, $4  }
0x8c: {  	_ = 	snop  }
0x8d: {  	s29 =	spop @!p2 (v2sf)  }
0x8e: {  	s22 =	simm.s32 @!p2 $0x0;
	s24 =	smov.u32 s29  }
0x8f: {  	[sflag:s18] =	ssyncpa.u1 $0x0;
	s29 =	smov.u32 @p2 s28;
	s24 =	smov.u32 @p2 s30  }
0x90: {  	v1 =	vld.msk [tilespmem:s23+$0x0], $0x1;
	_ =	sdelay $0x4  }
0x91: {  	(v2sf) =	vpush v1, $0x0;
	_ =	sdelay $0xe  }
0x92: {  	s2 =	smul.u32 $0x1E000, s25;
	s0 =	spop (v2sf)  }
0x93: {  	s26 =	ssub.s32 $0x0, s26;
	p1 =	seq.s32 s29, s0  }
0x94: {  	s30 =	sadd.s32 $0x1, s26;
	s2 =	sshrl.u32 s2, $0x2;
	p2 =	sgt.s32 @!p1 s29, $0x0  }
0x95: {  	s25 =	sor.u32 $0x10738, s2;
	s2 =	smov.u32 s29;
	p2 =	por !p2, p1  }
0x96: {  	s2 =	simm.s32 @p2 $0x0;
	p2 =	seq.s32 s30, $0x0  }
.Ltmp8:
0x97: {  	_ = 	snop;
	(pc) =	sbr.rel @p2 .LBB2_11-.Ltmp8, $4  }
0x98: {  	_ = 	snop  }
0x99: {  	s28 =	simm.s32 $0x0;
	s31 =	sadd.s32 $0x1, s23;
	s2 =	smin.u32 @!p1 s2, $0x270F0  }
0x9a: {  	s4 =	simm.s32 @!p1 $0x1;
	s5 =	simm.s32 @!p1 $0x7988;
	s3 =	sand.u32 @!p1 $0x3FFF8, s2  }
0x9b: {  	s4 =	smov.u32 @p1 s28;
	s2 =	sand.u32 @!p1 $0x7, s2;
	s3 =	sadd.s32 @!p1 s1, s3  }
.LBB2_10:
0x9c: {  	s9 =	smov.u32 s4  }
0x9d: {  	[tilespmem:s5], [sflag:$0x2] =	stream.linear.gather @!p1 [hbm4b:s3+s2], $0x80, $0x38;
	[tilespmem:$0x1F6F8] =	vst v63  }
0x9e: {  	s30 =	sadd.s32 $0x1, s30;
	s2 =	smov.u32 s0;
	v1 =	vld.msk [tilespmem:s31+$0x0], $0x1  }
0x9f: {  	p2 =	seq.s32 s30, $0x0;
	_ =	sdelay $0x3  }
0xa0: {  	(v2sf) =	vpush v1, $0x0;
	_ =	sdelay $0xe  }
0xa1: {  	s0 =	spop (v2sf)  }
0xa2: {  	p1 =	seq.s32 s2, s0  }
0xa3: {  	p3 =	sgt.s32 @!p1 s2, $0x0;
	s3 =	sshll.u32 @!p1 s4, $0x9;
	s4 =	sadd.s32 @!p1 $0x1, s4  }
.Ltmp9:
0xa4: {  	p3 =	por !p3, p1;
	s3 =	sshra.s32 @!p1 s3, $0x2;
	(pc) =	sbr.rel @!p2 .LBB2_10-.Ltmp9, $4  }
0xa5: {  	s4 =	smov.u32 @p1 s9;
	s2 =	simm.s32 @p3 $0x0;
	s5 =	sadd.s32 @!p1 $0x7988, s3  }
0xa6: {  	s2 =	smin.u32 @!p1 s2, $0x270F0  }
0xa7: {  	s3 =	sand.u32 @!p1 $0x3FFF8, s2;
	s2 =	sand.u32 @!p1 $0x7, s2  }
0xa8: {  	s31 =	sadd.s32 $0x1, s31;
	s3 =	sadd.s32 @!p1 s1, s3  }
.LBB2_11:
0xa9: {  	[tilespmem:s5], [sflag:$0x2] =	stream.linear.gather @!p1 [hbm4b:s3+s2], $0x80, $0x38;
	[tilespmem:$0x1F6F8] =	vst v63  }
.Ltmp10:
0xaa: {  	s0 =	sshll.u32 s4, $0x7;
	(pc) =	sbr.rel .LBB2_12-.Ltmp10, $4  }
0xab: {  	s30 =	simm.s32 $0x2;
	s0 =	sand.u32 $0x3FFFFF80, s0  }
0xac: {  	_ =	swait.ge [sflag:s30], s0  }
0xad: {  	s0 =	ssub.s32 $0x0, s0;
	[sflag:s30] =	ssyncset.done $0x0  }
0xae: {  	s31 =	simm.s32 $0x0;
	[sflag:s30] =	ssyncadd.s32 s0  }
.LBB2_13:
0xaf: {  	v1 =	vld [tilespmem:s25+$0xFFFFFFC0];
	_ =	sdelay $0x3  }
0xb0: {  	s0 =	sshra.s32 s0, $0x2  }
0xb1: {  	[tilespmem:s0+$0x108] =	vst.add.f32.msk $0xffff, v1  }
0xb2: {  	v1 =	vld [tilespmem:s25+$0xFFFFFFD0];
	_ =	sdelay $0x4  }
0xb3: {  	[tilespmem:s0+$0x118] =	vst.add.f32.msk $0xffff, v1  }
0xb4: {  	v1 =	vld [tilespmem:s25+$0xFFFFFFE0];
	_ =	sdelay $0x4  }
0xb5: {  	[tilespmem:s0+$0x128] =	vst.add.f32.msk $0xffff, v1  }
0xb6: {  	v1 =	vld [tilespmem:s25+$0xFFFFFFF0];
	_ =	sdelay $0x4  }
0xb7: {  	[tilespmem:s0+$0x138] =	vst.add.f32.msk $0xffff, v1  }
0xb8: {  	v1 =	vld [tilespmem:s25+$0x0];
	_ =	sdelay $0x4  }
0xb9: {  	[tilespmem:s0+$0x148] =	vst.add.f32.msk $0xffff, v1  }
0xba: {  	v1 =	vld [tilespmem:s25+$0x10];
	_ =	sdelay $0x4  }
0xbb: {  	[tilespmem:s0+$0x158] =	vst.add.f32.msk $0xffff, v1  }
0xbc: {  	v1 =	vld [tilespmem:s25+$0x20];
	_ =	sdelay $0x4  }
0xbd: {  	[tilespmem:s0+$0x168] =	vst.add.f32.msk $0xffff, v1  }
0xbe: {  	v1 =	vld [tilespmem:s25+$0x30];
	_ =	sdelay $0x4  }
0xbf: {  	[tilespmem:s0+$0x178] =	vst.add.f32.msk $0xffff, v1  }
.LBB2_17:
0xc0: {  	s26 =	sadd.s32 $0x1, s26  }
0xc1: {  	p1 =	seq.s32 s26, $0x0  }
.Ltmp11:
0xc2: {  	_ = 	snop;
	(pc) =	sbr.rel @p1 .LBB2_18-.Ltmp11, $2  }
0xc3: {  	_ =	sdelay $0x2  }
0xc4: {  	s23 =	sadd.s32 $0x1, s23;
	s25 =	sadd.s32 $0x80, s25;
	s29 =	smov.u32 s30  }
.LBB2_12:
0xc5: {  	v1 =	vld.msk [tilespmem:s23+$0x0], $0x1;
	_ =	sdelay $0x4  }
0xc6: {  	(v2sf) =	vpush v1, $0x0;
	_ =	sdelay $0xe  }
0xc7: {  	s30 =	spop (v2sf)  }
0xc8: {  	p1 =	sne.s32 s29, s30  }
.Ltmp12:
0xc9: {  	_ = 	snop;
	(pc) =	sbr.rel @!p1 .LBB2_13-.Ltmp12, $2  }
0xca: {  	_ =	sdelay $0x2  }
0xcb: {  	s0 =	sshll.u32 s22, $0x9  }
0xcc: {  	p1 =	seq.s32 s29, s24  }
.Ltmp13:
0xcd: {  	_ = 	snop;
	(pc) =	sbr.rel @!p1 .LBB2_15-.Ltmp13, $1  }
0xce: {  	_ =	sdelay $0x3  }
0xcf: {  	s0 =	sshra.s32 s0, $0x2  }
.Ltmp14:
0xd0: {  	s0 =	sadd.s32 $0x108, s0;
	(pc) =	sbr.rel .LBB2_16-.Ltmp14, $4  }
0xd1: {  	[spmem:s16] =	stream.linear.scatter [tilespmem:s0], [sflag:$0x1], $0x80, $0x38;
	[tilespmem:$0x1F6F8] =	vst v63  }
0xd2: {  	_ =	swait.ge [sflag:s12], $0x80  }
0xd3: {  	[sflag:s12] =	ssyncset.done $0x0  }
0xd4: {  	[sflag:s12] =	ssyncadd.s32 $0xFFFFFF80  }
.LBB2_15:
0xd5: {  	s2 =	sshll.u32 s28, $0x9  }
0xd6: {  	s2 =	sshra.s32 s2, $0x2  }
0xd7: {  	v1 =	vld [tilespmem:s2+$0x7988];
	_ =	sdelay $0x3  }
0xd8: {  	s0 =	sshra.s32 s0, $0x2  }
0xd9: {  	[tilespmem:s0+$0x108] =	vst.add.f32.msk $0xffff, v1  }
0xda: {  	v1 =	vld [tilespmem:s2+$0x7998];
	_ =	sdelay $0x4  }
0xdb: {  	[tilespmem:s0+$0x118] =	vst.add.f32.msk $0xffff, v1  }
0xdc: {  	v1 =	vld [tilespmem:s2+$0x79A8];
	_ =	sdelay $0x4  }
0xdd: {  	[tilespmem:s0+$0x128] =	vst.add.f32.msk $0xffff, v1  }
0xde: {  	v1 =	vld [tilespmem:s2+$0x79B8];
	_ =	sdelay $0x4  }
0xdf: {  	[tilespmem:s0+$0x138] =	vst.add.f32.msk $0xffff, v1  }
0xe0: {  	v1 =	vld [tilespmem:s2+$0x79C8];
	_ =	sdelay $0x4  }
0xe1: {  	[tilespmem:s0+$0x148] =	vst.add.f32.msk $0xffff, v1  }
0xe2: {  	v1 =	vld [tilespmem:s2+$0x79D8];
	_ =	sdelay $0x4  }
0xe3: {  	[tilespmem:s0+$0x158] =	vst.add.f32.msk $0xffff, v1  }
0xe4: {  	v1 =	vld [tilespmem:s2+$0x79E8];
	_ =	sdelay $0x4  }
0xe5: {  	[tilespmem:s0+$0x168] =	vst.add.f32.msk $0xffff, v1  }
0xe6: {  	v1 =	vld [tilespmem:s2+$0x79F8];
	_ =	sdelay $0x2  }
0xe7: {  	p1 =	sgt.u32 s29, $0x270F0  }
0xe8: {  	s2 =	sand.u32 @!p1 $0x3FFF8, s29  }
0xe9: {  	s3 =	sadd.s32 $0x108, s0;
	[tilespmem:s0+$0x178] =	vst.add.f32.msk $0xffff, v1;
	s0 =	sadd.s32 @!p1 s1, s2;
	s2 =	sand.u32 @!p1 $0x7, s29  }
0xea: {  	[hbm4b:s0+s2] =	stream.linear.scatter @!p1 [tilespmem:s3], [sflag:$0xC], $0x80, $0x38;
	[tilespmem:$0x1F6F8] =	vst v63  }
0xeb: {  	s0 =	simm.s32 $0x0  }
0xec: {  	s0 =	simm.s32 @!p1 $0x200  }
0xed: {  	s31 =	sadd.s32 s0, s31  }
.LBB2_16:
0xee: {  	s0 =	sadd.s32 $0x1, s22  }
0xef: {  	s2 =	smulhi.u32 $0x88888889, s0;
	_ =	sdelay $0x1  }
0xf0: {  	v1 =	vld [tilespmem:s25+$0xFFFFFFC0];
	s2 =	sshrl.u32 s2, $0x7  }
0xf1: {  	s2 =	smul.u32 $0xF0, s2;
	_ =	sdelay $0x1  }
0xf2: {  	s22 =	ssub.s32 s0, s2  }
0xf3: {  	s0 =	sshll.u32 s22, $0x7  }
0xf4: {  	[tilespmem:s0+$0x108] =	vst v1  }
0xf5: {  	v1 =	vld [tilespmem:s25+$0xFFFFFFD0];
	_ =	sdelay $0x4  }
0xf6: {  	[tilespmem:s0+$0x118] =	vst v1  }
0xf7: {  	v1 =	vld [tilespmem:s25+$0xFFFFFFE0];
	_ =	sdelay $0x4  }
0xf8: {  	[tilespmem:s0+$0x128] =	vst v1  }
0xf9: {  	v1 =	vld [tilespmem:s25+$0xFFFFFFF0];
	_ =	sdelay $0x4  }
0xfa: {  	[tilespmem:s0+$0x138] =	vst v1  }
0xfb: {  	v1 =	vld [tilespmem:s25+$0x0];
	_ =	sdelay $0x4  }
0xfc: {  	[tilespmem:s0+$0x148] =	vst v1  }
0xfd: {  	v1 =	vld [tilespmem:s25+$0x10];
	_ =	sdelay $0x4  }
0xfe: {  	[tilespmem:s0+$0x158] =	vst v1  }
0xff: {  	v1 =	vld [tilespmem:s25+$0x20];
	_ =	sdelay $0x4  }
0x100: {  	[tilespmem:s0+$0x168] =	vst v1  }
0x101: {  	v1 =	vld [tilespmem:s25+$0x30]  }
.Ltmp15:
0x102: {  	_ = 	snop;
	(pc) =	sbr.rel .LBB2_17-.Ltmp15, $2  }
0x103: {  	_ =	sdelay $0x2  }
0x104: {  	s28 =	sadd.s32 $0x1, s28;
	[tilespmem:s0+$0x178] =	vst v1  }
.LBB2_19:
.Ltmp16:
0x105: {  	(pc) =	sbr.rel .LBB2_20-.Ltmp16, $4  }
0x106: {  	_ = 	snop  }
0x107: {  	s0 =	simm.s32 $0x2  }
0x108: {  	_ =	swait.ge [sflag:s0], $0x0  }
0x109: {  	s30 =	smov.u32 s29;
	[sflag:s0] =	ssyncset.done $0x0;
	s0 =	simm.s32 $0x0  }
.LBB2_22:
0x10a: {  	_ =	sfence.sel $0x180000  }
0x10b: {  	s0 =	simm.s32 $0x9;
	[bflag:$0x0] =	sbarrier.arrive $0xFFFF  }
0x10c: {  	s24 =	simm.s32 $0xA;
	[sflag:s0] =	ssyncpa.u1 $0x1  }
0x10d: {  	s25 =	simm.s32 $0xB;
	[sflag:s24] =	ssyncpa.u1 $0x1  }
0x10e: {  	s26 =	simm.s32 $0x2;
	[sflag:s25] =	ssyncpa.u1 $0x1  }
0x10f: {  	[sflag:s26] =	ssyncpa.u1 $0x1  }
0x110: {  	v0 =	vld [tilespmem:$0xF208];
	_ =	sdelay $0x4  }
0x111: {  	(v2sf) =	vpush v0, $0x0  }
0x112: {  	(v2sf) =	vpush v0, $0x1;
	_ =	sdelay $0x1  }
0x113: {  	(v2sf) =	vpush v0, $0x2;
	_ =	sdelay $0xb  }
0x114: {  	s0 =	spop (v2sf)  }
0x115: {  	s2 =	spop (v2sf)  }
0x116: {  	s3 =	smov.u32 s0;
	p0 =	sne.s32 s0, s2  }
0x117: {  	s4 =	spop (v2sf);
	s3 =	simm.s32 @!p0 $0xFFFFFFFF  }
0x118: {  	v2 =	vimm.s32 $0x1;
	v3 =	vlaneseq.u32;
	p0 =	seq.s32 s4, $0xFFFFFFFF;
	v1 =	vmov s3  }
0x119: {  	s16 =	stileid.u32;
	v0 =	vperm.xlane v0, v2;
	p1 =	sne.s32 @!p0 s0, s2;
	v1 =	vperm.xlane v1, v3  }
0x11a: {  	vm0 =	vcmask $0x3F04;
	s6 =	simm.s32 $0xF208;
	s0 =	simm.s32 @!p0 $0x1;
	p1 =	por !p1, p0  }
0x11b: {  	s3 =	sshll.u32 s16, $0x1;
	s2 =	sshll.u32 @!p0 s4, $0x9;
	s0 =	simm.s32 @p1 $0x0;
	v0 =	vsel vm0, v1, v0  }
0x11c: {  	s5 =	sor.u32 $0x1000, s3;
	s2 =	sshra.s32 @!p0 s2, $0x2;
	s0 =	sor.u32 @!p0 s0, s3;
	[tilespmem:$0xF208] =	vst v0  }
0x11d: {  	[spmem:s5] =	stream.linear.scatter [tilespmem:s6], [sflag:$0x1], $0x2, $0x38;
	[tilespmem:$0x1F6F8] =	vst v63  }
0x11e: {  	s2 =	sadd.s32 @!p0 $0x108, s2;
	s0 =	sshll.u32 @!p0 s0, $0x7  }
0x11f: {  	[spmem:s0] =	stream.linear.scatter @!p0 [tilespmem:s2], [sflag:$0x1], $0x80, $0x38;
	[tilespmem:$0x1F6F8] =	vst v63  }
0x120: {  	s0 =	simm.s32 @!p0 $0x82  }
0x121: {  	s28 =	simm.s32 $0x1;
	s0 =	simm.s32 @p0 $0x2  }
0x122: {  	_ =	swait.ge [sflag:s28], s0  }
0x123: {  	s0 =	ssub.s32 $0x0, s0;
	[sflag:s28] =	ssyncset.done $0x0  }
0x124: {  	p0 =	sne.s32 s16, $0x0;
	[sflag:s28] =	ssyncadd.s32 s0  }
.Ltmp17:
0x125: {  	_ =	sfence.stream.spmem;
	(pc) =	sbr.rel @p0 .LBB2_39-.Ltmp17, $4  }
0x126: {  	s29 =	simm.s32 $0x3;
	[bflag:$0x0] =	sbarrier.arrive $0xFFFF  }
0x127: {  	s30 =	simm.s32 $0x4;
	[sflag:s29] =	ssyncpa.u1 $0x1  }
0x128: {  	s31 =	simm.s32 $0x3C;
	[sflag:s30] =	ssyncpa.u1 $0x1  }
0x129: {  	s15 =	rddreg [dreg:$0x5];
	[sflag:s31] =	ssyncpa.u1 $0x1  }
0x12a: {  	_ =	sfence.stream.spmem;
	s0 =	simm.s32 $0x5  }
0x12b: {  	s2 =	simm.s32 $0x1000;
	s3 =	simm.s32 $0xF218;
	[sflag:s0] =	ssyncpa.u1 $0x0  }
0x12c: {  	[tilespmem:s3], [sflag:$0x5] =	stream.linear.gather [spmem:s2], $0x20, $0x38;
	[tilespmem:$0x1F6F8] =	vst v63  }
0x12d: {  	s26 =	simm.s32 $0x0;
	s28 =	simm.s32 $0xF238  }
0x12e: {  	[tilespmem:s28], [sflag:$0x5] =	stream.linear.gather [spmem:s26], $0x1000, $0x38;
	[tilespmem:$0x1F6F8] =	vst v63  }
0x12f: {  	_ =	swait.ge [sflag:s0], $0x1020  }
0x130: {  	[sflag:s0] =	ssyncset.done $0x0  }
0x131: {  	s29 =	simm.s32 $0x0;
	[sflag:s0] =	ssyncadd.s32 $0xFFFFEFE0  }
0x132: {  	v0 =	vld.msk [tilespmem:s29+$0xF218], $0x1;
	_ =	sdelay $0x1  }
0x133: {  	s30 =	simm.s32 $0x1  }
0x134: {  	v1 =	vld.msk [tilespmem:s30+$0xF218], $0x1;
	_ =	sdelay $0x1  }
0x135: {  	(v2sf) =	vpush v0, $0x0;
	_ =	sdelay $0x2  }
0x136: {  	(v2sf) =	vpush v1, $0x0;
	_ =	sdelay $0x2  }
0x137: {  	s31 =	simm.s32 $0x2  }
0x138: {  	v0 =	vld.msk [tilespmem:s31+$0xF218], $0x1;
	_ =	sdelay $0x2  }
0x139: {  	s4 =	simm.s32 $0xFFFFFFFF;
	s5 =	simm.s32 $0xFFFFFFFF;
	s0 =	simm.s32 $0xC  }
.LBB2_24:
0x13a: {  	s2 =	smov.u32 s5;
	s3 =	smov.u32 s4  }
0x13b: {  	s4 =	sshra.s32 s0, $0x2;
	p1 =	sne.s32 s0, $0x7C;
	s0 =	sadd.s32 $0x4, s0;
	(v2sf) =	vpush v0, $0x0  }
0x13c: {  	v0 =	vld.msk [tilespmem:s4+$0xF218], $0x1  }
.Ltmp18:
0x13d: {  	(pc) =	sbr.rel @p1 .LBB2_24-.Ltmp18, $4  }
0x13e: {  	s5 =	spop (v2sf)  }
0x13f: {  	p2 =	sne.s32 s3, $0xFFFFFFFF;
	s4 =	smov.u32 s5  }
0x140: {  	p3 =	seq.s32 s5, $0xFFFFFFFF;
	s4 =	smov.u32 @p2 s3  }
0x141: {  	s5 =	smov.u32 @p3 s2;
	s4 =	smov.u32 @p3 s3  }
0x142: {  	(v2sf) =	vpush v0, $0x0;
	_ =	sdelay $0x8  }
0x143: {  	s0 =	spop (v2sf)  }
0x144: {  	p1 =	sne.s32 s4, $0xFFFFFFFF;
	s2 =	smov.u32 s0  }
0x145: {  	s9 =	simm.s32 $0x6;
	p2 =	seq.s32 s0, $0xFFFFFFFF;
	s2 =	smov.u32 @p1 s4  }
0x146: {  	s6 =	simm.s32 $0x0;
	s2 =	smov.u32 @p2 s4;
	s3 =	spop (v2sf)  }
0x147: {  	s0 =	smov.u32 @p2 s5;
	p1 =	sne.s32 s2, $0xFFFFFFFF;
	s4 =	smov.u32 s3  }
.Ltmp19:
0x148: {  	p2 =	seq.s32 s3, $0xFFFFFFFF;
	s4 =	smov.u32 @p1 s2;
	(pc) =	sbr.rel .LBB2_26-.Ltmp19, $4  }
0x149: {  	s10 =	simm.s32 $0xF188;
	s4 =	smov.u32 @p2 s2;
	s7 =	spop (v2sf)  }
0x14a: {  	s11 =	simm.s32 $0x0;
	p1 =	sne.s32 s4, $0xFFFFFFFF;
	s8 =	smov.u32 s7  }
0x14b: {  	s3 =	smov.u32 @p2 s0;
	p2 =	seq.s32 s7, $0xFFFFFFFF;
	s8 =	smov.u32 @p1 s4  }
0x14c: {  	[sflag:s9] =	ssyncpa.u1 $0x0;
	s7 =	smov.u32 @p2 s3;
	s8 =	smov.u32 @p2 s4  }
.LBB2_32:
0x14d: {  	p1 =	sgt.u32 s12, $0x270F0  }
0x14e: {  	p2 =	seq.s32 @!p1 s12, s8  }
0x14f: {  	p1 =	por p1, p2  }
0x150: {  	p2 =	sne.s32 @!p1 s12, s7  }
0x151: {  	p1 =	por p1, !p2  }
0x152: {  	s0 =	sshll.u32 @p1 s11, $0x9  }
0x153: {  	s0 =	sand.u32 @!p1 $0x3FFF8, s12  }
0x154: {  	s2 =	sand.u32 @!p1 $0x7, s12;
	s0 =	sadd.s32 @!p1 s1, s0  }
0x155: {  	[tilespmem:s10], [sflag:$0x6] =	stream.linear.gather @!p1 [hbm4b:s0+s2], $0x80, $0x38;
	[tilespmem:$0x1F6F8] =	vst v63  }
0x156: {  	_ =	swait.ge @!p1 [sflag:s9], $0x80  }
0x157: {  	[sflag:s9] =	ssyncset.done @!p1 $0x0  }
0x158: {  	[sflag:s9] =	ssyncadd.s32 @!p1 $0xFFFFFF80  }
0x159: {  	v1 =	vld @!p1 [tilespmem:$0xF188];
	_ =	sdelay $0x2  }
0x15a: {  	s0 =	sshll.u32 @!p1 s11, $0x9  }
0x15b: {  	s2 =	sshrl.u32 @!p1 s0, $0x2  }
0x15c: {  	[tilespmem:s2+$0xF238] =	vst.add.f32.msk @!p1 $0xffff, v1  }
0x15d: {  	v1 =	vld @!p1 [tilespmem:$0xF198];
	_ =	sdelay $0x4  }
0x15e: {  	[tilespmem:s2+$0xF248] =	vst.add.f32.msk @!p1 $0xffff, v1  }
0x15f: {  	v1 =	vld @!p1 [tilespmem:$0xF1A8];
	_ =	sdelay $0x4  }
0x160: {  	[tilespmem:s2+$0xF258] =	vst.add.f32.msk @!p1 $0xffff, v1  }
0x161: {  	v1 =	vld @!p1 [tilespmem:$0xF1B8];
	_ =	sdelay $0x4  }
0x162: {  	[tilespmem:s2+$0xF268] =	vst.add.f32.msk @!p1 $0xffff, v1  }
0x163: {  	v1 =	vld @!p1 [tilespmem:$0xF1C8];
	_ =	sdelay $0x4  }
0x164: {  	[tilespmem:s2+$0xF278] =	vst.add.f32.msk @!p1 $0xffff, v1  }
0x165: {  	v1 =	vld @!p1 [tilespmem:$0xF1D8];
	_ =	sdelay $0x4  }
0x166: {  	[tilespmem:s2+$0xF288] =	vst.add.f32.msk @!p1 $0xffff, v1  }
0x167: {  	v1 =	vld @!p1 [tilespmem:$0xF1E8];
	_ =	sdelay $0x4  }
0x168: {  	[tilespmem:s2+$0xF298] =	vst.add.f32.msk @!p1 $0xffff, v1  }
0x169: {  	v1 =	vld @!p1 [tilespmem:$0xF1F8];
	_ =	sdelay $0x4  }
0x16a: {  	[tilespmem:s2+$0xF2A8] =	vst.add.f32.msk @!p1 $0xffff, v1  }
0x16b: {  	s0 =	sshrl.u32 s0, $0x2;
	[tilespmem:s6+$0xF218] =	vst.msk $0x1, v0  }
0x16c: {  	v0 =	vld [tilespmem:s0+$0xF238];
	_ =	sdelay $0x2  }
0x16d: {  	s31 =	sshll.u32 s6, $0x9  }
0x16e: {  	s2 =	sshra.s32 s31, $0x2  }
0x16f: {  	[tilespmem:s2+$0xF238] =	vst v0  }
0x170: {  	v0 =	vld [tilespmem:s0+$0xF248];
	_ =	sdelay $0x4  }
0x171: {  	[tilespmem:s2+$0xF248] =	vst v0  }
0x172: {  	v0 =	vld [tilespmem:s0+$0xF258];
	_ =	sdelay $0x4  }
0x173: {  	[tilespmem:s2+$0xF258] =	vst v0  }
0x174: {  	v0 =	vld [tilespmem:s0+$0xF268];
	_ =	sdelay $0x4  }
0x175: {  	[tilespmem:s2+$0xF268] =	vst v0  }
0x176: {  	v0 =	vld [tilespmem:s0+$0xF278];
	_ =	sdelay $0x4  }
0x177: {  	[tilespmem:s2+$0xF278] =	vst v0  }
0x178: {  	v0 =	vld [tilespmem:s0+$0xF288];
	_ =	sdelay $0x4  }
0x179: {  	[tilespmem:s2+$0xF288] =	vst v0  }
0x17a: {  	v0 =	vld [tilespmem:s0+$0xF298];
	_ =	sdelay $0x4  }
0x17b: {  	[tilespmem:s2+$0xF298] =	vst v0  }
0x17c: {  	v0 =	vld [tilespmem:s0+$0xF2A8];
	_ =	sdelay $0x4  }
0x17d: {  	s6 =	sadd.s32 $0x1, s6;
	[tilespmem:s2+$0xF2A8] =	vst v0  }
.LBB2_33:
0x17e: {  	s11 =	sadd.s32 $0x1, s11  }
0x17f: {  	p1 =	sne.s32 s11, $0x20  }
.Ltmp20:
0x180: {  	_ = 	snop;
	(pc) =	sbr.rel @!p1 .LBB2_34-.Ltmp20, $1  }
0x181: {  	_ =	sdelay $0x3  }
.LBB2_26:
0x182: {  	v0 =	vld.msk [tilespmem:s11+$0xF218], $0x1;
	_ =	sdelay $0x4  }
0x183: {  	(v2sf) =	vpush v0, $0x0;
	_ =	sdelay $0xe  }
0x184: {  	s12 =	spop (v2sf)  }
0x185: {  	p1 =	seq.s32 s12, $0xFFFFFFFF  }
.Ltmp21:
0x186: {  	_ = 	snop;
	(pc) =	sbr.rel @p1 .LBB2_33-.Ltmp21, $1  }
0x187: {  	_ =	sdelay $0x3  }
0x188: {  	p1 =	slt.s32 s6, $0x1  }
.Ltmp22:
0x189: {  	_ = 	snop;
	(pc) =	sbr.rel @p1 .LBB2_32-.Ltmp22, $1  }
0x18a: {  	_ =	sdelay $0x3  }
0x18b: {  	s13 =	simm.s32 $0xF218;
	p1 =	por $0x0, $0x0  }
0x18c: {  	v1 =	vld.msk @!p1 [tilespmem:s13+$0x0], $0x1;
	_ =	sdelay $0x4  }
0x18d: {  	(v2sf) =	vpush @!p1 v1, $0x0;
	_ =	sdelay $0xd  }
0x18e: {  	p3 =	sne.s32 s6, $0x1  }
.Ltmp23:
0x18f: {  	s0 =	spop @!p1 (v2sf);
	(pc) =	sbr.rel @!p3 .LBB2_30-.Ltmp23, $4  }
0x190: {  	p2 =	seq.s32 @!p1 s12, s0  }
0x191: {  	s14 =	simm.s32 $0x0;
	p2 =	por !p2, p1  }
0x192: {  	s2 =	simm.s32 $0xFFFFFFFF;
	s14 =	simm.s32 @p2 $0xFFFFFFFF  }
0x193: {  	s0 =	simm.s32 $0x1;
	s14 =	smov.u32 @p1 s2  }
.LBB2_29:
0x194: {  	s2 =	smov.u32 s14;
	p1 =	sne.s32 s14, $0xFFFFFFFF  }
0x195: {  	s13 =	sadd.s32 $0x1, s13;
	s14 =	smov.u32 s0;
	s0 =	sadd.s32 $0x1, s0  }
0x196: {  	p2 =	sne.s32 s6, s0;
	v1 =	vld.msk @!p1 [tilespmem:s13+$0x0], $0x1;
	_ =	sdelay $0x4  }
0x197: {  	(v2sf) =	vpush @!p1 v1, $0x0;
	_ =	sdelay $0xe  }
.Ltmp24:
0x198: {  	s3 =	spop @!p1 (v2sf);
	(pc) =	sbr.rel @p2 .LBB2_29-.Ltmp24, $4  }
0x199: {  	p3 =	seq.s32 @!p1 s12, s3  }
0x19a: {  	p3 =	por !p3, p1  }
0x19b: {  	s14 =	simm.s32 @p3 $0xFFFFFFFF  }
0x19c: {  	s14 =	smov.u32 @p1 s2  }
.LBB2_30:
0x19d: {  	p1 =	seq.s32 s14, $0xFFFFFFFF  }
.Ltmp25:
0x19e: {  	_ = 	snop;
	(pc) =	sbr.rel @p1 .LBB2_32-.Ltmp25, $1  }
0x19f: {  	_ =	sdelay $0x3  }
0x1a0: {  	s0 =	sshll.u32 s11, $0x7  }
0x1a1: {  	s0 =	sand.u32 $0x3FFFFF80, s0  }
0x1a2: {  	v0 =	vld [tilespmem:s0+$0xF238];
	_ =	sdelay $0x2  }
0x1a3: {  	s2 =	sshll.u32 s14, $0x9  }
0x1a4: {  	s2 =	sshra.s32 s2, $0x2  }
0x1a5: {  	[tilespmem:s2+$0xF238] =	vst.add.f32.msk $0xffff, v0  }
0x1a6: {  	v0 =	vld [tilespmem:s0+$0xF248];
	_ =	sdelay $0x4  }
0x1a7: {  	[tilespmem:s2+$0xF248] =	vst.add.f32.msk $0xffff, v0  }
0x1a8: {  	v0 =	vld [tilespmem:s0+$0xF258];
	_ =	sdelay $0x4  }
0x1a9: {  	[tilespmem:s2+$0xF258] =	vst.add.f32.msk $0xffff, v0  }
0x1aa: {  	v0 =	vld [tilespmem:s0+$0xF268];
	_ =	sdelay $0x4  }
0x1ab: {  	[tilespmem:s2+$0xF268] =	vst.add.f32.msk $0xffff, v0  }
0x1ac: {  	v0 =	vld [tilespmem:s0+$0xF278];
	_ =	sdelay $0x4  }
0x1ad: {  	[tilespmem:s2+$0xF278] =	vst.add.f32.msk $0xffff, v0  }
0x1ae: {  	v0 =	vld [tilespmem:s0+$0xF288];
	_ =	sdelay $0x4  }
0x1af: {  	[tilespmem:s2+$0xF288] =	vst.add.f32.msk $0xffff, v0  }
0x1b0: {  	v0 =	vld [tilespmem:s0+$0xF298];
	_ =	sdelay $0x4  }
0x1b1: {  	[tilespmem:s2+$0xF298] =	vst.add.f32.msk $0xffff, v0  }
0x1b2: {  	v0 =	vld [tilespmem:s0+$0xF2A8]  }
.Ltmp26:
0x1b3: {  	_ = 	snop;
	(pc) =	sbr.rel .LBB2_33-.Ltmp26, $2  }
0x1b4: {  	_ =	sdelay $0x2  }
0x1b5: {  	[tilespmem:s2+$0xF2A8] =	vst.add.f32.msk $0xffff, v0  }
.LBB2_34:
0x1b6: {  	s0 =	simm.s32 $0x6;
	p1 =	seq.s32 s6, $0x0  }
0x1b7: {  	[sflag:s0] =	ssyncpa.u1 $0x1;
	v0 =	vimm.s32 @p1 $0xFFFFFFFF  }
0x1b8: {  	s9 =	sadd.s32 $0xFFFFFFFF, s6;
	[tilespmem:$0x10238] =	vst @p1 v0  }
0x1b9: {  	v0 =	vld.msk @!p1 [tilespmem:s9+$0xF218], $0x1;
	_ =	sdelay $0x1  }
0x1ba: {  	v1 =	vld.msk @!p1 [tilespmem:$0xF218], $0x1;
	_ =	sdelay $0x2  }
0x1bb: {  	p2 =	seq.s32 @!p1 s9, $0x0;
	v0 =	vbroadcast @!p1 v0, $0x0  }
0x1bc: {  	vm0 =	vmmov @!p1 $0x1;
	p2 =	por !p2, p1  }
0x1bd: {  	v1 =	vnsel @!p1 vm0, $0xFFFFFFFF, v1;
	vm0 =	vcmask @!p1 $0x308;
	v0 =	vpsel !p2, $0xFFFFFFFF, v0  }
0x1be: {  	p2 =	sne.s32 @!p1 s8, s7;
	v0 =	vsel @!p1 vm0, v1, v0  }
0x1bf: {  	s0 =	simm.s32 @!p1 $0xF238;
	s2 =	simm.s32 @!p1 $0x0;
	p3 =	por !p2, p1;
	[tilespmem:$0x10238] =	vst @!p1 v0  }
0x1c0: {  	[spmem:s2] =	stream.linear.scatter @!p1 [tilespmem:s0], [sflag:$0x1], $0x80, $0x38;
	[tilespmem:$0x1F6F8] =	vst v63  }
0x1c1: {  	s0 =	sshll.u32 @!p3 s9, $0x9  }
0x1c2: {  	s0 =	sshra.s32 @!p3 s0, $0x2  }
0x1c3: {  	s2 =	simm.s32 @!p3 $0x80;
	s0 =	sadd.s32 @!p3 $0xF238, s0  }
0x1c4: {  	[spmem:s2] =	stream.linear.scatter @!p3 [tilespmem:s0], [sflag:$0x1], $0x80, $0x38;
	[tilespmem:$0x1F6F8] =	vst v63  }
0x1c5: {  	s0 =	simm.s32 @!p3 $0x1  }
0x1c6: {  	_ =	swait.ge @!p3 [sflag:s0], $0x100  }
0x1c7: {  	p1 =	por p2, p1;
	[sflag:s0] =	ssyncset.done @!p3 $0x0  }
0x1c8: {  	[sflag:s0] =	ssyncadd.s32 @!p3 $0xFFFFFF00;
	s0 =	simm.s32 @!p1 $0x1  }
0x1c9: {  	_ =	swait.ge @!p1 [sflag:s0], $0x80  }
0x1ca: {  	s29 =	simm.s32 $0x10238;
	[sflag:s0] =	ssyncset.done @!p1 $0x0  }
0x1cb: {  	s30 =	simm.s32 $0x1000;
	s31 =	simm.s32 $0x1;
	[sflag:s0] =	ssyncadd.s32 @!p1 $0xFFFFFF80  }
0x1cc: {  	[spmem:s30] =	stream.linear.scatter [tilespmem:s29], [sflag:$0x1], $0x10, $0x38;
	[tilespmem:$0x1F6F8] =	vst v63  }
0x1cd: {  	_ =	swait.ge [sflag:s31], $0x10  }
0x1ce: {  	[sflag:s31] =	ssyncset.done $0x0  }
0x1cf: {  	p1 =	seq.s32 s15, $0x0;
	s8 =	rddreg [dreg:$0x2];
	[sflag:s31] =	ssyncadd.s32 $0xFFFFFFF0  }
0x1d0: {  	s2 =	sshll.u32 @p1 s8, $0xE;
	s7 =	rddreg [dreg:$0x3]  }
0x1d1: {  	s0 =	sadd.s32 @p1 $0x15C3C, s2;
	s2 =	sshll.u32 @p1 s7, $0x11  }
0x1d2: {  	_ =	sfence.stream.spmem;
	s0 =	sor.u32 @p1 s2, s0  }
0x1d3: {  	[sflag:s0] =	ssyncadd.remote.s32 @p1 $0x1;
	s0 =	simm.s32 @p1 $0x4  }
0x1d4: {  	s3 =	simm.s32 @!p1 $0x3C;
	s2 =	sand.u32 $0xFFFFFFFE, s8;
	_ =	swait.ge @p1 [sflag:s0], $0x22  }
0x1d5: {  	s4 =	simm.s32 @!p1 $0x0;
	s2 =	sadd.s32 @!p1 $0x4, s2;
	[sflag:s0] =	ssyncset.done @p1 $0x0  }
0x1d6: {  	s5 =	simm.s32 @!p1 $0x100;
	[sflag:s0] =	ssyncadd.s32 @p1 $0xFFFFFFDE;
	s0 =	sshll.u32 @!p1 s2, $0x1A  }
0x1d7: {  	s2 =	sshll.u32 @!p1 s2, $0xD;
	s0 =	sor.u32 @!p1 s0, s7;
	_ =	swait.eq @!p1 [sflag:s3], $0x1  }
0x1d8: {  	s2 =	sor.u32 @!p1 $0x1C04, s2;
	s3 =	simm.s32 @!p1 $0x1C03;
	s0 =	sor.u32 @!p1 $0x80004000, s0  }
0x1d9: {  	[spmem:s5], [sflag:s2] =	dma.general @!p1 [spmem:s4], [sflag:s3], length:$0x20, [dreg:$0x0], stride_count:$0x0, ici_dest:s0, dma_misc:DstOpCode:WRITE  }
0x1da: {  	p2 =	slt.s32 s9, $0x2;
	s4 =	simm.s32 @!p1 $0x200;
	s5 =	simm.s32 @!p1 $0x202  }
0x1db: {  	[spmem:s5], [sflag:s2] =	dma.general @!p1 [spmem:s4], [sflag:s3], length:$0x2, [dreg:$0x0], stride_count:$0x0, ici_dest:s0, dma_misc:DstOpCode:WRITE  }
.Ltmp27:
0x1dc: {  	s0 =	simm.s32 @!p1 $0x3;
	(pc) =	sbr.rel @p2 .LBB2_38-.Ltmp27, $4  }
0x1dd: {  	s2 =	sshll.u32 @!p1 s8, $0xE;
	_ =	swait.ge @!p1 [sflag:s0], $0x22  }
0x1de: {  	s3 =	sshll.u32 @!p1 s7, $0x11;
	s2 =	sadd.s32 @!p1 $0x11C3C, s2;
	[sflag:s0] =	ssyncset.done @!p1 $0x0  }
0x1df: {  	[sflag:s0] =	ssyncadd.s32 @!p1 $0xFFFFFFDE;
	s0 =	sor.u32 @!p1 s3, s2  }
0x1e0: {  	[sflag:s0] =	ssyncadd.remote.s32 @!p1 $0xFFFFFFFF;
	s0 =	simm.s32 $0x0  }
0x1e1: {  	s0 =	simm.s32 $0xF219  }
0x1e2: {  	v0 =	vld.msk [tilespmem:s0+$0x0], $0x1;
	_ =	sdelay $0x4  }
0x1e3: {  	(v2sf) =	vpush v0, $0x0;
	_ =	sdelay $0xb  }
0x1e4: {  	s31 =	sadd.s32 $0xFFFFFFFE, s6  }
0x1e5: {  	s0 =	sadd.s32 $0xFFFFFFFF, s31  }
0x1e6: {  	p2 =	sne.s32 s0, $0x0  }
.Ltmp28:
0x1e7: {  	s2 =	spop (v2sf);
	(pc) =	sbr.rel @!p2 .LBB2_37-.Ltmp28, $4  }
0x1e8: {  	s4 =	simm.s32 $0xF2B8;
	s7 =	simm.s32 $0x0;
	p1 =	sgt.u32 s2, $0x270F0  }
0x1e9: {  	s5 =	simm.s32 $0x0;
	s6 =	simm.s32 $0xF21A;
	s3 =	sand.u32 @!p1 $0x3FFF8, s2  }
0x1ea: {  	s2 =	sand.u32 @!p1 $0x7, s2;
	s7 =	simm.s32 @!p1 $0x200;
	s3 =	sadd.s32 @!p1 s1, s3  }
0x1eb: {  	[hbm4b:s3+s2] =	stream.linear.scatter @!p1 [tilespmem:s4], [sflag:$0x5], $0x80, $0x38;
	[tilespmem:$0x1F6F8] =	vst v63  }
.LBB2_36:
0x1ec: {  	v0 =	vld.msk [tilespmem:s6+$0x0], $0x1;
	s0 =	sadd.s32 $0xFFFFFFFF, s0;
	s5 =	sadd.s32 s5, s7  }
0x1ed: {  	p1 =	sne.s32 s0, $0x0;
	_ =	sdelay $0x3  }
0x1ee: {  	(v2sf) =	vpush v0, $0x0;
	_ =	sdelay $0xe  }
.Ltmp29:
0x1ef: {  	s2 =	spop (v2sf);
	(pc) =	sbr.rel @p1 .LBB2_36-.Ltmp29, $4  }
0x1f0: {  	s7 =	simm.s32 $0x0;
	p2 =	sgt.u32 s2, $0x270F0  }
0x1f1: {  	s4 =	sadd.s32 $0x80, s4;
	s7 =	simm.s32 @!p2 $0x200;
	s3 =	sand.u32 @!p2 $0x3FFF8, s2  }
0x1f2: {  	s6 =	sadd.s32 $0x1, s6;
	s2 =	sand.u32 @!p2 $0x7, s2;
	s3 =	sadd.s32 @!p2 s1, s3  }
0x1f3: {  	[hbm4b:s3+s2] =	stream.linear.scatter @!p2 [tilespmem:s4], [sflag:$0x5], $0x80, $0x38;
	[tilespmem:$0x1F6F8] =	vst v63  }
.LBB2_37:
0x1f4: {  	s0 =	sadd.s32 s5, s7  }
0x1f5: {  	s0 =	sshrl.u32 s0, $0x2  }
.LBB2_38:
0x1f6: {  	s2 =	simm.s32 $0x5  }
0x1f7: {  	_ =	swait.ge [sflag:s2], s0  }
0x1f8: {  	s31 =	ssub.s32 $0x0, s0;
	[sflag:s2] =	ssyncset.done $0x0  }
0x1f9: {  	[sflag:s2] =	ssyncadd.s32 s31  }
0x1fa: {  	[sflag:s2] =	ssyncpa.u1 $0x1  }
.LBB2_39:
0x1fb: {  	s0 =	sor.u32 s15, s16  }
0x1fc: {  	p1 =	sne.s32 s0, $0x0  }
.Ltmp30:
0x1fd: {  	_ = 	snop;
	(pc) =	sbr.rel @p1 .LBB2_54-.Ltmp30, $3  }
0x1fe: {  	_ =	sdelay $0x1  }
0x1ff: {  	[bflag:$0x0] =	sbarrier.arrive $0xFFFF  }
0x200: {  	_ =	sfence  }
0x201: {  	s0 =	simm.s32 $0x7  }
0x202: {  	s2 =	simm.s32 $0x1000;
	s3 =	simm.s32 $0xF218;
	[sflag:s0] =	ssyncpa.u1 $0x0  }
0x203: {  	[tilespmem:s3], [sflag:$0x7] =	stream.linear.gather [spmem:s2], $0x20, $0x38;
	[tilespmem:$0x1F6F8] =	vst v63  }
0x204: {  	s30 =	simm.s32 $0xF238;
	s2 =	simm.s32 $0x0  }
0x205: {  	[tilespmem:s30], [sflag:$0x7] =	stream.linear.gather [spmem:s2], $0x1000, $0x38;
	[tilespmem:$0x1F6F8] =	vst v63  }
.Ltmp31:
0x206: {  	_ = 	snop;
	(pc) =	sbr.rel .LBB2_41-.Ltmp31, $4  }
0x207: {  	_ =	swait.ge [sflag:s0], $0x1020  }
0x208: {  	[sflag:s0] =	ssyncset.done $0x0  }
0x209: {  	s31 =	simm.s32 $0x8;
	[sflag:s0] =	ssyncadd.s32 $0xFFFFEFE0  }
0x20a: {  	s3 =	simm.s32 $0x0;
	[sflag:s31] =	ssyncpa.u1 $0x0  }
.LBB2_47:
0x20b: {  	p1 =	slt.u32 s4, $0x270F1  }
0x20c: {  	s0 =	sand.u32 @p1 $0x3FFF8, s4  }
0x20d: {  	s4 =	sand.u32 @p1 $0x7, s4;
	s5 =	simm.s32 @p1 $0xF188;
	s0 =	sadd.s32 @p1 s1, s0  }
0x20e: {  	[tilespmem:s5], [sflag:$0x8] =	stream.linear.gather @p1 [hbm4b:s0+s4], $0x80, $0x38;
	[tilespmem:$0x1F6F8] =	vst v63  }
0x20f: {  	s0 =	simm.s32 @p1 $0x8  }
0x210: {  	_ =	swait.ge @p1 [sflag:s0], $0x80  }
0x211: {  	[sflag:s0] =	ssyncset.done @p1 $0x0  }
0x212: {  	[sflag:s0] =	ssyncadd.s32 @p1 $0xFFFFFF80  }
0x213: {  	v1 =	vld @p1 [tilespmem:$0xF188];
	_ =	sdelay $0x2  }
0x214: {  	s0 =	sshll.u32 @p1 s3, $0x9  }
0x215: {  	s4 =	sshrl.u32 @p1 s0, $0x2  }
0x216: {  	[tilespmem:s4+$0xF238] =	vst.add.f32.msk @p1 $0xffff, v1  }
0x217: {  	v1 =	vld @p1 [tilespmem:$0xF198];
	_ =	sdelay $0x4  }
0x218: {  	[tilespmem:s4+$0xF248] =	vst.add.f32.msk @p1 $0xffff, v1  }
0x219: {  	v1 =	vld @p1 [tilespmem:$0xF1A8];
	_ =	sdelay $0x4  }
0x21a: {  	[tilespmem:s4+$0xF258] =	vst.add.f32.msk @p1 $0xffff, v1  }
0x21b: {  	v1 =	vld @p1 [tilespmem:$0xF1B8];
	_ =	sdelay $0x4  }
0x21c: {  	[tilespmem:s4+$0xF268] =	vst.add.f32.msk @p1 $0xffff, v1  }
0x21d: {  	v1 =	vld @p1 [tilespmem:$0xF1C8];
	_ =	sdelay $0x4  }
0x21e: {  	[tilespmem:s4+$0xF278] =	vst.add.f32.msk @p1 $0xffff, v1  }
0x21f: {  	v1 =	vld @p1 [tilespmem:$0xF1D8];
	_ =	sdelay $0x4  }
0x220: {  	[tilespmem:s4+$0xF288] =	vst.add.f32.msk @p1 $0xffff, v1  }
0x221: {  	v1 =	vld @p1 [tilespmem:$0xF1E8];
	_ =	sdelay $0x4  }
0x222: {  	[tilespmem:s4+$0xF298] =	vst.add.f32.msk @p1 $0xffff, v1  }
0x223: {  	v1 =	vld @p1 [tilespmem:$0xF1F8];
	_ =	sdelay $0x3  }
0x224: {  	s5 =	sshll.u32 @!p1 s3, $0x9  }
0x225: {  	s5 =	smov.u32 @p1 s0;
	[tilespmem:s4+$0xF2A8] =	vst.add.f32.msk @p1 $0xffff, v1  }
0x226: {  	s0 =	sshrl.u32 s5, $0x2;
	[tilespmem:s2+$0xF218] =	vst.msk $0x1, v0  }
0x227: {  	v0 =	vld [tilespmem:s0+$0xF238];
	_ =	sdelay $0x2  }
0x228: {  	s31 =	sshll.u32 s2, $0x9  }
0x229: {  	s4 =	sshra.s32 s31, $0x2  }
0x22a: {  	[tilespmem:s4+$0xF238] =	vst v0  }
0x22b: {  	v0 =	vld [tilespmem:s0+$0xF248];
	_ =	sdelay $0x4  }
0x22c: {  	[tilespmem:s4+$0xF248] =	vst v0  }
0x22d: {  	v0 =	vld [tilespmem:s0+$0xF258];
	_ =	sdelay $0x4  }
0x22e: {  	[tilespmem:s4+$0xF258] =	vst v0  }
0x22f: {  	v0 =	vld [tilespmem:s0+$0xF268];
	_ =	sdelay $0x4  }
0x230: {  	[tilespmem:s4+$0xF268] =	vst v0  }
0x231: {  	v0 =	vld [tilespmem:s0+$0xF278];
	_ =	sdelay $0x4  }
0x232: {  	[tilespmem:s4+$0xF278] =	vst v0  }
0x233: {  	v0 =	vld [tilespmem:s0+$0xF288];
	_ =	sdelay $0x4  }
0x234: {  	[tilespmem:s4+$0xF288] =	vst v0  }
0x235: {  	v0 =	vld [tilespmem:s0+$0xF298];
	_ =	sdelay $0x4  }
0x236: {  	[tilespmem:s4+$0xF298] =	vst v0  }
0x237: {  	v0 =	vld [tilespmem:s0+$0xF2A8];
	_ =	sdelay $0x4  }
0x238: {  	s2 =	sadd.s32 $0x1, s2;
	[tilespmem:s4+$0xF2A8] =	vst v0  }
.LBB2_48:
0x239: {  	s3 =	sadd.s32 $0x1, s3  }
0x23a: {  	p1 =	sne.s32 s3, $0x20  }
.Ltmp32:
0x23b: {  	_ = 	snop;
	(pc) =	sbr.rel @!p1 .LBB2_49-.Ltmp32, $1  }
0x23c: {  	_ =	sdelay $0x3  }
.LBB2_41:
0x23d: {  	v0 =	vld.msk [tilespmem:s3+$0xF218], $0x1;
	_ =	sdelay $0x4  }
0x23e: {  	(v2sf) =	vpush v0, $0x0;
	_ =	sdelay $0xe  }
0x23f: {  	s4 =	spop (v2sf)  }
0x240: {  	p1 =	seq.s32 s4, $0xFFFFFFFF  }
.Ltmp33:
0x241: {  	_ = 	snop;
	(pc) =	sbr.rel @p1 .LBB2_48-.Ltmp33, $1  }
0x242: {  	_ =	sdelay $0x3  }
0x243: {  	p1 =	slt.s32 s2, $0x1  }
.Ltmp34:
0x244: {  	_ = 	snop;
	(pc) =	sbr.rel @p1 .LBB2_47-.Ltmp34, $1  }
0x245: {  	_ =	sdelay $0x3  }
0x246: {  	s5 =	simm.s32 $0xF218;
	p1 =	por $0x0, $0x0  }
0x247: {  	v1 =	vld.msk @!p1 [tilespmem:s5+$0x0], $0x1;
	_ =	sdelay $0x4  }
0x248: {  	(v2sf) =	vpush @!p1 v1, $0x0;
	_ =	sdelay $0xd  }
0x249: {  	p3 =	sne.s32 s2, $0x1  }
.Ltmp35:
0x24a: {  	s0 =	spop @!p1 (v2sf);
	(pc) =	sbr.rel @!p3 .LBB2_45-.Ltmp35, $4  }
0x24b: {  	p2 =	seq.s32 @!p1 s4, s0  }
0x24c: {  	s6 =	simm.s32 $0x0;
	p2 =	por !p2, p1  }
0x24d: {  	s7 =	simm.s32 $0xFFFFFFFF;
	s6 =	simm.s32 @p2 $0xFFFFFFFF  }
0x24e: {  	s0 =	simm.s32 $0x1;
	s6 =	smov.u32 @p1 s7  }
.LBB2_44:
0x24f: {  	s7 =	smov.u32 s6;
	p1 =	sne.s32 s6, $0xFFFFFFFF  }
0x250: {  	s5 =	sadd.s32 $0x1, s5;
	s6 =	smov.u32 s0;
	s0 =	sadd.s32 $0x1, s0  }
0x251: {  	p2 =	sne.s32 s2, s0;
	v1 =	vld.msk @!p1 [tilespmem:s5+$0x0], $0x1;
	_ =	sdelay $0x4  }
0x252: {  	(v2sf) =	vpush @!p1 v1, $0x0;
	_ =	sdelay $0xe  }
.Ltmp36:
0x253: {  	s8 =	spop @!p1 (v2sf);
	(pc) =	sbr.rel @p2 .LBB2_44-.Ltmp36, $4  }
0x254: {  	p3 =	seq.s32 @!p1 s4, s8  }
0x255: {  	p3 =	por !p3, p1  }
0x256: {  	s6 =	simm.s32 @p3 $0xFFFFFFFF  }
0x257: {  	s6 =	smov.u32 @p1 s7  }
.LBB2_45:
0x258: {  	p1 =	seq.s32 s6, $0xFFFFFFFF  }
.Ltmp37:
0x259: {  	_ = 	snop;
	(pc) =	sbr.rel @p1 .LBB2_47-.Ltmp37, $1  }
0x25a: {  	_ =	sdelay $0x3  }
0x25b: {  	s0 =	sshll.u32 s3, $0x7  }
0x25c: {  	s0 =	sand.u32 $0x3FFFFF80, s0  }
0x25d: {  	v0 =	vld [tilespmem:s0+$0xF238];
	_ =	sdelay $0x2  }
0x25e: {  	s4 =	sshll.u32 s6, $0x9  }
0x25f: {  	s4 =	sshra.s32 s4, $0x2  }
0x260: {  	[tilespmem:s4+$0xF238] =	vst.add.f32.msk $0xffff, v0  }
0x261: {  	v0 =	vld [tilespmem:s0+$0xF248];
	_ =	sdelay $0x4  }
0x262: {  	[tilespmem:s4+$0xF248] =	vst.add.f32.msk $0xffff, v0  }
0x263: {  	v0 =	vld [tilespmem:s0+$0xF258];
	_ =	sdelay $0x4  }
0x264: {  	[tilespmem:s4+$0xF258] =	vst.add.f32.msk $0xffff, v0  }
0x265: {  	v0 =	vld [tilespmem:s0+$0xF268];
	_ =	sdelay $0x4  }
0x266: {  	[tilespmem:s4+$0xF268] =	vst.add.f32.msk $0xffff, v0  }
0x267: {  	v0 =	vld [tilespmem:s0+$0xF278];
	_ =	sdelay $0x4  }
0x268: {  	[tilespmem:s4+$0xF278] =	vst.add.f32.msk $0xffff, v0  }
0x269: {  	v0 =	vld [tilespmem:s0+$0xF288];
	_ =	sdelay $0x4  }
0x26a: {  	[tilespmem:s4+$0xF288] =	vst.add.f32.msk $0xffff, v0  }
0x26b: {  	v0 =	vld [tilespmem:s0+$0xF298];
	_ =	sdelay $0x4  }
0x26c: {  	[tilespmem:s4+$0xF298] =	vst.add.f32.msk $0xffff, v0  }
0x26d: {  	v0 =	vld [tilespmem:s0+$0xF2A8]  }
.Ltmp38:
0x26e: {  	_ = 	snop;
	(pc) =	sbr.rel .LBB2_48-.Ltmp38, $2  }
0x26f: {  	_ =	sdelay $0x2  }
0x270: {  	[tilespmem:s4+$0xF2A8] =	vst.add.f32.msk $0xffff, v0  }
.LBB2_49:
0x271: {  	p1 =	slt.s32 s2, $0x1  }
.Ltmp39:
0x272: {  	_ = 	snop;
	(pc) =	sbr.rel @p1 .LBB2_53-.Ltmp39, $3  }
0x273: {  	_ =	sdelay $0x1  }
0x274: {  	s0 =	simm.s32 $0x8  }
0x275: {  	s3 =	simm.s32 $0x0;
	[sflag:s0] =	ssyncpa.u1 $0x1  }
0x276: {  	s0 =	simm.s32 $0xF218  }
0x277: {  	v0 =	vld.msk [tilespmem:s0+$0x0], $0x1;
	_ =	sdelay $0x4  }
0x278: {  	(v2sf) =	vpush v0, $0x0;
	_ =	sdelay $0xe  }
0x279: {  	s0 =	sadd.s32 $0xFFFFFFFF, s2;
	s5 =	spop (v2sf)  }
0x27a: {  	p2 =	sne.s32 s0, $0x0;
	p1 =	sgt.u32 s5, $0x270F0  }
.Ltmp40:
0x27b: {  	s6 =	sand.u32 @!p1 $0x3FFF8, s5;
	(pc) =	sbr.rel @!p2 .LBB2_52-.Ltmp40, $4  }
0x27c: {  	s4 =	simm.s32 $0xF238;
	s5 =	sand.u32 @!p1 $0x7, s5;
	s2 =	sadd.s32 @!p1 s1, s6  }
0x27d: {  	[hbm4b:s2+s5] =	stream.linear.scatter @!p1 [tilespmem:s4], [sflag:$0x7], $0x80, $0x38;
	[tilespmem:$0x1F6F8] =	vst v63  }
0x27e: {  	s5 =	simm.s32 $0x0  }
0x27f: {  	s2 =	simm.s32 $0xF219;
	s5 =	simm.s32 @!p1 $0x200  }
.LBB2_51:
0x280: {  	v0 =	vld.msk [tilespmem:s2+$0x0], $0x1;
	s0 =	sadd.s32 $0xFFFFFFFF, s0;
	s3 =	sadd.s32 s3, s5  }
0x281: {  	p1 =	sne.s32 s0, $0x0;
	_ =	sdelay $0x3  }
0x282: {  	(v2sf) =	vpush v0, $0x0;
	_ =	sdelay $0xe  }
.Ltmp41:
0x283: {  	s6 =	spop (v2sf);
	(pc) =	sbr.rel @p1 .LBB2_51-.Ltmp41, $4  }
0x284: {  	s5 =	simm.s32 $0x0;
	p2 =	sgt.u32 s6, $0x270F0  }
0x285: {  	s4 =	sadd.s32 $0x80, s4;
	s5 =	simm.s32 @!p2 $0x200;
	s7 =	sand.u32 @!p2 $0x3FFF8, s6  }
0x286: {  	s2 =	sadd.s32 $0x1, s2;
	s6 =	sand.u32 @!p2 $0x7, s6;
	s7 =	sadd.s32 @!p2 s1, s7  }
0x287: {  	[hbm4b:s7+s6] =	stream.linear.scatter @!p2 [tilespmem:s4], [sflag:$0x7], $0x80, $0x38;
	[tilespmem:$0x1F6F8] =	vst v63  }
.LBB2_52:
0x288: {  	s0 =	sadd.s32 s3, s5  }
0x289: {  	s3 =	sshrl.u32 s0, $0x2  }
.LBB2_53:
0x28a: {  	s0 =	simm.s32 $0x7  }
0x28b: {  	_ =	swait.ge [sflag:s0], s3  }
0x28c: {  	s1 =	ssub.s32 $0x0, s3;
	[sflag:s0] =	ssyncset.done $0x0  }
0x28d: {  	[sflag:s0] =	ssyncadd.s32 s1  }
0x28e: {  	[sflag:s0] =	ssyncpa.u1 $0x1  }
.LBB2_54:
0x28f: {  	_ =	sfence;
	s0 =	simm.s32 $0x1  }
0x290: {  	[sflag:s0] =	ssyncpa.u1 $0x1  }
0x291: {  	_ =	strace $0x9000004A  }
0x292: {  	[bflag:$0x2] =	sbarrier.arrive $0xFFFF  }
0x293: {  	s0 =	rddreg [dreg:$0x4]  }
0x294: {  	s0 =	sadd.s32 @!p0 $0x100000, s0  }
0x295: {  	[sflag:s0] =	ssyncadd.tile.s32 @!p0 $0x1;
	_ =	shalt  }
.Lfunc_end2:
_tile_overlayer_lowered:
.L_overlay_start_2:
0x296: {  	(tag) =	ssettag $0x2  }
0x297: {  	s0 =	rddreg [dreg:$0x0];
	s2 =	stileid.u32  }
0x298: {  	s1 =	rddreg [dreg:$0x1];
	p0 =	sne.s32 s2, $0x0  }
0x299: {  	s3 =	rddreg [dreg:$0x2];
	[bflag:$0x3] =	sbarrier.arrive $0xFFFF;
	s2 =	simm.s32 @!p0 $0x1C01  }
0x29a: {  	[timem:s3], [sflag:s2] =	dma.local @!p0 [hbm:s0], s1  }
0x29b: {  	s0 =	simm.s32 @!p0 $0x1  }
0x29c: {  	_ =	swait.ge @!p0 [sflag:s0], s1  }
0x29d: {  	s1 =	ssub.s32 @!p0 $0x0, s1;
	[sflag:s0] =	ssyncset.done @!p0 $0x0  }
0x29e: {  	[sflag:s0] =	ssyncadd.s32 @!p0 s1  }
0x29f: {  	[bflag:$0x3] =	sbarrier.arrive $0xFFFF  }
0x2a0: {  	_ =	shalt  }

</sc_bundles>
